<compile_context>
chip_gen: v7x
topology: tpu7x:2x2x1
jax: 0.10.2.dev20260603
libtpu: 0.0.44.dev20260713+nightly
codegen_flags: <defaults>
</compile_context>

<pallas_src>
import functools
import math

import jax
import jax.numpy as jnp
from jax import lax
from jax.experimental import pallas as pl
from jax.experimental.pallas import tpu as pltpu
from jax.experimental.pallas import tpu_sc as plsc

B = 128
E = 8192
K = math.ceil(0.05 * E)

NC = 2
NS = 16
L = 16
NW = NC * NS
RPW = B // NW
NCHUNK = E // L
UNROLL = 4

INT_MIN = -(2 ** 31)
ONE_BITS = 0x3F800000

_mesh = plsc.VectorSubcoreMesh(
    core_axis_name="c", subcore_axis_name="s", num_cores=NC, num_subcores=NS
)


def _build(interpret=False):
    return functools.partial(
        pl.kernel,
        out_type=jax.ShapeDtypeStruct((B * E,), jnp.int32),
        mesh=_mesh,
        scratch_types=[
            pltpu.VMEM((E,), jnp.int32),
            pltpu.VMEM((E,), jnp.int32),
            pltpu.VMEM((256 * L,), jnp.int32),
            pltpu.VMEM((256,), jnp.int32),
        ],
        compiler_params=pltpu.CompilerParams(needs_layout_passes=False),
        interpret=interpret,
    )(_kwta_body)


def _kwta_body(x_hbm, out_hbm, d_ref, cand_ref, hist_ref, tots_ref):
    wid = lax.axis_index("s") * NC + lax.axis_index("c")
    lanes = lax.iota(jnp.int32, L)
    zeros16 = lax.full((L,), 0, jnp.int32)
    ones16 = lax.full((L,), 1, jnp.int32)

    def _clear(i, c):
        hist_ref[pl.ds(i * L, L)] = zeros16
        return c

    lax.fori_loop(0, 256, _clear, 0)

    def _shrl(v, amount):
        return lax.shift_right_logical(v, lax.full_like(v, amount))

    def _merge256_and_scan(r):
        def _merge(j, c):
            acc = zeros16
            bidx = (j * 16 + lanes) * L
            for l in range(L):
                acc = acc + plsc.load_gather(hist_ref, [bidx + l])
            for l in range(L):
                hist_ref[pl.ds(j * 256 + l * L, L)] = zeros16
            tots_ref[pl.ds(j * 16, 16)] = acc
            return c

        lax.fori_loop(0, 16, _merge, 0)

        def _scan(jj, c):
            nb, above, base = c
            j = 15 - jj
            v = tots_ref[pl.ds(j * 16, 16)]
            rev = lax.rev(v, (0,))
            csum = plsc.cumsum(rev) + base
            ge = csum >= r
            nb = nb + jnp.sum(ge.astype(jnp.int32))
            above = above + jnp.sum(jnp.where(ge, 0, rev))
            base = base + jnp.sum(v)
            return nb, above, base

        nb, above, _ = lax.fori_loop(
            0, 16, _scan, (jnp.int32(0), jnp.int32(0), jnp.int32(0))
        )
        return nb - 1, above

    def _row_body(ri, carry):
        row = wid * RPW + ri
        pltpu.sync_copy(x_hbm.at[pl.ds(row * E, E)], d_ref)

        def _fill0(i, c):
            for s in range(UNROLL):
                off = (i * UNROLL + s) * L
                v = d_ref[pl.ds(off, L)]
                neg = lax.shift_right_arithmetic(v, lax.full_like(v, 31))
                u = v ^ (neg | INT_MIN)
                d_ref[pl.ds(off, L)] = u
                byte = _shrl(u, 24)
                plsc.addupdate_scatter(hist_ref, [byte * L + lanes], ones16)
            return c

        lax.fori_loop(0, NCHUNK // UNROLL, _fill0, 0)

        b1, above = _merge256_and_scan(jnp.int32(K))
        r = jnp.int32(K) - above

        def _fill1(i, cnt):
            for s in range(UNROLL):
                off = (i * UNROLL + s) * L
                u = d_ref[pl.ds(off, L)]
                act = _shrl(u, 24) == b1
                byte = _shrl(u, 16) & 0xFF
                plsc.addupdate_scatter(
                    hist_ref, [byte * L + lanes], ones16, mask=act
                )
                plsc.store_scatter(
                    cand_ref, [cnt * L + lanes], u, mask=act
                )
                cnt = cnt + act.astype(jnp.int32)
            return cnt

        cnt = lax.fori_loop(0, NCHUNK // UNROLL, _fill1, zeros16)

        b2, above = _merge256_and_scan(r)
        prefix = (b1 << 8) | b2
        r = r - above
        m = lax.reduce_max(cnt, axes=(0,))

        for q in range(4):
            pshift = 16 - 4 * q
            bshift = pshift - 4

            def _fillq(j, c, pshift=pshift, bshift=bshift, prefix=prefix):
                u = cand_ref[pl.ds(j * L, L)]
                act = (_shrl(u, pshift) == prefix) & (j < cnt)
                nib = _shrl(u, bshift) & 0xF
                plsc.addupdate_scatter(
                    hist_ref, [nib * L + lanes], ones16, mask=act
                )
                return c

            lax.fori_loop(0, m, _fillq, 0)

            acc = zeros16
            for l in range(L):
                acc = acc + plsc.load_gather(hist_ref, [lanes * L + l])
            for l in range(L):
                hist_ref[pl.ds(l * L, L)] = zeros16
            rev = lax.rev(acc, (0,))
            csum = plsc.cumsum(rev)
            ge = csum >= r
            nb = jnp.sum(ge.astype(jnp.int32))
            above = jnp.sum(jnp.where(ge, 0, rev))
            prefix = (prefix << 4) | (nb - 1)
            r = r - above

        t_signed = prefix ^ INT_MIN

        def _mask(i, c):
            for s in range(UNROLL):
                off = (i * UNROLL + s) * L
                u = d_ref[pl.ds(off, L)]
                keep = (u ^ INT_MIN) >= t_signed
                d_ref[pl.ds(off, L)] = jnp.where(
                    keep, jnp.int32(ONE_BITS), jnp.int32(0)
                )
            return c

        lax.fori_loop(0, NCHUNK // UNROLL, _mask, 0)
        pltpu.sync_copy(d_ref, out_hbm.at[pl.ds(row * E, E)])
        return carry

    lax.fori_loop(0, RPW, _row_body, 0)


_kwta_sc = _build()


def kernel(x):
    xbits = lax.bitcast_convert_type(x, jnp.int32).reshape(-1)
    out = _kwta_sc(xbits)
    return lax.bitcast_convert_type(out.reshape(x.shape), jnp.float32)

# --- scband reference (transcript-rebuilt; emitter-appended) ---
"""Pipeline reference for scband-kwinners-take-all-9328668967564 (READ-ONLY COPY).

The authoritative reference and input builder live on the scoring server;
editing this copy changes nothing except your own understanding.
"""

import jax, jax.numpy as jnp
import numpy as np
import math

SPARSITY = 0.05

def setup_inputs(seed: int = 0) -> dict:
    key = jax.random.key(seed)
    x = jax.random.normal(key, (128, 8192), dtype=jnp.float32)
    return {"x": x}

def reference(x):
    # KWinnersTakeAll forward: per-row top-k entries set to 1, rest to 0.
    batch_size, embedding_size = x.shape
    k_active = math.ceil(SPARSITY * embedding_size)
    # descending sort -> take top-k indices (matches torch sort(descending=True)[:, :k])
    _, active_indices = jax.lax.top_k(x, k_active)
    rows = jnp.arange(batch_size)[:, None]
    out = jnp.zeros_like(x).at[rows, active_indices].set(1.0)
    return out

if __name__ == "__main__":
    import jax
    _d = setup_inputs()
    print(jax.jit(kernel)(*tuple(_d.values())))

</pallas_src>

<mosaic_0001>
#map = affine_map<(d0, d1) -> (0)>
module attributes {stable_mosaic.version = 14 : i64} {
  func.func @_kwta_body(%arg0: i32, %arg1: i32, %arg2: memref<1048576xi32, #tpu.memory_space<hbm>>, %arg3: memref<1048576xi32, #tpu.memory_space<hbm>>, %arg4: memref<8192xi32, #tpu.memory_space<vmem>>, %arg5: memref<8192xi32, #tpu.memory_space<vmem>>, %arg6: memref<4096xi32, #tpu.memory_space<vmem>>, %arg7: memref<256xi32, #tpu.memory_space<vmem>>) attributes {dimension_semantics = [#tpu.dimension_semantics<core_parallel>, #tpu.dimension_semantics<subcore_parallel>], iteration_bounds = array<i64: 2, 16>, scalar_prefetch = 0 : i64, scratch_operands = 4 : i64, tpu.core_type = #tpu.core_type<sc_vector_subcore>, window_params = [{transform_indices = #map}, {transform_indices = #map}]} {
    %mul3A = arith.constant 2 : i32
    %mul3A_0 = arith.muli %arg1, %mul3A : i32
    %add3A = arith.addi %mul3A_0, %arg0 : i32
    %iota3A = tpu.iota {dimensions = array<i32: 0>} : vector<16xi32>
    %broadcast_in_dim3A = arith.constant 0 : i32
    %broadcast_in_dim3A_1 = vector.broadcast %broadcast_in_dim3A : i32 to vector<16xi32>
    %broadcast_in_dim3A_2 = arith.constant 1 : i32
    %broadcast_in_dim3A_3 = vector.broadcast %broadcast_in_dim3A_2 : i32 to vector<16xi32>
    %scan3A = arith.constant 0 : i32
    %scan3A_4 = arith.constant 0 : i32
    %scan3A_5 = arith.constant 256 : i32
    %scan3A_6 = arith.addi %scan3A_4, %scan3A_5 : i32
    %scan3A_7 = arith.constant 1 : i32
    scf.for %scan3A_15 = %scan3A_4 to %scan3A_6 step %scan3A_7  : i32 {
      %mul3A_16 = arith.constant 16 : i32
      %mul3A_17 = arith.muli %scan3A_15, %mul3A_16 : i32
      %swap3A = arith.index_cast %mul3A_17 : i32 to index
      %swap3A_18 = tpu.vector_load %arg6[%swap3A] {strides = array<i32>} : memref<4096xi32, #tpu.memory_space<vmem>>, vector<16xi32>,
      tpu.vector_store %arg6[%swap3A], %broadcast_in_dim3A_1 {strides = array<i32>} : memref<4096xi32, #tpu.memory_space<vmem>>, vector<16xi32>,
    }
    %scan3A_8 = arith.constant 256 : i32
    %scan3A_9 = arith.constant 0 : i32
    %scan3A_10 = arith.constant 0 : i32
    %scan3A_11 = arith.constant 4 : i32
    %scan3A_12 = arith.addi %scan3A_10, %scan3A_11 : i32
    %scan3A_13 = arith.constant 1 : i32
    scf.for %scan3A_15 = %scan3A_10 to %scan3A_12 step %scan3A_13  : i32 {
      %mul3A_16 = arith.constant 4 : i32
      %mul3A_17 = arith.muli %add3A, %mul3A_16 : i32
      %add3A_18 = arith.addi %mul3A_17, %scan3A_15 : i32
      %mul3A_19 = arith.constant 8192 : i32
      %mul3A_20 = arith.muli %add3A_18, %mul3A_19 : i32
      "tpu.region"() ({
        %run_scoped3A = tpu.sem_alloc : memref<!tpu.dma_semaphore, #tpu.memory_space<semaphore_mem>>
        %dma_start3A = tpu.memref_slice %arg2[%mul3A_20] : memref<1048576xi32, #tpu.memory_space<hbm>> -> memref<8192xi32, #tpu.memory_space<hbm>>
        %dma_start3A_869 = tpu.memref_slice %arg2[%mul3A_20] : memref<1048576xi32, #tpu.memory_space<hbm>> -> memref<8192xi32, #tpu.memory_space<hbm>>
        tpu.enqueue_dma source(%dma_start3A_869 : memref<8192xi32, #tpu.memory_space<hbm>>) target(%arg4 : memref<8192xi32, #tpu.memory_space<vmem>>) target_semaphore(%run_scoped3A : memref<!tpu.dma_semaphore, #tpu.memory_space<semaphore_mem>>)
        %dma_wait3A = tpu.memref_slice %arg2[%mul3A_20] : memref<1048576xi32, #tpu.memory_space<hbm>> -> memref<8192xi32, #tpu.memory_space<hbm>>
        %dma_wait3A_870 = tpu.memref_slice %arg2[%mul3A_20] : memref<1048576xi32, #tpu.memory_space<hbm>> -> memref<8192xi32, #tpu.memory_space<hbm>>
        tpu.wait_dma2 semaphore(%run_scoped3A : memref<!tpu.dma_semaphore, #tpu.memory_space<semaphore_mem>>) src(%dma_wait3A_870 : memref<8192xi32, #tpu.memory_space<hbm>>) dst(%arg4 : memref<8192xi32, #tpu.memory_space<vmem>>)
        tpu.yield
      }) : () -> ()
      %scan3A_21 = arith.constant 0 : i32
      %scan3A_22 = arith.constant 0 : i32
      %scan3A_23 = arith.constant 128 : i32
      %scan3A_24 = arith.addi %scan3A_22, %scan3A_23 : i32
      %scan3A_25 = arith.constant 1 : i32
      scf.for %scan3A_869 = %scan3A_22 to %scan3A_24 step %scan3A_25  : i32 {
        %mul3A_870 = arith.constant 4 : i32
        %mul3A_871 = arith.muli %scan3A_869, %mul3A_870 : i32
        %add3A_872 = arith.constant 0 : i32
        %add3A_873 = arith.addi %mul3A_871, %add3A_872 : i32
        %mul3A_874 = arith.constant 16 : i32
        %mul3A_875 = arith.muli %add3A_873, %mul3A_874 : i32
        %get3A = arith.index_cast %mul3A_875 : i32 to index
        %get3A_876 = tpu.vector_load %arg4[%get3A] {strides = array<i32>} : memref<8192xi32, #tpu.memory_space<vmem>>, vector<16xi32>,
        %broadcast_in_dim3A_877 = arith.constant 31 : i32
        %broadcast_in_dim3A_878 = vector.broadcast %broadcast_in_dim3A_877 : i32 to vector<16xi32>
        %shift_right_arithmetic3A = arith.shrsi %get3A_876, %broadcast_in_dim3A_878 : vector<16xi32>
        %or3A_879 = arith.constant -2147483648 : i32
        %or3A_880 = vector.broadcast %or3A_879 : i32 to vector<16xi32>
        %or3A_881 = arith.ori %shift_right_arithmetic3A, %or3A_880 : vector<16xi32>
        %xor3A_882 = arith.xori %get3A_876, %or3A_881 : vector<16xi32>
        %swap3A_883 = arith.index_cast %mul3A_875 : i32 to index
        %swap3A_884 = tpu.vector_load %arg4[%swap3A_883] {strides = array<i32>} : memref<8192xi32, #tpu.memory_space<vmem>>, vector<16xi32>,
        tpu.vector_store %arg4[%swap3A_883], %xor3A_882 {strides = array<i32>} : memref<8192xi32, #tpu.memory_space<vmem>>, vector<16xi32>,
        %broadcast_in_dim3A_885 = arith.constant 24 : i32
        %broadcast_in_dim3A_886 = vector.broadcast %broadcast_in_dim3A_885 : i32 to vector<16xi32>
        %shift_right_logical3A = arith.shrui %xor3A_882, %broadcast_in_dim3A_886 : vector<16xi32>
        %mul3A_887 = arith.constant 16 : i32
        %mul3A_888 = vector.broadcast %mul3A_887 : i32 to vector<16xi32>
        %mul3A_889 = arith.muli %shift_right_logical3A, %mul3A_888 : vector<16xi32>
        %add3A_890 = arith.addi %mul3A_889, %iota3A : vector<16xi32>
        tpu.vector_store_idx %arg6[%add3A_890], %broadcast_in_dim3A_3 {add = true} : memref<4096xi32, #tpu.memory_space<vmem>>[vector<16xi32>], vector<16xi32>,
        %mul3A_891 = arith.constant 4 : i32
        %mul3A_892 = arith.muli %scan3A_869, %mul3A_891 : i32
        %add3A_893 = arith.constant 1 : i32
        %add3A_894 = arith.addi %mul3A_892, %add3A_893 : i32
        %mul3A_895 = arith.constant 16 : i32
        %mul3A_896 = arith.muli %add3A_894, %mul3A_895 : i32
        %get3A_897 = arith.index_cast %mul3A_896 : i32 to index
        %get3A_898 = tpu.vector_load %arg4[%get3A_897] {strides = array<i32>} : memref<8192xi32, #tpu.memory_space<vmem>>, vector<16xi32>,
        %broadcast_in_dim3A_899 = arith.constant 31 : i32
        %broadcast_in_dim3A_900 = vector.broadcast %broadcast_in_dim3A_899 : i32 to vector<16xi32>
        %shift_right_arithmetic3A_901 = arith.shrsi %get3A_898, %broadcast_in_dim3A_900 : vector<16xi32>
        %or3A_902 = arith.constant -2147483648 : i32
        %or3A_903 = vector.broadcast %or3A_902 : i32 to vector<16xi32>
        %or3A_904 = arith.ori %shift_right_arithmetic3A_901, %or3A_903 : vector<16xi32>
        %xor3A_905 = arith.xori %get3A_898, %or3A_904 : vector<16xi32>
        %swap3A_906 = arith.index_cast %mul3A_896 : i32 to index
        %swap3A_907 = tpu.vector_load %arg4[%swap3A_906] {strides = array<i32>} : memref<8192xi32, #tpu.memory_space<vmem>>, vector<16xi32>,
        tpu.vector_store %arg4[%swap3A_906], %xor3A_905 {strides = array<i32>} : memref<8192xi32, #tpu.memory_space<vmem>>, vector<16xi32>,
        %broadcast_in_dim3A_908 = arith.constant 24 : i32
        %broadcast_in_dim3A_909 = vector.broadcast %broadcast_in_dim3A_908 : i32 to vector<16xi32>
        %shift_right_logical3A_910 = arith.shrui %xor3A_905, %broadcast_in_dim3A_909 : vector<16xi32>
        %mul3A_911 = arith.constant 16 : i32
        %mul3A_912 = vector.broadcast %mul3A_911 : i32 to vector<16xi32>
        %mul3A_913 = arith.muli %shift_right_logical3A_910, %mul3A_912 : vector<16xi32>
        %add3A_914 = arith.addi %mul3A_913, %iota3A : vector<16xi32>
        tpu.vector_store_idx %arg6[%add3A_914], %broadcast_in_dim3A_3 {add = true} : memref<4096xi32, #tpu.memory_space<vmem>>[vector<16xi32>], vector<16xi32>,
        %mul3A_915 = arith.constant 4 : i32
        %mul3A_916 = arith.muli %scan3A_869, %mul3A_915 : i32
        %add3A_917 = arith.constant 2 : i32
        %add3A_918 = arith.addi %mul3A_916, %add3A_917 : i32
        %mul3A_919 = arith.constant 16 : i32
        %mul3A_920 = arith.muli %add3A_918, %mul3A_919 : i32
        %get3A_921 = arith.index_cast %mul3A_920 : i32 to index
        %get3A_922 = tpu.vector_load %arg4[%get3A_921] {strides = array<i32>} : memref<8192xi32, #tpu.memory_space<vmem>>, vector<16xi32>,
        %broadcast_in_dim3A_923 = arith.constant 31 : i32
        %broadcast_in_dim3A_924 = vector.broadcast %broadcast_in_dim3A_923 : i32 to vector<16xi32>
        %shift_right_arithmetic3A_925 = arith.shrsi %get3A_922, %broadcast_in_dim3A_924 : vector<16xi32>
        %or3A_926 = arith.constant -2147483648 : i32
        %or3A_927 = vector.broadcast %or3A_926 : i32 to vector<16xi32>
        %or3A_928 = arith.ori %shift_right_arithmetic3A_925, %or3A_927 : vector<16xi32>
        %xor3A_929 = arith.xori %get3A_922, %or3A_928 : vector<16xi32>
        %swap3A_930 = arith.index_cast %mul3A_920 : i32 to index
        %swap3A_931 = tpu.vector_load %arg4[%swap3A_930] {strides = array<i32>} : memref<8192xi32, #tpu.memory_space<vmem>>, vector<16xi32>,
        tpu.vector_store %arg4[%swap3A_930], %xor3A_929 {strides = array<i32>} : memref<8192xi32, #tpu.memory_space<vmem>>, vector<16xi32>,
        %broadcast_in_dim3A_932 = arith.constant 24 : i32
        %broadcast_in_dim3A_933 = vector.broadcast %broadcast_in_dim3A_932 : i32 to vector<16xi32>
        %shift_right_logical3A_934 = arith.shrui %xor3A_929, %broadcast_in_dim3A_933 : vector<16xi32>
        %mul3A_935 = arith.constant 16 : i32
        %mul3A_936 = vector.broadcast %mul3A_935 : i32 to vector<16xi32>
        %mul3A_937 = arith.muli %shift_right_logical3A_934, %mul3A_936 : vector<16xi32>
        %add3A_938 = arith.addi %mul3A_937, %iota3A : vector<16xi32>
        tpu.vector_store_idx %arg6[%add3A_938], %broadcast_in_dim3A_3 {add = true} : memref<4096xi32, #tpu.memory_space<vmem>>[vector<16xi32>], vector<16xi32>,
        %mul3A_939 = arith.constant 4 : i32
        %mul3A_940 = arith.muli %scan3A_869, %mul3A_939 : i32
        %add3A_941 = arith.constant 3 : i32
        %add3A_942 = arith.addi %mul3A_940, %add3A_941 : i32
        %mul3A_943 = arith.constant 16 : i32
        %mul3A_944 = arith.muli %add3A_942, %mul3A_943 : i32
        %get3A_945 = arith.index_cast %mul3A_944 : i32 to index
        %get3A_946 = tpu.vector_load %arg4[%get3A_945] {strides = array<i32>} : memref<8192xi32, #tpu.memory_space<vmem>>, vector<16xi32>,
        %broadcast_in_dim3A_947 = arith.constant 31 : i32
        %broadcast_in_dim3A_948 = vector.broadcast %broadcast_in_dim3A_947 : i32 to vector<16xi32>
        %shift_right_arithmetic3A_949 = arith.shrsi %get3A_946, %broadcast_in_dim3A_948 : vector<16xi32>
        %or3A_950 = arith.constant -2147483648 : i32
        %or3A_951 = vector.broadcast %or3A_950 : i32 to vector<16xi32>
        %or3A_952 = arith.ori %shift_right_arithmetic3A_949, %or3A_951 : vector<16xi32>
        %xor3A_953 = arith.xori %get3A_946, %or3A_952 : vector<16xi32>
        %swap3A_954 = arith.index_cast %mul3A_944 : i32 to index
        %swap3A_955 = tpu.vector_load %arg4[%swap3A_954] {strides = array<i32>} : memref<8192xi32, #tpu.memory_space<vmem>>, vector<16xi32>,
        tpu.vector_store %arg4[%swap3A_954], %xor3A_953 {strides = array<i32>} : memref<8192xi32, #tpu.memory_space<vmem>>, vector<16xi32>,
        %broadcast_in_dim3A_956 = arith.constant 24 : i32
        %broadcast_in_dim3A_957 = vector.broadcast %broadcast_in_dim3A_956 : i32 to vector<16xi32>
        %shift_right_logical3A_958 = arith.shrui %xor3A_953, %broadcast_in_dim3A_957 : vector<16xi32>
        %mul3A_959 = arith.constant 16 : i32
        %mul3A_960 = vector.broadcast %mul3A_959 : i32 to vector<16xi32>
        %mul3A_961 = arith.muli %shift_right_logical3A_958, %mul3A_960 : vector<16xi32>
        %add3A_962 = arith.addi %mul3A_961, %iota3A : vector<16xi32>
        tpu.vector_store_idx %arg6[%add3A_962], %broadcast_in_dim3A_3 {add = true} : memref<4096xi32, #tpu.memory_space<vmem>>[vector<16xi32>], vector<16xi32>,
      }
      %scan3A_26 = arith.constant 128 : i32
      %scan3A_27 = arith.constant 0 : i32
      %scan3A_28 = arith.constant 0 : i32
      %scan3A_29 = arith.constant 16 : i32
      %scan3A_30 = arith.addi %scan3A_28, %scan3A_29 : i32
      %scan3A_31 = arith.constant 1 : i32
      scf.for %scan3A_869 = %scan3A_28 to %scan3A_30 step %scan3A_31  : i32 {
        %mul3A_870 = arith.constant 16 : i32
        %mul3A_871 = arith.muli %scan3A_869, %mul3A_870 : i32
        %add3A_872 = vector.broadcast %mul3A_871 : i32 to vector<16xi32>
        %add3A_873 = arith.addi %add3A_872, %iota3A : vector<16xi32>
        %mul3A_874 = arith.constant 16 : i32
        %mul3A_875 = vector.broadcast %mul3A_874 : i32 to vector<16xi32>
        %mul3A_876 = arith.muli %add3A_873, %mul3A_875 : vector<16xi32>
        %add3A_877 = arith.constant 0 : i32
        %add3A_878 = vector.broadcast %add3A_877 : i32 to vector<16xi32>
        %add3A_879 = arith.addi %mul3A_876, %add3A_878 : vector<16xi32>
        %gather3A_880 = tpu.vector_load_idx %arg6[%add3A_879] : memref<4096xi32, #tpu.memory_space<vmem>>[vector<16xi32>], vector<16xi32>,
        %add3A_881 = arith.addi %broadcast_in_dim3A_1, %gather3A_880 : vector<16xi32>
        %add3A_882 = arith.constant 1 : i32
        %add3A_883 = vector.broadcast %add3A_882 : i32 to vector<16xi32>
        %add3A_884 = arith.addi %mul3A_876, %add3A_883 : vector<16xi32>
        %gather3A_885 = tpu.vector_load_idx %arg6[%add3A_884] : memref<4096xi32, #tpu.memory_space<vmem>>[vector<16xi32>], vector<16xi32>,
        %add3A_886 = arith.addi %add3A_881, %gather3A_885 : vector<16xi32>
        %add3A_887 = arith.constant 2 : i32
        %add3A_888 = vector.broadcast %add3A_887 : i32 to vector<16xi32>
        %add3A_889 = arith.addi %mul3A_876, %add3A_888 : vector<16xi32>
        %gather3A_890 = tpu.vector_load_idx %arg6[%add3A_889] : memref<4096xi32, #tpu.memory_space<vmem>>[vector<16xi32>], vector<16xi32>,
        %add3A_891 = arith.addi %add3A_886, %gather3A_890 : vector<16xi32>
        %add3A_892 = arith.constant 3 : i32
        %add3A_893 = vector.broadcast %add3A_892 : i32 to vector<16xi32>
        %add3A_894 = arith.addi %mul3A_876, %add3A_893 : vector<16xi32>
        %gather3A_895 = tpu.vector_load_idx %arg6[%add3A_894] : memref<4096xi32, #tpu.memory_space<vmem>>[vector<16xi32>], vector<16xi32>,
        %add3A_896 = arith.addi %add3A_891, %gather3A_895 : vector<16xi32>
        %add3A_897 = arith.constant 4 : i32
        %add3A_898 = vector.broadcast %add3A_897 : i32 to vector<16xi32>
        %add3A_899 = arith.addi %mul3A_876, %add3A_898 : vector<16xi32>
        %gather3A_900 = tpu.vector_load_idx %arg6[%add3A_899] : memref<4096xi32, #tpu.memory_space<vmem>>[vector<16xi32>], vector<16xi32>,
        %add3A_901 = arith.addi %add3A_896, %gather3A_900 : vector<16xi32>
        %add3A_902 = arith.constant 5 : i32
        %add3A_903 = vector.broadcast %add3A_902 : i32 to vector<16xi32>
        %add3A_904 = arith.addi %mul3A_876, %add3A_903 : vector<16xi32>
        %gather3A_905 = tpu.vector_load_idx %arg6[%add3A_904] : memref<4096xi32, #tpu.memory_space<vmem>>[vector<16xi32>], vector<16xi32>,
        %add3A_906 = arith.addi %add3A_901, %gather3A_905 : vector<16xi32>
        %add3A_907 = arith.constant 6 : i32
        %add3A_908 = vector.broadcast %add3A_907 : i32 to vector<16xi32>
        %add3A_909 = arith.addi %mul3A_876, %add3A_908 : vector<16xi32>
        %gather3A_910 = tpu.vector_load_idx %arg6[%add3A_909] : memref<4096xi32, #tpu.memory_space<vmem>>[vector<16xi32>], vector<16xi32>,
        %add3A_911 = arith.addi %add3A_906, %gather3A_910 : vector<16xi32>
        %add3A_912 = arith.constant 7 : i32
        %add3A_913 = vector.broadcast %add3A_912 : i32 to vector<16xi32>
        %add3A_914 = arith.addi %mul3A_876, %add3A_913 : vector<16xi32>
        %gather3A_915 = tpu.vector_load_idx %arg6[%add3A_914] : memref<4096xi32, #tpu.memory_space<vmem>>[vector<16xi32>], vector<16xi32>,
        %add3A_916 = arith.addi %add3A_911, %gather3A_915 : vector<16xi32>
        %add3A_917 = arith.constant 8 : i32
        %add3A_918 = vector.broadcast %add3A_917 : i32 to vector<16xi32>
        %add3A_919 = arith.addi %mul3A_876, %add3A_918 : vector<16xi32>
        %gather3A_920 = tpu.vector_load_idx %arg6[%add3A_919] : memref<4096xi32, #tpu.memory_space<vmem>>[vector<16xi32>], vector<16xi32>,
        %add3A_921 = arith.addi %add3A_916, %gather3A_920 : vector<16xi32>
        %add3A_922 = arith.constant 9 : i32
        %add3A_923 = vector.broadcast %add3A_922 : i32 to vector<16xi32>
        %add3A_924 = arith.addi %mul3A_876, %add3A_923 : vector<16xi32>
        %gather3A_925 = tpu.vector_load_idx %arg6[%add3A_924] : memref<4096xi32, #tpu.memory_space<vmem>>[vector<16xi32>], vector<16xi32>,
        %add3A_926 = arith.addi %add3A_921, %gather3A_925 : vector<16xi32>
        %add3A_927 = arith.constant 10 : i32
        %add3A_928 = vector.broadcast %add3A_927 : i32 to vector<16xi32>
        %add3A_929 = arith.addi %mul3A_876, %add3A_928 : vector<16xi32>
        %gather3A_930 = tpu.vector_load_idx %arg6[%add3A_929] : memref<4096xi32, #tpu.memory_space<vmem>>[vector<16xi32>], vector<16xi32>,
        %add3A_931 = arith.addi %add3A_926, %gather3A_930 : vector<16xi32>
        %add3A_932 = arith.constant 11 : i32
        %add3A_933 = vector.broadcast %add3A_932 : i32 to vector<16xi32>
        %add3A_934 = arith.addi %mul3A_876, %add3A_933 : vector<16xi32>
        %gather3A_935 = tpu.vector_load_idx %arg6[%add3A_934] : memref<4096xi32, #tpu.memory_space<vmem>>[vector<16xi32>], vector<16xi32>,
        %add3A_936 = arith.addi %add3A_931, %gather3A_935 : vector<16xi32>
        %add3A_937 = arith.constant 12 : i32
        %add3A_938 = vector.broadcast %add3A_937 : i32 to vector<16xi32>
        %add3A_939 = arith.addi %mul3A_876, %add3A_938 : vector<16xi32>
        %gather3A_940 = tpu.vector_load_idx %arg6[%add3A_939] : memref<4096xi32, #tpu.memory_space<vmem>>[vector<16xi32>], vector<16xi32>,
        %add3A_941 = arith.addi %add3A_936, %gather3A_940 : vector<16xi32>
        %add3A_942 = arith.constant 13 : i32
        %add3A_943 = vector.broadcast %add3A_942 : i32 to vector<16xi32>
        %add3A_944 = arith.addi %mul3A_876, %add3A_943 : vector<16xi32>
        %gather3A_945 = tpu.vector_load_idx %arg6[%add3A_944] : memref<4096xi32, #tpu.memory_space<vmem>>[vector<16xi32>], vector<16xi32>,
        %add3A_946 = arith.addi %add3A_941, %gather3A_945 : vector<16xi32>
        %add3A_947 = arith.constant 14 : i32
        %add3A_948 = vector.broadcast %add3A_947 : i32 to vector<16xi32>
        %add3A_949 = arith.addi %mul3A_876, %add3A_948 : vector<16xi32>
        %gather3A_950 = tpu.vector_load_idx %arg6[%add3A_949] : memref<4096xi32, #tpu.memory_space<vmem>>[vector<16xi32>], vector<16xi32>,
        %add3A_951 = arith.addi %add3A_946, %gather3A_950 : vector<16xi32>
        %add3A_952 = arith.constant 15 : i32
        %add3A_953 = vector.broadcast %add3A_952 : i32 to vector<16xi32>
        %add3A_954 = arith.addi %mul3A_876, %add3A_953 : vector<16xi32>
        %gather3A_955 = tpu.vector_load_idx %arg6[%add3A_954] : memref<4096xi32, #tpu.memory_space<vmem>>[vector<16xi32>], vector<16xi32>,
        %add3A_956 = arith.addi %add3A_951, %gather3A_955 : vector<16xi32>
        %mul3A_957 = arith.constant 256 : i32
        %mul3A_958 = arith.muli %scan3A_869, %mul3A_957 : i32
        %add3A_959 = arith.constant 0 : i32
        %add3A_960 = arith.addi %mul3A_958, %add3A_959 : i32
        %swap3A_961 = arith.index_cast %add3A_960 : i32 to index
        %swap3A_962 = tpu.vector_load %arg6[%swap3A_961] {strides = array<i32>} : memref<4096xi32, #tpu.memory_space<vmem>>, vector<16xi32>,
        tpu.vector_store %arg6[%swap3A_961], %broadcast_in_dim3A_1 {strides = array<i32>} : memref<4096xi32, #tpu.memory_space<vmem>>, vector<16xi32>,
        %mul3A_963 = arith.constant 256 : i32
        %mul3A_964 = arith.muli %scan3A_869, %mul3A_963 : i32
        %add3A_965 = arith.constant 16 : i32
        %add3A_966 = arith.addi %mul3A_964, %add3A_965 : i32
        %swap3A_967 = arith.index_cast %add3A_966 : i32 to index
        %swap3A_968 = tpu.vector_load %arg6[%swap3A_967] {strides = array<i32>} : memref<4096xi32, #tpu.memory_space<vmem>>, vector<16xi32>,
        tpu.vector_store %arg6[%swap3A_967], %broadcast_in_dim3A_1 {strides = array<i32>} : memref<4096xi32, #tpu.memory_space<vmem>>, vector<16xi32>,
        %mul3A_969 = arith.constant 256 : i32
        %mul3A_970 = arith.muli %scan3A_869, %mul3A_969 : i32
        %add3A_971 = arith.constant 32 : i32
        %add3A_972 = arith.addi %mul3A_970, %add3A_971 : i32
        %swap3A_973 = arith.index_cast %add3A_972 : i32 to index
        %swap3A_974 = tpu.vector_load %arg6[%swap3A_973] {strides = array<i32>} : memref<4096xi32, #tpu.memory_space<vmem>>, vector<16xi32>,
        tpu.vector_store %arg6[%swap3A_973], %broadcast_in_dim3A_1 {strides = array<i32>} : memref<4096xi32, #tpu.memory_space<vmem>>, vector<16xi32>,
        %mul3A_975 = arith.constant 256 : i32
        %mul3A_976 = arith.muli %scan3A_869, %mul3A_975 : i32
        %add3A_977 = arith.constant 48 : i32
        %add3A_978 = arith.addi %mul3A_976, %add3A_977 : i32
        %swap3A_979 = arith.index_cast %add3A_978 : i32 to index
        %swap3A_980 = tpu.vector_load %arg6[%swap3A_979] {strides = array<i32>} : memref<4096xi32, #tpu.memory_space<vmem>>, vector<16xi32>,
        tpu.vector_store %arg6[%swap3A_979], %broadcast_in_dim3A_1 {strides = array<i32>} : memref<4096xi32, #tpu.memory_space<vmem>>, vector<16xi32>,
        %mul3A_981 = arith.constant 256 : i32
        %mul3A_982 = arith.muli %scan3A_869, %mul3A_981 : i32
        %add3A_983 = arith.constant 64 : i32
        %add3A_984 = arith.addi %mul3A_982, %add3A_983 : i32
        %swap3A_985 = arith.index_cast %add3A_984 : i32 to index
        %swap3A_986 = tpu.vector_load %arg6[%swap3A_985] {strides = array<i32>} : memref<4096xi32, #tpu.memory_space<vmem>>, vector<16xi32>,
        tpu.vector_store %arg6[%swap3A_985], %broadcast_in_dim3A_1 {strides = array<i32>} : memref<4096xi32, #tpu.memory_space<vmem>>, vector<16xi32>,
        %mul3A_987 = arith.constant 256 : i32
        %mul3A_988 = arith.muli %scan3A_869, %mul3A_987 : i32
        %add3A_989 = arith.constant 80 : i32
        %add3A_990 = arith.addi %mul3A_988, %add3A_989 : i32
        %swap3A_991 = arith.index_cast %add3A_990 : i32 to index
        %swap3A_992 = tpu.vector_load %arg6[%swap3A_991] {strides = array<i32>} : memref<4096xi32, #tpu.memory_space<vmem>>, vector<16xi32>,
        tpu.vector_store %arg6[%swap3A_991], %broadcast_in_dim3A_1 {strides = array<i32>} : memref<4096xi32, #tpu.memory_space<vmem>>, vector<16xi32>,
        %mul3A_993 = arith.constant 256 : i32
        %mul3A_994 = arith.muli %scan3A_869, %mul3A_993 : i32
        %add3A_995 = arith.constant 96 : i32
        %add3A_996 = arith.addi %mul3A_994, %add3A_995 : i32
        %swap3A_997 = arith.index_cast %add3A_996 : i32 to index
        %swap3A_998 = tpu.vector_load %arg6[%swap3A_997] {strides = array<i32>} : memref<4096xi32, #tpu.memory_space<vmem>>, vector<16xi32>,
        tpu.vector_store %arg6[%swap3A_997], %broadcast_in_dim3A_1 {strides = array<i32>} : memref<4096xi32, #tpu.memory_space<vmem>>, vector<16xi32>,
        %mul3A_999 = arith.constant 256 : i32
        %mul3A_1000 = arith.muli %scan3A_869, %mul3A_999 : i32
        %add3A_1001 = arith.constant 112 : i32
        %add3A_1002 = arith.addi %mul3A_1000, %add3A_1001 : i32
        %swap3A_1003 = arith.index_cast %add3A_1002 : i32 to index
        %swap3A_1004 = tpu.vector_load %arg6[%swap3A_1003] {strides = array<i32>} : memref<4096xi32, #tpu.memory_space<vmem>>, vector<16xi32>,
        tpu.vector_store %arg6[%swap3A_1003], %broadcast_in_dim3A_1 {strides = array<i32>} : memref<4096xi32, #tpu.memory_space<vmem>>, vector<16xi32>,
        %mul3A_1005 = arith.constant 256 : i32
        %mul3A_1006 = arith.muli %scan3A_869, %mul3A_1005 : i32
        %add3A_1007 = arith.constant 128 : i32
        %add3A_1008 = arith.addi %mul3A_1006, %add3A_1007 : i32
        %swap3A_1009 = arith.index_cast %add3A_1008 : i32 to index
        %swap3A_1010 = tpu.vector_load %arg6[%swap3A_1009] {strides = array<i32>} : memref<4096xi32, #tpu.memory_space<vmem>>, vector<16xi32>,
        tpu.vector_store %arg6[%swap3A_1009], %broadcast_in_dim3A_1 {strides = array<i32>} : memref<4096xi32, #tpu.memory_space<vmem>>, vector<16xi32>,
        %mul3A_1011 = arith.constant 256 : i32
        %mul3A_1012 = arith.muli %scan3A_869, %mul3A_1011 : i32
        %add3A_1013 = arith.constant 144 : i32
        %add3A_1014 = arith.addi %mul3A_1012, %add3A_1013 : i32
        %swap3A_1015 = arith.index_cast %add3A_1014 : i32 to index
        %swap3A_1016 = tpu.vector_load %arg6[%swap3A_1015] {strides = array<i32>} : memref<4096xi32, #tpu.memory_space<vmem>>, vector<16xi32>,
        tpu.vector_store %arg6[%swap3A_1015], %broadcast_in_dim3A_1 {strides = array<i32>} : memref<4096xi32, #tpu.memory_space<vmem>>, vector<16xi32>,
        %mul3A_1017 = arith.constant 256 : i32
        %mul3A_1018 = arith.muli %scan3A_869, %mul3A_1017 : i32
        %add3A_1019 = arith.constant 160 : i32
        %add3A_1020 = arith.addi %mul3A_1018, %add3A_1019 : i32
        %swap3A_1021 = arith.index_cast %add3A_1020 : i32 to index
        %swap3A_1022 = tpu.vector_load %arg6[%swap3A_1021] {strides = array<i32>} : memref<4096xi32, #tpu.memory_space<vmem>>, vector<16xi32>,
        tpu.vector_store %arg6[%swap3A_1021], %broadcast_in_dim3A_1 {strides = array<i32>} : memref<4096xi32, #tpu.memory_space<vmem>>, vector<16xi32>,
        %mul3A_1023 = arith.constant 256 : i32
        %mul3A_1024 = arith.muli %scan3A_869, %mul3A_1023 : i32
        %add3A_1025 = arith.constant 176 : i32
        %add3A_1026 = arith.addi %mul3A_1024, %add3A_1025 : i32
        %swap3A_1027 = arith.index_cast %add3A_1026 : i32 to index
        %swap3A_1028 = tpu.vector_load %arg6[%swap3A_1027] {strides = array<i32>} : memref<4096xi32, #tpu.memory_space<vmem>>, vector<16xi32>,
        tpu.vector_store %arg6[%swap3A_1027], %broadcast_in_dim3A_1 {strides = array<i32>} : memref<4096xi32, #tpu.memory_space<vmem>>, vector<16xi32>,
        %mul3A_1029 = arith.constant 256 : i32
        %mul3A_1030 = arith.muli %scan3A_869, %mul3A_1029 : i32
        %add3A_1031 = arith.constant 192 : i32
        %add3A_1032 = arith.addi %mul3A_1030, %add3A_1031 : i32
        %swap3A_1033 = arith.index_cast %add3A_1032 : i32 to index
        %swap3A_1034 = tpu.vector_load %arg6[%swap3A_1033] {strides = array<i32>} : memref<4096xi32, #tpu.memory_space<vmem>>, vector<16xi32>,
        tpu.vector_store %arg6[%swap3A_1033], %broadcast_in_dim3A_1 {strides = array<i32>} : memref<4096xi32, #tpu.memory_space<vmem>>, vector<16xi32>,
        %mul3A_1035 = arith.constant 256 : i32
        %mul3A_1036 = arith.muli %scan3A_869, %mul3A_1035 : i32
        %add3A_1037 = arith.constant 208 : i32
        %add3A_1038 = arith.addi %mul3A_1036, %add3A_1037 : i32
        %swap3A_1039 = arith.index_cast %add3A_1038 : i32 to index
        %swap3A_1040 = tpu.vector_load %arg6[%swap3A_1039] {strides = array<i32>} : memref<4096xi32, #tpu.memory_space<vmem>>, vector<16xi32>,
        tpu.vector_store %arg6[%swap3A_1039], %broadcast_in_dim3A_1 {strides = array<i32>} : memref<4096xi32, #tpu.memory_space<vmem>>, vector<16xi32>,
        %mul3A_1041 = arith.constant 256 : i32
        %mul3A_1042 = arith.muli %scan3A_869, %mul3A_1041 : i32
        %add3A_1043 = arith.constant 224 : i32
        %add3A_1044 = arith.addi %mul3A_1042, %add3A_1043 : i32
        %swap3A_1045 = arith.index_cast %add3A_1044 : i32 to index
        %swap3A_1046 = tpu.vector_load %arg6[%swap3A_1045] {strides = array<i32>} : memref<4096xi32, #tpu.memory_space<vmem>>, vector<16xi32>,
        tpu.vector_store %arg6[%swap3A_1045], %broadcast_in_dim3A_1 {strides = array<i32>} : memref<4096xi32, #tpu.memory_space<vmem>>, vector<16xi32>,
        %mul3A_1047 = arith.constant 256 : i32
        %mul3A_1048 = arith.muli %scan3A_869, %mul3A_1047 : i32
        %add3A_1049 = arith.constant 240 : i32
        %add3A_1050 = arith.addi %mul3A_1048, %add3A_1049 : i32
        %swap3A_1051 = arith.index_cast %add3A_1050 : i32 to index
        %swap3A_1052 = tpu.vector_load %arg6[%swap3A_1051] {strides = array<i32>} : memref<4096xi32, #tpu.memory_space<vmem>>, vector<16xi32>,
        tpu.vector_store %arg6[%swap3A_1051], %broadcast_in_dim3A_1 {strides = array<i32>} : memref<4096xi32, #tpu.memory_space<vmem>>, vector<16xi32>,
        %mul3A_1053 = arith.constant 16 : i32
        %mul3A_1054 = arith.muli %scan3A_869, %mul3A_1053 : i32
        %swap3A_1055 = arith.index_cast %mul3A_1054 : i32 to index
        %swap3A_1056 = tpu.vector_load %arg7[%swap3A_1055] {strides = array<i32>} : memref<256xi32, #tpu.memory_space<vmem>>, vector<16xi32>,
        tpu.vector_store %arg7[%swap3A_1055], %add3A_956 {strides = array<i32>} : memref<256xi32, #tpu.memory_space<vmem>>, vector<16xi32>,
      }
      %scan3A_32 = arith.constant 16 : i32
      %scan3A_33 = arith.constant 410 : i32
      %scan3A_34 = arith.constant 0 : i32
      %scan3A_35 = arith.constant 0 : i32
      %scan3A_36 = arith.constant 0 : i32
      %scan3A_37 = arith.constant 0 : i32
      %scan3A_38 = arith.constant 16 : i32
      %scan3A_39 = arith.addi %scan3A_37, %scan3A_38 : i32
      %scan3A_40 = arith.constant 1 : i32
      %scan3A_41:3 = scf.for %scan3A_869 = %scan3A_37 to %scan3A_39 step %scan3A_40 iter_args(%scan3A_870 = %scan3A_34, %scan3A_871 = %scan3A_35, %scan3A_872 = %scan3A_36) -> (i32, i32, i32)  : i32 {
        %sub3A_873 = arith.constant 15 : i32
        %sub3A_874 = arith.subi %sub3A_873, %scan3A_869 : i32
        %mul3A_875 = arith.constant 16 : i32
        %mul3A_876 = arith.muli %sub3A_874, %mul3A_875 : i32
        %get3A = arith.index_cast %mul3A_876 : i32 to index
        %get3A_877 = tpu.vector_load %arg7[%get3A] {strides = array<i32>} : memref<256xi32, #tpu.memory_space<vmem>>, vector<16xi32>,
        %rev3A_878 = arith.constant 15 : i32
        %rev3A_879 = vector.broadcast %rev3A_878 : i32 to vector<16xi32>
        %rev3A_880 = tpu.iota {dimensions = array<i32: 0>} : vector<16xi32>
        %rev3A_881 = arith.subi %rev3A_879, %rev3A_880 : vector<16xi32>
        %rev3A_882 = tpu.dynamic_gather %get3A_877[%rev3A_881] in [0] : vector<16xi32>, vector<16xi32> -> vector<16xi32>
        %broadcast_in_dim3A_883 = arith.constant true
        %broadcast_in_dim3A_884 = vector.broadcast %broadcast_in_dim3A_883 : i1 to vector<16xi1>
        %masked_cumsum3A_885 = tpu.scan <sum>, %rev3A_882 masked %broadcast_in_dim3A_884 : vector<16xi32>, vector<16xi1> -> vector<16xi32>
        %add3A_886 = vector.broadcast %scan3A_872 : i32 to vector<16xi32>
        %add3A_887 = arith.addi %masked_cumsum3A_885, %add3A_886 : vector<16xi32>
        %ge3A_888 = vector.broadcast %scan3A_33 : i32 to vector<16xi32>
        %ge3A_889 = arith.cmpi sge, %add3A_887, %ge3A_888 : vector<16xi32>
        %convert_element_type3A_890 = arith.extui %ge3A_889 : vector<16xi1> to vector<16xi32>
        %reduce_sum3A_891 = arith.constant true
        %reduce_sum3A_892 = vector.broadcast %reduce_sum3A_891 : i1 to vector<16xi1>
        %reduce_sum3A_893 = tpu.scan <sum>, %convert_element_type3A_890 masked %reduce_sum3A_892 : vector<16xi32>, vector<16xi1> -> vector<16xi32>
        %reduce_sum3A_894 = vector.extract %reduce_sum3A_893[15] : i32 from vector<16xi32>
        %add3A_895 = arith.addi %scan3A_870, %reduce_sum3A_894 : i32
        %jit3A_896 = arith.constant 0 : i32
        %broadcast_in_dim3A_897 = vector.broadcast %jit3A_896 : i32 to vector<16xi32>
        %select_n3A_898 = arith.select %ge3A_889, %broadcast_in_dim3A_897, %rev3A_882 : vector<16xi1>, vector<16xi32>
        %reduce_sum3A_899 = arith.constant true
        %reduce_sum3A_900 = vector.broadcast %reduce_sum3A_899 : i1 to vector<16xi1>
        %reduce_sum3A_901 = tpu.scan <sum>, %select_n3A_898 masked %reduce_sum3A_900 : vector<16xi32>, vector<16xi1> -> vector<16xi32>
        %reduce_sum3A_902 = vector.extract %reduce_sum3A_901[15] : i32 from vector<16xi32>
        %add3A_903 = arith.addi %scan3A_871, %reduce_sum3A_902 : i32
        %reduce_sum3A_904 = arith.constant true
        %reduce_sum3A_905 = vector.broadcast %reduce_sum3A_904 : i1 to vector<16xi1>
        %reduce_sum3A_906 = tpu.scan <sum>, %get3A_877 masked %reduce_sum3A_905 : vector<16xi32>, vector<16xi1> -> vector<16xi32>
        %reduce_sum3A_907 = vector.extract %reduce_sum3A_906[15] : i32 from vector<16xi32>
        %add3A_908 = arith.addi %scan3A_872, %reduce_sum3A_907 : i32
        scf.yield %add3A_895, %add3A_903, %add3A_908 : i32, i32, i32
      }
      %scan3A_42 = arith.constant 16 : i32
      %sub3A = arith.constant 1 : i32
      %sub3A_43 = arith.subi %scan3A_41#0, %sub3A : i32
      %sub3A_44 = arith.constant 410 : i32
      %sub3A_45 = arith.subi %sub3A_44, %scan3A_41#1 : i32
      %scan3A_46 = arith.constant 0 : i32
      %scan3A_47 = arith.constant 128 : i32
      %scan3A_48 = arith.addi %scan3A_46, %scan3A_47 : i32
      %scan3A_49 = arith.constant 1 : i32
      %scan3A_50 = scf.for %scan3A_869 = %scan3A_46 to %scan3A_48 step %scan3A_49 iter_args(%scan3A_870 = %broadcast_in_dim3A_1) -> (vector<16xi32>)  : i32 {
        %mul3A_871 = arith.constant 4 : i32
        %mul3A_872 = arith.muli %scan3A_869, %mul3A_871 : i32
        %add3A_873 = arith.constant 0 : i32
        %add3A_874 = arith.addi %mul3A_872, %add3A_873 : i32
        %mul3A_875 = arith.constant 16 : i32
        %mul3A_876 = arith.muli %add3A_874, %mul3A_875 : i32
        %get3A = arith.index_cast %mul3A_876 : i32 to index
        %get3A_877 = tpu.vector_load %arg4[%get3A] {strides = array<i32>} : memref<8192xi32, #tpu.memory_space<vmem>>, vector<16xi32>,
        %broadcast_in_dim3A_878 = arith.constant 24 : i32
        %broadcast_in_dim3A_879 = vector.broadcast %broadcast_in_dim3A_878 : i32 to vector<16xi32>
        %shift_right_logical3A = arith.shrui %get3A_877, %broadcast_in_dim3A_879 : vector<16xi32>
        %eq3A = vector.broadcast %sub3A_43 : i32 to vector<16xi32>
        %eq3A_880 = arith.cmpi eq, %shift_right_logical3A, %eq3A : vector<16xi32>
        %broadcast_in_dim3A_881 = arith.constant 16 : i32
        %broadcast_in_dim3A_882 = vector.broadcast %broadcast_in_dim3A_881 : i32 to vector<16xi32>
        %shift_right_logical3A_883 = arith.shrui %get3A_877, %broadcast_in_dim3A_882 : vector<16xi32>
        %and3A = arith.constant 255 : i32
        %and3A_884 = vector.broadcast %and3A : i32 to vector<16xi32>
        %and3A_885 = arith.andi %shift_right_logical3A_883, %and3A_884 : vector<16xi32>
        %mul3A_886 = arith.constant 16 : i32
        %mul3A_887 = vector.broadcast %mul3A_886 : i32 to vector<16xi32>
        %mul3A_888 = arith.muli %and3A_885, %mul3A_887 : vector<16xi32>
        %add3A_889 = arith.addi %mul3A_888, %iota3A : vector<16xi32>
        tpu.vector_store_idx %arg6[%add3A_889], %broadcast_in_dim3A_3 masked %eq3A_880 {add = true} : memref<4096xi32, #tpu.memory_space<vmem>>[vector<16xi32>], vector<16xi32>, vector<16xi1>
        %mul3A_890 = arith.constant 16 : i32
        %mul3A_891 = vector.broadcast %mul3A_890 : i32 to vector<16xi32>
        %mul3A_892 = arith.muli %scan3A_870, %mul3A_891 : vector<16xi32>
        %add3A_893 = arith.addi %mul3A_892, %iota3A : vector<16xi32>
        tpu.vector_store_idx %arg5[%add3A_893], %get3A_877 masked %eq3A_880 : memref<8192xi32, #tpu.memory_space<vmem>>[vector<16xi32>], vector<16xi32>, vector<16xi1>
        %convert_element_type3A_894 = arith.extui %eq3A_880 : vector<16xi1> to vector<16xi32>
        %add3A_895 = arith.addi %scan3A_870, %convert_element_type3A_894 : vector<16xi32>
        %mul3A_896 = arith.constant 4 : i32
        %mul3A_897 = arith.muli %scan3A_869, %mul3A_896 : i32
        %add3A_898 = arith.constant 1 : i32
        %add3A_899 = arith.addi %mul3A_897, %add3A_898 : i32
        %mul3A_900 = arith.constant 16 : i32
        %mul3A_901 = arith.muli %add3A_899, %mul3A_900 : i32
        %get3A_902 = arith.index_cast %mul3A_901 : i32 to index
        %get3A_903 = tpu.vector_load %arg4[%get3A_902] {strides = array<i32>} : memref<8192xi32, #tpu.memory_space<vmem>>, vector<16xi32>,
        %broadcast_in_dim3A_904 = arith.constant 24 : i32
        %broadcast_in_dim3A_905 = vector.broadcast %broadcast_in_dim3A_904 : i32 to vector<16xi32>
        %shift_right_logical3A_906 = arith.shrui %get3A_903, %broadcast_in_dim3A_905 : vector<16xi32>
        %eq3A_907 = vector.broadcast %sub3A_43 : i32 to vector<16xi32>
        %eq3A_908 = arith.cmpi eq, %shift_right_logical3A_906, %eq3A_907 : vector<16xi32>
        %broadcast_in_dim3A_909 = arith.constant 16 : i32
        %broadcast_in_dim3A_910 = vector.broadcast %broadcast_in_dim3A_909 : i32 to vector<16xi32>
        %shift_right_logical3A_911 = arith.shrui %get3A_903, %broadcast_in_dim3A_910 : vector<16xi32>
        %and3A_912 = arith.constant 255 : i32
        %and3A_913 = vector.broadcast %and3A_912 : i32 to vector<16xi32>
        %and3A_914 = arith.andi %shift_right_logical3A_911, %and3A_913 : vector<16xi32>
        %mul3A_915 = arith.constant 16 : i32
        %mul3A_916 = vector.broadcast %mul3A_915 : i32 to vector<16xi32>
        %mul3A_917 = arith.muli %and3A_914, %mul3A_916 : vector<16xi32>
        %add3A_918 = arith.addi %mul3A_917, %iota3A : vector<16xi32>
        tpu.vector_store_idx %arg6[%add3A_918], %broadcast_in_dim3A_3 masked %eq3A_908 {add = true} : memref<4096xi32, #tpu.memory_space<vmem>>[vector<16xi32>], vector<16xi32>, vector<16xi1>
        %mul3A_919 = arith.constant 16 : i32
        %mul3A_920 = vector.broadcast %mul3A_919 : i32 to vector<16xi32>
        %mul3A_921 = arith.muli %add3A_895, %mul3A_920 : vector<16xi32>
        %add3A_922 = arith.addi %mul3A_921, %iota3A : vector<16xi32>
        tpu.vector_store_idx %arg5[%add3A_922], %get3A_903 masked %eq3A_908 : memref<8192xi32, #tpu.memory_space<vmem>>[vector<16xi32>], vector<16xi32>, vector<16xi1>
        %convert_element_type3A_923 = arith.extui %eq3A_908 : vector<16xi1> to vector<16xi32>
        %add3A_924 = arith.addi %add3A_895, %convert_element_type3A_923 : vector<16xi32>
        %mul3A_925 = arith.constant 4 : i32
        %mul3A_926 = arith.muli %scan3A_869, %mul3A_925 : i32
        %add3A_927 = arith.constant 2 : i32
        %add3A_928 = arith.addi %mul3A_926, %add3A_927 : i32
        %mul3A_929 = arith.constant 16 : i32
        %mul3A_930 = arith.muli %add3A_928, %mul3A_929 : i32
        %get3A_931 = arith.index_cast %mul3A_930 : i32 to index
        %get3A_932 = tpu.vector_load %arg4[%get3A_931] {strides = array<i32>} : memref<8192xi32, #tpu.memory_space<vmem>>, vector<16xi32>,
        %broadcast_in_dim3A_933 = arith.constant 24 : i32
        %broadcast_in_dim3A_934 = vector.broadcast %broadcast_in_dim3A_933 : i32 to vector<16xi32>
        %shift_right_logical3A_935 = arith.shrui %get3A_932, %broadcast_in_dim3A_934 : vector<16xi32>
        %eq3A_936 = vector.broadcast %sub3A_43 : i32 to vector<16xi32>
        %eq3A_937 = arith.cmpi eq, %shift_right_logical3A_935, %eq3A_936 : vector<16xi32>
        %broadcast_in_dim3A_938 = arith.constant 16 : i32
        %broadcast_in_dim3A_939 = vector.broadcast %broadcast_in_dim3A_938 : i32 to vector<16xi32>
        %shift_right_logical3A_940 = arith.shrui %get3A_932, %broadcast_in_dim3A_939 : vector<16xi32>
        %and3A_941 = arith.constant 255 : i32
        %and3A_942 = vector.broadcast %and3A_941 : i32 to vector<16xi32>
        %and3A_943 = arith.andi %shift_right_logical3A_940, %and3A_942 : vector<16xi32>
        %mul3A_944 = arith.constant 16 : i32
        %mul3A_945 = vector.broadcast %mul3A_944 : i32 to vector<16xi32>
        %mul3A_946 = arith.muli %and3A_943, %mul3A_945 : vector<16xi32>
        %add3A_947 = arith.addi %mul3A_946, %iota3A : vector<16xi32>
        tpu.vector_store_idx %arg6[%add3A_947], %broadcast_in_dim3A_3 masked %eq3A_937 {add = true} : memref<4096xi32, #tpu.memory_space<vmem>>[vector<16xi32>], vector<16xi32>, vector<16xi1>
        %mul3A_948 = arith.constant 16 : i32
        %mul3A_949 = vector.broadcast %mul3A_948 : i32 to vector<16xi32>
        %mul3A_950 = arith.muli %add3A_924, %mul3A_949 : vector<16xi32>
        %add3A_951 = arith.addi %mul3A_950, %iota3A : vector<16xi32>
        tpu.vector_store_idx %arg5[%add3A_951], %get3A_932 masked %eq3A_937 : memref<8192xi32, #tpu.memory_space<vmem>>[vector<16xi32>], vector<16xi32>, vector<16xi1>
        %convert_element_type3A_952 = arith.extui %eq3A_937 : vector<16xi1> to vector<16xi32>
        %add3A_953 = arith.addi %add3A_924, %convert_element_type3A_952 : vector<16xi32>
        %mul3A_954 = arith.constant 4 : i32
        %mul3A_955 = arith.muli %scan3A_869, %mul3A_954 : i32
        %add3A_956 = arith.constant 3 : i32
        %add3A_957 = arith.addi %mul3A_955, %add3A_956 : i32
        %mul3A_958 = arith.constant 16 : i32
        %mul3A_959 = arith.muli %add3A_957, %mul3A_958 : i32
        %get3A_960 = arith.index_cast %mul3A_959 : i32 to index
        %get3A_961 = tpu.vector_load %arg4[%get3A_960] {strides = array<i32>} : memref<8192xi32, #tpu.memory_space<vmem>>, vector<16xi32>,
        %broadcast_in_dim3A_962 = arith.constant 24 : i32
        %broadcast_in_dim3A_963 = vector.broadcast %broadcast_in_dim3A_962 : i32 to vector<16xi32>
        %shift_right_logical3A_964 = arith.shrui %get3A_961, %broadcast_in_dim3A_963 : vector<16xi32>
        %eq3A_965 = vector.broadcast %sub3A_43 : i32 to vector<16xi32>
        %eq3A_966 = arith.cmpi eq, %shift_right_logical3A_964, %eq3A_965 : vector<16xi32>
        %broadcast_in_dim3A_967 = arith.constant 16 : i32
        %broadcast_in_dim3A_968 = vector.broadcast %broadcast_in_dim3A_967 : i32 to vector<16xi32>
        %shift_right_logical3A_969 = arith.shrui %get3A_961, %broadcast_in_dim3A_968 : vector<16xi32>
        %and3A_970 = arith.constant 255 : i32
        %and3A_971 = vector.broadcast %and3A_970 : i32 to vector<16xi32>
        %and3A_972 = arith.andi %shift_right_logical3A_969, %and3A_971 : vector<16xi32>
        %mul3A_973 = arith.constant 16 : i32
        %mul3A_974 = vector.broadcast %mul3A_973 : i32 to vector<16xi32>
        %mul3A_975 = arith.muli %and3A_972, %mul3A_974 : vector<16xi32>
        %add3A_976 = arith.addi %mul3A_975, %iota3A : vector<16xi32>
        tpu.vector_store_idx %arg6[%add3A_976], %broadcast_in_dim3A_3 masked %eq3A_966 {add = true} : memref<4096xi32, #tpu.memory_space<vmem>>[vector<16xi32>], vector<16xi32>, vector<16xi1>
        %mul3A_977 = arith.constant 16 : i32
        %mul3A_978 = vector.broadcast %mul3A_977 : i32 to vector<16xi32>
        %mul3A_979 = arith.muli %add3A_953, %mul3A_978 : vector<16xi32>
        %add3A_980 = arith.addi %mul3A_979, %iota3A : vector<16xi32>
        tpu.vector_store_idx %arg5[%add3A_980], %get3A_961 masked %eq3A_966 : memref<8192xi32, #tpu.memory_space<vmem>>[vector<16xi32>], vector<16xi32>, vector<16xi1>
        %convert_element_type3A_981 = arith.extui %eq3A_966 : vector<16xi1> to vector<16xi32>
        %add3A_982 = arith.addi %add3A_953, %convert_element_type3A_981 : vector<16xi32>
        scf.yield %add3A_982 : vector<16xi32>
      }
      %scan3A_51 = arith.constant 128 : i32
      %scan3A_52 = arith.constant 0 : i32
      %scan3A_53 = arith.constant 0 : i32
      %scan3A_54 = arith.constant 16 : i32
      %scan3A_55 = arith.addi %scan3A_53, %scan3A_54 : i32
      %scan3A_56 = arith.constant 1 : i32
      scf.for %scan3A_869 = %scan3A_53 to %scan3A_55 step %scan3A_56  : i32 {
        %mul3A_870 = arith.constant 16 : i32
        %mul3A_871 = arith.muli %scan3A_869, %mul3A_870 : i32
        %add3A_872 = vector.broadcast %mul3A_871 : i32 to vector<16xi32>
        %add3A_873 = arith.addi %add3A_872, %iota3A : vector<16xi32>
        %mul3A_874 = arith.constant 16 : i32
        %mul3A_875 = vector.broadcast %mul3A_874 : i32 to vector<16xi32>
        %mul3A_876 = arith.muli %add3A_873, %mul3A_875 : vector<16xi32>
        %add3A_877 = arith.constant 0 : i32
        %add3A_878 = vector.broadcast %add3A_877 : i32 to vector<16xi32>
        %add3A_879 = arith.addi %mul3A_876, %add3A_878 : vector<16xi32>
        %gather3A_880 = tpu.vector_load_idx %arg6[%add3A_879] : memref<4096xi32, #tpu.memory_space<vmem>>[vector<16xi32>], vector<16xi32>,
        %add3A_881 = arith.addi %broadcast_in_dim3A_1, %gather3A_880 : vector<16xi32>
        %add3A_882 = arith.constant 1 : i32
        %add3A_883 = vector.broadcast %add3A_882 : i32 to vector<16xi32>
        %add3A_884 = arith.addi %mul3A_876, %add3A_883 : vector<16xi32>
        %gather3A_885 = tpu.vector_load_idx %arg6[%add3A_884] : memref<4096xi32, #tpu.memory_space<vmem>>[vector<16xi32>], vector<16xi32>,
        %add3A_886 = arith.addi %add3A_881, %gather3A_885 : vector<16xi32>
        %add3A_887 = arith.constant 2 : i32
        %add3A_888 = vector.broadcast %add3A_887 : i32 to vector<16xi32>
        %add3A_889 = arith.addi %mul3A_876, %add3A_888 : vector<16xi32>
        %gather3A_890 = tpu.vector_load_idx %arg6[%add3A_889] : memref<4096xi32, #tpu.memory_space<vmem>>[vector<16xi32>], vector<16xi32>,
        %add3A_891 = arith.addi %add3A_886, %gather3A_890 : vector<16xi32>
        %add3A_892 = arith.constant 3 : i32
        %add3A_893 = vector.broadcast %add3A_892 : i32 to vector<16xi32>
        %add3A_894 = arith.addi %mul3A_876, %add3A_893 : vector<16xi32>
        %gather3A_895 = tpu.vector_load_idx %arg6[%add3A_894] : memref<4096xi32, #tpu.memory_space<vmem>>[vector<16xi32>], vector<16xi32>,
        %add3A_896 = arith.addi %add3A_891, %gather3A_895 : vector<16xi32>
        %add3A_897 = arith.constant 4 : i32
        %add3A_898 = vector.broadcast %add3A_897 : i32 to vector<16xi32>
        %add3A_899 = arith.addi %mul3A_876, %add3A_898 : vector<16xi32>
        %gather3A_900 = tpu.vector_load_idx %arg6[%add3A_899] : memref<4096xi32, #tpu.memory_space<vmem>>[vector<16xi32>], vector<16xi32>,
        %add3A_901 = arith.addi %add3A_896, %gather3A_900 : vector<16xi32>
        %add3A_902 = arith.constant 5 : i32
        %add3A_903 = vector.broadcast %add3A_902 : i32 to vector<16xi32>
        %add3A_904 = arith.addi %mul3A_876, %add3A_903 : vector<16xi32>
        %gather3A_905 = tpu.vector_load_idx %arg6[%add3A_904] : memref<4096xi32, #tpu.memory_space<vmem>>[vector<16xi32>], vector<16xi32>,
        %add3A_906 = arith.addi %add3A_901, %gather3A_905 : vector<16xi32>
        %add3A_907 = arith.constant 6 : i32
        %add3A_908 = vector.broadcast %add3A_907 : i32 to vector<16xi32>
        %add3A_909 = arith.addi %mul3A_876, %add3A_908 : vector<16xi32>
        %gather3A_910 = tpu.vector_load_idx %arg6[%add3A_909] : memref<4096xi32, #tpu.memory_space<vmem>>[vector<16xi32>], vector<16xi32>,
        %add3A_911 = arith.addi %add3A_906, %gather3A_910 : vector<16xi32>
        %add3A_912 = arith.constant 7 : i32
        %add3A_913 = vector.broadcast %add3A_912 : i32 to vector<16xi32>
        %add3A_914 = arith.addi %mul3A_876, %add3A_913 : vector<16xi32>
        %gather3A_915 = tpu.vector_load_idx %arg6[%add3A_914] : memref<4096xi32, #tpu.memory_space<vmem>>[vector<16xi32>], vector<16xi32>,
        %add3A_916 = arith.addi %add3A_911, %gather3A_915 : vector<16xi32>
        %add3A_917 = arith.constant 8 : i32
        %add3A_918 = vector.broadcast %add3A_917 : i32 to vector<16xi32>
        %add3A_919 = arith.addi %mul3A_876, %add3A_918 : vector<16xi32>
        %gather3A_920 = tpu.vector_load_idx %arg6[%add3A_919] : memref<4096xi32, #tpu.memory_space<vmem>>[vector<16xi32>], vector<16xi32>,
        %add3A_921 = arith.addi %add3A_916, %gather3A_920 : vector<16xi32>
        %add3A_922 = arith.constant 9 : i32
        %add3A_923 = vector.broadcast %add3A_922 : i32 to vector<16xi32>
        %add3A_924 = arith.addi %mul3A_876, %add3A_923 : vector<16xi32>
        %gather3A_925 = tpu.vector_load_idx %arg6[%add3A_924] : memref<4096xi32, #tpu.memory_space<vmem>>[vector<16xi32>], vector<16xi32>,
        %add3A_926 = arith.addi %add3A_921, %gather3A_925 : vector<16xi32>
        %add3A_927 = arith.constant 10 : i32
        %add3A_928 = vector.broadcast %add3A_927 : i32 to vector<16xi32>
        %add3A_929 = arith.addi %mul3A_876, %add3A_928 : vector<16xi32>
        %gather3A_930 = tpu.vector_load_idx %arg6[%add3A_929] : memref<4096xi32, #tpu.memory_space<vmem>>[vector<16xi32>], vector<16xi32>,
        %add3A_931 = arith.addi %add3A_926, %gather3A_930 : vector<16xi32>
        %add3A_932 = arith.constant 11 : i32
        %add3A_933 = vector.broadcast %add3A_932 : i32 to vector<16xi32>
        %add3A_934 = arith.addi %mul3A_876, %add3A_933 : vector<16xi32>
        %gather3A_935 = tpu.vector_load_idx %arg6[%add3A_934] : memref<4096xi32, #tpu.memory_space<vmem>>[vector<16xi32>], vector<16xi32>,
        %add3A_936 = arith.addi %add3A_931, %gather3A_935 : vector<16xi32>
        %add3A_937 = arith.constant 12 : i32
        %add3A_938 = vector.broadcast %add3A_937 : i32 to vector<16xi32>
        %add3A_939 = arith.addi %mul3A_876, %add3A_938 : vector<16xi32>
        %gather3A_940 = tpu.vector_load_idx %arg6[%add3A_939] : memref<4096xi32, #tpu.memory_space<vmem>>[vector<16xi32>], vector<16xi32>,
        %add3A_941 = arith.addi %add3A_936, %gather3A_940 : vector<16xi32>
        %add3A_942 = arith.constant 13 : i32
        %add3A_943 = vector.broadcast %add3A_942 : i32 to vector<16xi32>
        %add3A_944 = arith.addi %mul3A_876, %add3A_943 : vector<16xi32>
        %gather3A_945 = tpu.vector_load_idx %arg6[%add3A_944] : memref<4096xi32, #tpu.memory_space<vmem>>[vector<16xi32>], vector<16xi32>,
        %add3A_946 = arith.addi %add3A_941, %gather3A_945 : vector<16xi32>
        %add3A_947 = arith.constant 14 : i32
        %add3A_948 = vector.broadcast %add3A_947 : i32 to vector<16xi32>
        %add3A_949 = arith.addi %mul3A_876, %add3A_948 : vector<16xi32>
        %gather3A_950 = tpu.vector_load_idx %arg6[%add3A_949] : memref<4096xi32, #tpu.memory_space<vmem>>[vector<16xi32>], vector<16xi32>,
        %add3A_951 = arith.addi %add3A_946, %gather3A_950 : vector<16xi32>
        %add3A_952 = arith.constant 15 : i32
        %add3A_953 = vector.broadcast %add3A_952 : i32 to vector<16xi32>
        %add3A_954 = arith.addi %mul3A_876, %add3A_953 : vector<16xi32>
        %gather3A_955 = tpu.vector_load_idx %arg6[%add3A_954] : memref<4096xi32, #tpu.memory_space<vmem>>[vector<16xi32>], vector<16xi32>,
        %add3A_956 = arith.addi %add3A_951, %gather3A_955 : vector<16xi32>
        %mul3A_957 = arith.constant 256 : i32
        %mul3A_958 = arith.muli %scan3A_869, %mul3A_957 : i32
        %add3A_959 = arith.constant 0 : i32
        %add3A_960 = arith.addi %mul3A_958, %add3A_959 : i32
        %swap3A_961 = arith.index_cast %add3A_960 : i32 to index
        %swap3A_962 = tpu.vector_load %arg6[%swap3A_961] {strides = array<i32>} : memref<4096xi32, #tpu.memory_space<vmem>>, vector<16xi32>,
        tpu.vector_store %arg6[%swap3A_961], %broadcast_in_dim3A_1 {strides = array<i32>} : memref<4096xi32, #tpu.memory_space<vmem>>, vector<16xi32>,
        %mul3A_963 = arith.constant 256 : i32
        %mul3A_964 = arith.muli %scan3A_869, %mul3A_963 : i32
        %add3A_965 = arith.constant 16 : i32
        %add3A_966 = arith.addi %mul3A_964, %add3A_965 : i32
        %swap3A_967 = arith.index_cast %add3A_966 : i32 to index
        %swap3A_968 = tpu.vector_load %arg6[%swap3A_967] {strides = array<i32>} : memref<4096xi32, #tpu.memory_space<vmem>>, vector<16xi32>,
        tpu.vector_store %arg6[%swap3A_967], %broadcast_in_dim3A_1 {strides = array<i32>} : memref<4096xi32, #tpu.memory_space<vmem>>, vector<16xi32>,
        %mul3A_969 = arith.constant 256 : i32
        %mul3A_970 = arith.muli %scan3A_869, %mul3A_969 : i32
        %add3A_971 = arith.constant 32 : i32
        %add3A_972 = arith.addi %mul3A_970, %add3A_971 : i32
        %swap3A_973 = arith.index_cast %add3A_972 : i32 to index
        %swap3A_974 = tpu.vector_load %arg6[%swap3A_973] {strides = array<i32>} : memref<4096xi32, #tpu.memory_space<vmem>>, vector<16xi32>,
        tpu.vector_store %arg6[%swap3A_973], %broadcast_in_dim3A_1 {strides = array<i32>} : memref<4096xi32, #tpu.memory_space<vmem>>, vector<16xi32>,
        %mul3A_975 = arith.constant 256 : i32
        %mul3A_976 = arith.muli %scan3A_869, %mul3A_975 : i32
        %add3A_977 = arith.constant 48 : i32
        %add3A_978 = arith.addi %mul3A_976, %add3A_977 : i32
        %swap3A_979 = arith.index_cast %add3A_978 : i32 to index
        %swap3A_980 = tpu.vector_load %arg6[%swap3A_979] {strides = array<i32>} : memref<4096xi32, #tpu.memory_space<vmem>>, vector<16xi32>,
        tpu.vector_store %arg6[%swap3A_979], %broadcast_in_dim3A_1 {strides = array<i32>} : memref<4096xi32, #tpu.memory_space<vmem>>, vector<16xi32>,
        %mul3A_981 = arith.constant 256 : i32
        %mul3A_982 = arith.muli %scan3A_869, %mul3A_981 : i32
        %add3A_983 = arith.constant 64 : i32
        %add3A_984 = arith.addi %mul3A_982, %add3A_983 : i32
        %swap3A_985 = arith.index_cast %add3A_984 : i32 to index
        %swap3A_986 = tpu.vector_load %arg6[%swap3A_985] {strides = array<i32>} : memref<4096xi32, #tpu.memory_space<vmem>>, vector<16xi32>,
        tpu.vector_store %arg6[%swap3A_985], %broadcast_in_dim3A_1 {strides = array<i32>} : memref<4096xi32, #tpu.memory_space<vmem>>, vector<16xi32>,
        %mul3A_987 = arith.constant 256 : i32
        %mul3A_988 = arith.muli %scan3A_869, %mul3A_987 : i32
        %add3A_989 = arith.constant 80 : i32
        %add3A_990 = arith.addi %mul3A_988, %add3A_989 : i32
        %swap3A_991 = arith.index_cast %add3A_990 : i32 to index
        %swap3A_992 = tpu.vector_load %arg6[%swap3A_991] {strides = array<i32>} : memref<4096xi32, #tpu.memory_space<vmem>>, vector<16xi32>,
        tpu.vector_store %arg6[%swap3A_991], %broadcast_in_dim3A_1 {strides = array<i32>} : memref<4096xi32, #tpu.memory_space<vmem>>, vector<16xi32>,
        %mul3A_993 = arith.constant 256 : i32
        %mul3A_994 = arith.muli %scan3A_869, %mul3A_993 : i32
        %add3A_995 = arith.constant 96 : i32
        %add3A_996 = arith.addi %mul3A_994, %add3A_995 : i32
        %swap3A_997 = arith.index_cast %add3A_996 : i32 to index
        %swap3A_998 = tpu.vector_load %arg6[%swap3A_997] {strides = array<i32>} : memref<4096xi32, #tpu.memory_space<vmem>>, vector<16xi32>,
        tpu.vector_store %arg6[%swap3A_997], %broadcast_in_dim3A_1 {strides = array<i32>} : memref<4096xi32, #tpu.memory_space<vmem>>, vector<16xi32>,
        %mul3A_999 = arith.constant 256 : i32
        %mul3A_1000 = arith.muli %scan3A_869, %mul3A_999 : i32
        %add3A_1001 = arith.constant 112 : i32
        %add3A_1002 = arith.addi %mul3A_1000, %add3A_1001 : i32
        %swap3A_1003 = arith.index_cast %add3A_1002 : i32 to index
        %swap3A_1004 = tpu.vector_load %arg6[%swap3A_1003] {strides = array<i32>} : memref<4096xi32, #tpu.memory_space<vmem>>, vector<16xi32>,
        tpu.vector_store %arg6[%swap3A_1003], %broadcast_in_dim3A_1 {strides = array<i32>} : memref<4096xi32, #tpu.memory_space<vmem>>, vector<16xi32>,
        %mul3A_1005 = arith.constant 256 : i32
        %mul3A_1006 = arith.muli %scan3A_869, %mul3A_1005 : i32
        %add3A_1007 = arith.constant 128 : i32
        %add3A_1008 = arith.addi %mul3A_1006, %add3A_1007 : i32
        %swap3A_1009 = arith.index_cast %add3A_1008 : i32 to index
        %swap3A_1010 = tpu.vector_load %arg6[%swap3A_1009] {strides = array<i32>} : memref<4096xi32, #tpu.memory_space<vmem>>, vector<16xi32>,
        tpu.vector_store %arg6[%swap3A_1009], %broadcast_in_dim3A_1 {strides = array<i32>} : memref<4096xi32, #tpu.memory_space<vmem>>, vector<16xi32>,
        %mul3A_1011 = arith.constant 256 : i32
        %mul3A_1012 = arith.muli %scan3A_869, %mul3A_1011 : i32
        %add3A_1013 = arith.constant 144 : i32
        %add3A_1014 = arith.addi %mul3A_1012, %add3A_1013 : i32
        %swap3A_1015 = arith.index_cast %add3A_1014 : i32 to index
        %swap3A_1016 = tpu.vector_load %arg6[%swap3A_1015] {strides = array<i32>} : memref<4096xi32, #tpu.memory_space<vmem>>, vector<16xi32>,
        tpu.vector_store %arg6[%swap3A_1015], %broadcast_in_dim3A_1 {strides = array<i32>} : memref<4096xi32, #tpu.memory_space<vmem>>, vector<16xi32>,
        %mul3A_1017 = arith.constant 256 : i32
        %mul3A_1018 = arith.muli %scan3A_869, %mul3A_1017 : i32
        %add3A_1019 = arith.constant 160 : i32
        %add3A_1020 = arith.addi %mul3A_1018, %add3A_1019 : i32
        %swap3A_1021 = arith.index_cast %add3A_1020 : i32 to index
        %swap3A_1022 = tpu.vector_load %arg6[%swap3A_1021] {strides = array<i32>} : memref<4096xi32, #tpu.memory_space<vmem>>, vector<16xi32>,
        tpu.vector_store %arg6[%swap3A_1021], %broadcast_in_dim3A_1 {strides = array<i32>} : memref<4096xi32, #tpu.memory_space<vmem>>, vector<16xi32>,
        %mul3A_1023 = arith.constant 256 : i32
        %mul3A_1024 = arith.muli %scan3A_869, %mul3A_1023 : i32
        %add3A_1025 = arith.constant 176 : i32
        %add3A_1026 = arith.addi %mul3A_1024, %add3A_1025 : i32
        %swap3A_1027 = arith.index_cast %add3A_1026 : i32 to index
        %swap3A_1028 = tpu.vector_load %arg6[%swap3A_1027] {strides = array<i32>} : memref<4096xi32, #tpu.memory_space<vmem>>, vector<16xi32>,
        tpu.vector_store %arg6[%swap3A_1027], %broadcast_in_dim3A_1 {strides = array<i32>} : memref<4096xi32, #tpu.memory_space<vmem>>, vector<16xi32>,
        %mul3A_1029 = arith.constant 256 : i32
        %mul3A_1030 = arith.muli %scan3A_869, %mul3A_1029 : i32
        %add3A_1031 = arith.constant 192 : i32
        %add3A_1032 = arith.addi %mul3A_1030, %add3A_1031 : i32
        %swap3A_1033 = arith.index_cast %add3A_1032 : i32 to index
        %swap3A_1034 = tpu.vector_load %arg6[%swap3A_1033] {strides = array<i32>} : memref<4096xi32, #tpu.memory_space<vmem>>, vector<16xi32>,
        tpu.vector_store %arg6[%swap3A_1033], %broadcast_in_dim3A_1 {strides = array<i32>} : memref<4096xi32, #tpu.memory_space<vmem>>, vector<16xi32>,
        %mul3A_1035 = arith.constant 256 : i32
        %mul3A_1036 = arith.muli %scan3A_869, %mul3A_1035 : i32
        %add3A_1037 = arith.constant 208 : i32
        %add3A_1038 = arith.addi %mul3A_1036, %add3A_1037 : i32
        %swap3A_1039 = arith.index_cast %add3A_1038 : i32 to index
        %swap3A_1040 = tpu.vector_load %arg6[%swap3A_1039] {strides = array<i32>} : memref<4096xi32, #tpu.memory_space<vmem>>, vector<16xi32>,
        tpu.vector_store %arg6[%swap3A_1039], %broadcast_in_dim3A_1 {strides = array<i32>} : memref<4096xi32, #tpu.memory_space<vmem>>, vector<16xi32>,
        %mul3A_1041 = arith.constant 256 : i32
        %mul3A_1042 = arith.muli %scan3A_869, %mul3A_1041 : i32
        %add3A_1043 = arith.constant 224 : i32
        %add3A_1044 = arith.addi %mul3A_1042, %add3A_1043 : i32
        %swap3A_1045 = arith.index_cast %add3A_1044 : i32 to index
        %swap3A_1046 = tpu.vector_load %arg6[%swap3A_1045] {strides = array<i32>} : memref<4096xi32, #tpu.memory_space<vmem>>, vector<16xi32>,
        tpu.vector_store %arg6[%swap3A_1045], %broadcast_in_dim3A_1 {strides = array<i32>} : memref<4096xi32, #tpu.memory_space<vmem>>, vector<16xi32>,
        %mul3A_1047 = arith.constant 256 : i32
        %mul3A_1048 = arith.muli %scan3A_869, %mul3A_1047 : i32
        %add3A_1049 = arith.constant 240 : i32
        %add3A_1050 = arith.addi %mul3A_1048, %add3A_1049 : i32
        %swap3A_1051 = arith.index_cast %add3A_1050 : i32 to index
        %swap3A_1052 = tpu.vector_load %arg6[%swap3A_1051] {strides = array<i32>} : memref<4096xi32, #tpu.memory_space<vmem>>, vector<16xi32>,
        tpu.vector_store %arg6[%swap3A_1051], %broadcast_in_dim3A_1 {strides = array<i32>} : memref<4096xi32, #tpu.memory_space<vmem>>, vector<16xi32>,
        %mul3A_1053 = arith.constant 16 : i32
        %mul3A_1054 = arith.muli %scan3A_869, %mul3A_1053 : i32
        %swap3A_1055 = arith.index_cast %mul3A_1054 : i32 to index
        %swap3A_1056 = tpu.vector_load %arg7[%swap3A_1055] {strides = array<i32>} : memref<256xi32, #tpu.memory_space<vmem>>, vector<16xi32>,
        tpu.vector_store %arg7[%swap3A_1055], %add3A_956 {strides = array<i32>} : memref<256xi32, #tpu.memory_space<vmem>>, vector<16xi32>,
      }
      %scan3A_57 = arith.constant 16 : i32
      %scan3A_58 = arith.constant 0 : i32
      %scan3A_59 = arith.constant 0 : i32
      %scan3A_60 = arith.constant 0 : i32
      %scan3A_61 = arith.constant 0 : i32
      %scan3A_62 = arith.constant 16 : i32
      %scan3A_63 = arith.addi %scan3A_61, %scan3A_62 : i32
      %scan3A_64 = arith.constant 1 : i32
      %scan3A_65:3 = scf.for %scan3A_869 = %scan3A_61 to %scan3A_63 step %scan3A_64 iter_args(%scan3A_870 = %scan3A_58, %scan3A_871 = %scan3A_59, %scan3A_872 = %scan3A_60) -> (i32, i32, i32)  : i32 {
        %sub3A_873 = arith.constant 15 : i32
        %sub3A_874 = arith.subi %sub3A_873, %scan3A_869 : i32
        %mul3A_875 = arith.constant 16 : i32
        %mul3A_876 = arith.muli %sub3A_874, %mul3A_875 : i32
        %get3A = arith.index_cast %mul3A_876 : i32 to index
        %get3A_877 = tpu.vector_load %arg7[%get3A] {strides = array<i32>} : memref<256xi32, #tpu.memory_space<vmem>>, vector<16xi32>,
        %rev3A_878 = arith.constant 15 : i32
        %rev3A_879 = vector.broadcast %rev3A_878 : i32 to vector<16xi32>
        %rev3A_880 = tpu.iota {dimensions = array<i32: 0>} : vector<16xi32>
        %rev3A_881 = arith.subi %rev3A_879, %rev3A_880 : vector<16xi32>
        %rev3A_882 = tpu.dynamic_gather %get3A_877[%rev3A_881] in [0] : vector<16xi32>, vector<16xi32> -> vector<16xi32>
        %broadcast_in_dim3A_883 = arith.constant true
        %broadcast_in_dim3A_884 = vector.broadcast %broadcast_in_dim3A_883 : i1 to vector<16xi1>
        %masked_cumsum3A_885 = tpu.scan <sum>, %rev3A_882 masked %broadcast_in_dim3A_884 : vector<16xi32>, vector<16xi1> -> vector<16xi32>
        %add3A_886 = vector.broadcast %scan3A_872 : i32 to vector<16xi32>
        %add3A_887 = arith.addi %masked_cumsum3A_885, %add3A_886 : vector<16xi32>
        %ge3A_888 = vector.broadcast %sub3A_45 : i32 to vector<16xi32>
        %ge3A_889 = arith.cmpi sge, %add3A_887, %ge3A_888 : vector<16xi32>
        %convert_element_type3A_890 = arith.extui %ge3A_889 : vector<16xi1> to vector<16xi32>
        %reduce_sum3A_891 = arith.constant true
        %reduce_sum3A_892 = vector.broadcast %reduce_sum3A_891 : i1 to vector<16xi1>
        %reduce_sum3A_893 = tpu.scan <sum>, %convert_element_type3A_890 masked %reduce_sum3A_892 : vector<16xi32>, vector<16xi1> -> vector<16xi32>
        %reduce_sum3A_894 = vector.extract %reduce_sum3A_893[15] : i32 from vector<16xi32>
        %add3A_895 = arith.addi %scan3A_870, %reduce_sum3A_894 : i32
        %jit3A_896 = arith.constant 0 : i32
        %broadcast_in_dim3A_897 = vector.broadcast %jit3A_896 : i32 to vector<16xi32>
        %select_n3A_898 = arith.select %ge3A_889, %broadcast_in_dim3A_897, %rev3A_882 : vector<16xi1>, vector<16xi32>
        %reduce_sum3A_899 = arith.constant true
        %reduce_sum3A_900 = vector.broadcast %reduce_sum3A_899 : i1 to vector<16xi1>
        %reduce_sum3A_901 = tpu.scan <sum>, %select_n3A_898 masked %reduce_sum3A_900 : vector<16xi32>, vector<16xi1> -> vector<16xi32>
        %reduce_sum3A_902 = vector.extract %reduce_sum3A_901[15] : i32 from vector<16xi32>
        %add3A_903 = arith.addi %scan3A_871, %reduce_sum3A_902 : i32
        %reduce_sum3A_904 = arith.constant true
        %reduce_sum3A_905 = vector.broadcast %reduce_sum3A_904 : i1 to vector<16xi1>
        %reduce_sum3A_906 = tpu.scan <sum>, %get3A_877 masked %reduce_sum3A_905 : vector<16xi32>, vector<16xi1> -> vector<16xi32>
        %reduce_sum3A_907 = vector.extract %reduce_sum3A_906[15] : i32 from vector<16xi32>
        %add3A_908 = arith.addi %scan3A_872, %reduce_sum3A_907 : i32
        scf.yield %add3A_895, %add3A_903, %add3A_908 : i32, i32, i32
      }
      %scan3A_66 = arith.constant 16 : i32
      %sub3A_67 = arith.constant 1 : i32
      %sub3A_68 = arith.subi %scan3A_65#0, %sub3A_67 : i32
      %shift_left3A = arith.constant 8 : i32
      %shift_left3A_69 = arith.shli %sub3A_43, %shift_left3A : i32
      %or3A = arith.ori %shift_left3A_69, %sub3A_68 : i32
      %sub3A_70 = arith.subi %sub3A_45, %scan3A_65#1 : i32
      %reduce_max3A = arith.constant true
      %reduce_max3A_71 = vector.broadcast %reduce_max3A : i1 to vector<16xi1>
      %reduce_max3A_72 = arith.constant -2147483648 : i32
      %reduce_max3A_73 = vector.broadcast %reduce_max3A_72 : i32 to vector<16xi32>
      %reduce_max3A_74 = arith.xori %scan3A_50, %reduce_max3A_73 : vector<16xi32>
      %reduce_max3A_75 = tpu.scan <max>, %reduce_max3A_74 masked %reduce_max3A_71 : vector<16xi32>, vector<16xi1> -> vector<16xi32>
      %reduce_max3A_76 = arith.xori %reduce_max3A_75, %reduce_max3A_73 : vector<16xi32>
      %reduce_max3A_77 = vector.extract %reduce_max3A_76[15] : i32 from vector<16xi32>
      %while3A = arith.constant 0 : i32
      %while3A_78 = arith.constant 0 : i32
      %while3A_79 = arith.subi %reduce_max3A_77, %while3A_78 : i32
      %while3A_80 = arith.addi %while3A_78, %while3A_79 : i32
      %while3A_81 = arith.constant 1 : i32
      %while3A_82 = arith.divsi %while3A_79, %while3A_81 : i32
      %while3A_83 = arith.muli %while3A_82, %while3A_81 : i32
      %while3A_84 = arith.addi %while3A_78, %while3A_83 : i32
      %while3A_85 = arith.constant 1 : i32
      scf.for %while3A_869 = %while3A_78 to %while3A_84 step %while3A_85  : i32 {
        %mul3A_870 = arith.constant 16 : i32
        %mul3A_871 = arith.muli %while3A_869, %mul3A_870 : i32
        %get3A = arith.index_cast %mul3A_871 : i32 to index
        %get3A_872 = tpu.vector_load %arg5[%get3A] {strides = array<i32>} : memref<8192xi32, #tpu.memory_space<vmem>>, vector<16xi32>,
        %broadcast_in_dim3A_873 = arith.constant 16 : i32
        %broadcast_in_dim3A_874 = vector.broadcast %broadcast_in_dim3A_873 : i32 to vector<16xi32>
        %shift_right_logical3A = arith.shrui %get3A_872, %broadcast_in_dim3A_874 : vector<16xi32>
        %eq3A = vector.broadcast %or3A : i32 to vector<16xi32>
        %eq3A_875 = arith.cmpi eq, %shift_right_logical3A, %eq3A : vector<16xi32>
        %lt3A = vector.broadcast %while3A_869 : i32 to vector<16xi32>
        %lt3A_876 = arith.cmpi slt, %lt3A, %scan3A_50 : vector<16xi32>
        %and3A = arith.andi %eq3A_875, %lt3A_876 : vector<16xi1>
        %broadcast_in_dim3A_877 = arith.constant 12 : i32
        %broadcast_in_dim3A_878 = vector.broadcast %broadcast_in_dim3A_877 : i32 to vector<16xi32>
        %shift_right_logical3A_879 = arith.shrui %get3A_872, %broadcast_in_dim3A_878 : vector<16xi32>
        %and3A_880 = arith.constant 15 : i32
        %and3A_881 = vector.broadcast %and3A_880 : i32 to vector<16xi32>
        %and3A_882 = arith.andi %shift_right_logical3A_879, %and3A_881 : vector<16xi32>
        %mul3A_883 = arith.constant 16 : i32
        %mul3A_884 = vector.broadcast %mul3A_883 : i32 to vector<16xi32>
        %mul3A_885 = arith.muli %and3A_882, %mul3A_884 : vector<16xi32>
        %add3A_886 = arith.addi %mul3A_885, %iota3A : vector<16xi32>
        tpu.vector_store_idx %arg6[%add3A_886], %broadcast_in_dim3A_3 masked %and3A {add = true} : memref<4096xi32, #tpu.memory_space<vmem>>[vector<16xi32>], vector<16xi32>, vector<16xi1>
      }
      %while3A_86 = arith.constant 1 : i32
      scf.for %while3A_869 = %while3A_84 to %while3A_80 step %while3A_86  : i32 {
        %mul3A_870 = arith.constant 16 : i32
        %mul3A_871 = arith.muli %while3A_869, %mul3A_870 : i32
        %get3A = arith.index_cast %mul3A_871 : i32 to index
        %get3A_872 = tpu.vector_load %arg5[%get3A] {strides = array<i32>} : memref<8192xi32, #tpu.memory_space<vmem>>, vector<16xi32>,
        %broadcast_in_dim3A_873 = arith.constant 16 : i32
        %broadcast_in_dim3A_874 = vector.broadcast %broadcast_in_dim3A_873 : i32 to vector<16xi32>
        %shift_right_logical3A = arith.shrui %get3A_872, %broadcast_in_dim3A_874 : vector<16xi32>
        %eq3A = vector.broadcast %or3A : i32 to vector<16xi32>
        %eq3A_875 = arith.cmpi eq, %shift_right_logical3A, %eq3A : vector<16xi32>
        %lt3A = vector.broadcast %while3A_869 : i32 to vector<16xi32>
        %lt3A_876 = arith.cmpi slt, %lt3A, %scan3A_50 : vector<16xi32>
        %and3A = arith.andi %eq3A_875, %lt3A_876 : vector<16xi1>
        %broadcast_in_dim3A_877 = arith.constant 12 : i32
        %broadcast_in_dim3A_878 = vector.broadcast %broadcast_in_dim3A_877 : i32 to vector<16xi32>
        %shift_right_logical3A_879 = arith.shrui %get3A_872, %broadcast_in_dim3A_878 : vector<16xi32>
        %and3A_880 = arith.constant 15 : i32
        %and3A_881 = vector.broadcast %and3A_880 : i32 to vector<16xi32>
        %and3A_882 = arith.andi %shift_right_logical3A_879, %and3A_881 : vector<16xi32>
        %mul3A_883 = arith.constant 16 : i32
        %mul3A_884 = vector.broadcast %mul3A_883 : i32 to vector<16xi32>
        %mul3A_885 = arith.muli %and3A_882, %mul3A_884 : vector<16xi32>
        %add3A_886 = arith.addi %mul3A_885, %iota3A : vector<16xi32>
        tpu.vector_store_idx %arg6[%add3A_886], %broadcast_in_dim3A_3 masked %and3A {add = true} : memref<4096xi32, #tpu.memory_space<vmem>>[vector<16xi32>], vector<16xi32>, vector<16xi1>
      }
      %mul3A_87 = arith.constant 16 : i32
      %mul3A_88 = vector.broadcast %mul3A_87 : i32 to vector<16xi32>
      %mul3A_89 = arith.muli %iota3A, %mul3A_88 : vector<16xi32>
      %add3A_90 = arith.constant 0 : i32
      %add3A_91 = vector.broadcast %add3A_90 : i32 to vector<16xi32>
      %add3A_92 = arith.addi %mul3A_89, %add3A_91 : vector<16xi32>
      %gather3A = tpu.vector_load_idx %arg6[%add3A_92] : memref<4096xi32, #tpu.memory_space<vmem>>[vector<16xi32>], vector<16xi32>,
      %add3A_93 = arith.addi %broadcast_in_dim3A_1, %gather3A : vector<16xi32>
      %mul3A_94 = arith.constant 16 : i32
      %mul3A_95 = vector.broadcast %mul3A_94 : i32 to vector<16xi32>
      %mul3A_96 = arith.muli %iota3A, %mul3A_95 : vector<16xi32>
      %add3A_97 = arith.constant 1 : i32
      %add3A_98 = vector.broadcast %add3A_97 : i32 to vector<16xi32>
      %add3A_99 = arith.addi %mul3A_96, %add3A_98 : vector<16xi32>
      %gather3A_100 = tpu.vector_load_idx %arg6[%add3A_99] : memref<4096xi32, #tpu.memory_space<vmem>>[vector<16xi32>], vector<16xi32>,
      %add3A_101 = arith.addi %add3A_93, %gather3A_100 : vector<16xi32>
      %mul3A_102 = arith.constant 16 : i32
      %mul3A_103 = vector.broadcast %mul3A_102 : i32 to vector<16xi32>
      %mul3A_104 = arith.muli %iota3A, %mul3A_103 : vector<16xi32>
      %add3A_105 = arith.constant 2 : i32
      %add3A_106 = vector.broadcast %add3A_105 : i32 to vector<16xi32>
      %add3A_107 = arith.addi %mul3A_104, %add3A_106 : vector<16xi32>
      %gather3A_108 = tpu.vector_load_idx %arg6[%add3A_107] : memref<4096xi32, #tpu.memory_space<vmem>>[vector<16xi32>], vector<16xi32>,
      %add3A_109 = arith.addi %add3A_101, %gather3A_108 : vector<16xi32>
      %mul3A_110 = arith.constant 16 : i32
      %mul3A_111 = vector.broadcast %mul3A_110 : i32 to vector<16xi32>
      %mul3A_112 = arith.muli %iota3A, %mul3A_111 : vector<16xi32>
      %add3A_113 = arith.constant 3 : i32
      %add3A_114 = vector.broadcast %add3A_113 : i32 to vector<16xi32>
      %add3A_115 = arith.addi %mul3A_112, %add3A_114 : vector<16xi32>
      %gather3A_116 = tpu.vector_load_idx %arg6[%add3A_115] : memref<4096xi32, #tpu.memory_space<vmem>>[vector<16xi32>], vector<16xi32>,
      %add3A_117 = arith.addi %add3A_109, %gather3A_116 : vector<16xi32>
      %mul3A_118 = arith.constant 16 : i32
      %mul3A_119 = vector.broadcast %mul3A_118 : i32 to vector<16xi32>
      %mul3A_120 = arith.muli %iota3A, %mul3A_119 : vector<16xi32>
      %add3A_121 = arith.constant 4 : i32
      %add3A_122 = vector.broadcast %add3A_121 : i32 to vector<16xi32>
      %add3A_123 = arith.addi %mul3A_120, %add3A_122 : vector<16xi32>
      %gather3A_124 = tpu.vector_load_idx %arg6[%add3A_123] : memref<4096xi32, #tpu.memory_space<vmem>>[vector<16xi32>], vector<16xi32>,
      %add3A_125 = arith.addi %add3A_117, %gather3A_124 : vector<16xi32>
      %mul3A_126 = arith.constant 16 : i32
      %mul3A_127 = vector.broadcast %mul3A_126 : i32 to vector<16xi32>
      %mul3A_128 = arith.muli %iota3A, %mul3A_127 : vector<16xi32>
      %add3A_129 = arith.constant 5 : i32
      %add3A_130 = vector.broadcast %add3A_129 : i32 to vector<16xi32>
      %add3A_131 = arith.addi %mul3A_128, %add3A_130 : vector<16xi32>
      %gather3A_132 = tpu.vector_load_idx %arg6[%add3A_131] : memref<4096xi32, #tpu.memory_space<vmem>>[vector<16xi32>], vector<16xi32>,
      %add3A_133 = arith.addi %add3A_125, %gather3A_132 : vector<16xi32>
      %mul3A_134 = arith.constant 16 : i32
      %mul3A_135 = vector.broadcast %mul3A_134 : i32 to vector<16xi32>
      %mul3A_136 = arith.muli %iota3A, %mul3A_135 : vector<16xi32>
      %add3A_137 = arith.constant 6 : i32
      %add3A_138 = vector.broadcast %add3A_137 : i32 to vector<16xi32>
      %add3A_139 = arith.addi %mul3A_136, %add3A_138 : vector<16xi32>
      %gather3A_140 = tpu.vector_load_idx %arg6[%add3A_139] : memref<4096xi32, #tpu.memory_space<vmem>>[vector<16xi32>], vector<16xi32>,
      %add3A_141 = arith.addi %add3A_133, %gather3A_140 : vector<16xi32>
      %mul3A_142 = arith.constant 16 : i32
      %mul3A_143 = vector.broadcast %mul3A_142 : i32 to vector<16xi32>
      %mul3A_144 = arith.muli %iota3A, %mul3A_143 : vector<16xi32>
      %add3A_145 = arith.constant 7 : i32
      %add3A_146 = vector.broadcast %add3A_145 : i32 to vector<16xi32>
      %add3A_147 = arith.addi %mul3A_144, %add3A_146 : vector<16xi32>
      %gather3A_148 = tpu.vector_load_idx %arg6[%add3A_147] : memref<4096xi32, #tpu.memory_space<vmem>>[vector<16xi32>], vector<16xi32>,
      %add3A_149 = arith.addi %add3A_141, %gather3A_148 : vector<16xi32>
      %mul3A_150 = arith.constant 16 : i32
      %mul3A_151 = vector.broadcast %mul3A_150 : i32 to vector<16xi32>
      %mul3A_152 = arith.muli %iota3A, %mul3A_151 : vector<16xi32>
      %add3A_153 = arith.constant 8 : i32
      %add3A_154 = vector.broadcast %add3A_153 : i32 to vector<16xi32>
      %add3A_155 = arith.addi %mul3A_152, %add3A_154 : vector<16xi32>
      %gather3A_156 = tpu.vector_load_idx %arg6[%add3A_155] : memref<4096xi32, #tpu.memory_space<vmem>>[vector<16xi32>], vector<16xi32>,
      %add3A_157 = arith.addi %add3A_149, %gather3A_156 : vector<16xi32>
      %mul3A_158 = arith.constant 16 : i32
      %mul3A_159 = vector.broadcast %mul3A_158 : i32 to vector<16xi32>
      %mul3A_160 = arith.muli %iota3A, %mul3A_159 : vector<16xi32>
      %add3A_161 = arith.constant 9 : i32
      %add3A_162 = vector.broadcast %add3A_161 : i32 to vector<16xi32>
      %add3A_163 = arith.addi %mul3A_160, %add3A_162 : vector<16xi32>
      %gather3A_164 = tpu.vector_load_idx %arg6[%add3A_163] : memref<4096xi32, #tpu.memory_space<vmem>>[vector<16xi32>], vector<16xi32>,
      %add3A_165 = arith.addi %add3A_157, %gather3A_164 : vector<16xi32>
      %mul3A_166 = arith.constant 16 : i32
      %mul3A_167 = vector.broadcast %mul3A_166 : i32 to vector<16xi32>
      %mul3A_168 = arith.muli %iota3A, %mul3A_167 : vector<16xi32>
      %add3A_169 = arith.constant 10 : i32
      %add3A_170 = vector.broadcast %add3A_169 : i32 to vector<16xi32>
      %add3A_171 = arith.addi %mul3A_168, %add3A_170 : vector<16xi32>
      %gather3A_172 = tpu.vector_load_idx %arg6[%add3A_171] : memref<4096xi32, #tpu.memory_space<vmem>>[vector<16xi32>], vector<16xi32>,
      %add3A_173 = arith.addi %add3A_165, %gather3A_172 : vector<16xi32>
      %mul3A_174 = arith.constant 16 : i32
      %mul3A_175 = vector.broadcast %mul3A_174 : i32 to vector<16xi32>
      %mul3A_176 = arith.muli %iota3A, %mul3A_175 : vector<16xi32>
      %add3A_177 = arith.constant 11 : i32
      %add3A_178 = vector.broadcast %add3A_177 : i32 to vector<16xi32>
      %add3A_179 = arith.addi %mul3A_176, %add3A_178 : vector<16xi32>
      %gather3A_180 = tpu.vector_load_idx %arg6[%add3A_179] : memref<4096xi32, #tpu.memory_space<vmem>>[vector<16xi32>], vector<16xi32>,
      %add3A_181 = arith.addi %add3A_173, %gather3A_180 : vector<16xi32>
      %mul3A_182 = arith.constant 16 : i32
      %mul3A_183 = vector.broadcast %mul3A_182 : i32 to vector<16xi32>
      %mul3A_184 = arith.muli %iota3A, %mul3A_183 : vector<16xi32>
      %add3A_185 = arith.constant 12 : i32
      %add3A_186 = vector.broadcast %add3A_185 : i32 to vector<16xi32>
      %add3A_187 = arith.addi %mul3A_184, %add3A_186 : vector<16xi32>
      %gather3A_188 = tpu.vector_load_idx %arg6[%add3A_187] : memref<4096xi32, #tpu.memory_space<vmem>>[vector<16xi32>], vector<16xi32>,
      %add3A_189 = arith.addi %add3A_181, %gather3A_188 : vector<16xi32>
      %mul3A_190 = arith.constant 16 : i32
      %mul3A_191 = vector.broadcast %mul3A_190 : i32 to vector<16xi32>
      %mul3A_192 = arith.muli %iota3A, %mul3A_191 : vector<16xi32>
      %add3A_193 = arith.constant 13 : i32
      %add3A_194 = vector.broadcast %add3A_193 : i32 to vector<16xi32>
      %add3A_195 = arith.addi %mul3A_192, %add3A_194 : vector<16xi32>
      %gather3A_196 = tpu.vector_load_idx %arg6[%add3A_195] : memref<4096xi32, #tpu.memory_space<vmem>>[vector<16xi32>], vector<16xi32>,
      %add3A_197 = arith.addi %add3A_189, %gather3A_196 : vector<16xi32>
      %mul3A_198 = arith.constant 16 : i32
      %mul3A_199 = vector.broadcast %mul3A_198 : i32 to vector<16xi32>
      %mul3A_200 = arith.muli %iota3A, %mul3A_199 : vector<16xi32>
      %add3A_201 = arith.constant 14 : i32
      %add3A_202 = vector.broadcast %add3A_201 : i32 to vector<16xi32>
      %add3A_203 = arith.addi %mul3A_200, %add3A_202 : vector<16xi32>
      %gather3A_204 = tpu.vector_load_idx %arg6[%add3A_203] : memref<4096xi32, #tpu.memory_space<vmem>>[vector<16xi32>], vector<16xi32>,
      %add3A_205 = arith.addi %add3A_197, %gather3A_204 : vector<16xi32>
      %mul3A_206 = arith.constant 16 : i32
      %mul3A_207 = vector.broadcast %mul3A_206 : i32 to vector<16xi32>
      %mul3A_208 = arith.muli %iota3A, %mul3A_207 : vector<16xi32>
      %add3A_209 = arith.constant 15 : i32
      %add3A_210 = vector.broadcast %add3A_209 : i32 to vector<16xi32>
      %add3A_211 = arith.addi %mul3A_208, %add3A_210 : vector<16xi32>
      %gather3A_212 = tpu.vector_load_idx %arg6[%add3A_211] : memref<4096xi32, #tpu.memory_space<vmem>>[vector<16xi32>], vector<16xi32>,
      %add3A_213 = arith.addi %add3A_205, %gather3A_212 : vector<16xi32>
      %swap3A = arith.constant 0 : index
      %swap3A_214 = tpu.vector_load %arg6[%swap3A] {strides = array<i32>} : memref<4096xi32, #tpu.memory_space<vmem>>, vector<16xi32>,
      tpu.vector_store %arg6[%swap3A], %broadcast_in_dim3A_1 {strides = array<i32>} : memref<4096xi32, #tpu.memory_space<vmem>>, vector<16xi32>,
      %swap3A_215 = arith.constant 16 : index
      %swap3A_216 = tpu.vector_load %arg6[%swap3A_215] {strides = array<i32>} : memref<4096xi32, #tpu.memory_space<vmem>>, vector<16xi32>,
      tpu.vector_store %arg6[%swap3A_215], %broadcast_in_dim3A_1 {strides = array<i32>} : memref<4096xi32, #tpu.memory_space<vmem>>, vector<16xi32>,
      %swap3A_217 = arith.constant 32 : index
      %swap3A_218 = tpu.vector_load %arg6[%swap3A_217] {strides = array<i32>} : memref<4096xi32, #tpu.memory_space<vmem>>, vector<16xi32>,
      tpu.vector_store %arg6[%swap3A_217], %broadcast_in_dim3A_1 {strides = array<i32>} : memref<4096xi32, #tpu.memory_space<vmem>>, vector<16xi32>,
      %swap3A_219 = arith.constant 48 : index
      %swap3A_220 = tpu.vector_load %arg6[%swap3A_219] {strides = array<i32>} : memref<4096xi32, #tpu.memory_space<vmem>>, vector<16xi32>,
      tpu.vector_store %arg6[%swap3A_219], %broadcast_in_dim3A_1 {strides = array<i32>} : memref<4096xi32, #tpu.memory_space<vmem>>, vector<16xi32>,
      %swap3A_221 = arith.constant 64 : index
      %swap3A_222 = tpu.vector_load %arg6[%swap3A_221] {strides = array<i32>} : memref<4096xi32, #tpu.memory_space<vmem>>, vector<16xi32>,
      tpu.vector_store %arg6[%swap3A_221], %broadcast_in_dim3A_1 {strides = array<i32>} : memref<4096xi32, #tpu.memory_space<vmem>>, vector<16xi32>,
      %swap3A_223 = arith.constant 80 : index
      %swap3A_224 = tpu.vector_load %arg6[%swap3A_223] {strides = array<i32>} : memref<4096xi32, #tpu.memory_space<vmem>>, vector<16xi32>,
      tpu.vector_store %arg6[%swap3A_223], %broadcast_in_dim3A_1 {strides = array<i32>} : memref<4096xi32, #tpu.memory_space<vmem>>, vector<16xi32>,
      %swap3A_225 = arith.constant 96 : index
      %swap3A_226 = tpu.vector_load %arg6[%swap3A_225] {strides = array<i32>} : memref<4096xi32, #tpu.memory_space<vmem>>, vector<16xi32>,
      tpu.vector_store %arg6[%swap3A_225], %broadcast_in_dim3A_1 {strides = array<i32>} : memref<4096xi32, #tpu.memory_space<vmem>>, vector<16xi32>,
      %swap3A_227 = arith.constant 112 : index
      %swap3A_228 = tpu.vector_load %arg6[%swap3A_227] {strides = array<i32>} : memref<4096xi32, #tpu.memory_space<vmem>>, vector<16xi32>,
      tpu.vector_store %arg6[%swap3A_227], %broadcast_in_dim3A_1 {strides = array<i32>} : memref<4096xi32, #tpu.memory_space<vmem>>, vector<16xi32>,
      %swap3A_229 = arith.constant 128 : index
      %swap3A_230 = tpu.vector_load %arg6[%swap3A_229] {strides = array<i32>} : memref<4096xi32, #tpu.memory_space<vmem>>, vector<16xi32>,
      tpu.vector_store %arg6[%swap3A_229], %broadcast_in_dim3A_1 {strides = array<i32>} : memref<4096xi32, #tpu.memory_space<vmem>>, vector<16xi32>,
      %swap3A_231 = arith.constant 144 : index
      %swap3A_232 = tpu.vector_load %arg6[%swap3A_231] {strides = array<i32>} : memref<4096xi32, #tpu.memory_space<vmem>>, vector<16xi32>,
      tpu.vector_store %arg6[%swap3A_231], %broadcast_in_dim3A_1 {strides = array<i32>} : memref<4096xi32, #tpu.memory_space<vmem>>, vector<16xi32>,
      %swap3A_233 = arith.constant 160 : index
      %swap3A_234 = tpu.vector_load %arg6[%swap3A_233] {strides = array<i32>} : memref<4096xi32, #tpu.memory_space<vmem>>, vector<16xi32>,
      tpu.vector_store %arg6[%swap3A_233], %broadcast_in_dim3A_1 {strides = array<i32>} : memref<4096xi32, #tpu.memory_space<vmem>>, vector<16xi32>,
      %swap3A_235 = arith.constant 176 : index
      %swap3A_236 = tpu.vector_load %arg6[%swap3A_235] {strides = array<i32>} : memref<4096xi32, #tpu.memory_space<vmem>>, vector<16xi32>,
      tpu.vector_store %arg6[%swap3A_235], %broadcast_in_dim3A_1 {strides = array<i32>} : memref<4096xi32, #tpu.memory_space<vmem>>, vector<16xi32>,
      %swap3A_237 = arith.constant 192 : index
      %swap3A_238 = tpu.vector_load %arg6[%swap3A_237] {strides = array<i32>} : memref<4096xi32, #tpu.memory_space<vmem>>, vector<16xi32>,
      tpu.vector_store %arg6[%swap3A_237], %broadcast_in_dim3A_1 {strides = array<i32>} : memref<4096xi32, #tpu.memory_space<vmem>>, vector<16xi32>,
      %swap3A_239 = arith.constant 208 : index
      %swap3A_240 = tpu.vector_load %arg6[%swap3A_239] {strides = array<i32>} : memref<4096xi32, #tpu.memory_space<vmem>>, vector<16xi32>,
      tpu.vector_store %arg6[%swap3A_239], %broadcast_in_dim3A_1 {strides = array<i32>} : memref<4096xi32, #tpu.memory_space<vmem>>, vector<16xi32>,
      %swap3A_241 = arith.constant 224 : index
      %swap3A_242 = tpu.vector_load %arg6[%swap3A_241] {strides = array<i32>} : memref<4096xi32, #tpu.memory_space<vmem>>, vector<16xi32>,
      tpu.vector_store %arg6[%swap3A_241], %broadcast_in_dim3A_1 {strides = array<i32>} : memref<4096xi32, #tpu.memory_space<vmem>>, vector<16xi32>,
      %swap3A_243 = arith.constant 240 : index
      %swap3A_244 = tpu.vector_load %arg6[%swap3A_243] {strides = array<i32>} : memref<4096xi32, #tpu.memory_space<vmem>>, vector<16xi32>,
      tpu.vector_store %arg6[%swap3A_243], %broadcast_in_dim3A_1 {strides = array<i32>} : memref<4096xi32, #tpu.memory_space<vmem>>, vector<16xi32>,
      %rev3A = arith.constant 15 : i32
      %rev3A_245 = vector.broadcast %rev3A : i32 to vector<16xi32>
      %rev3A_246 = tpu.iota {dimensions = array<i32: 0>} : vector<16xi32>
      %rev3A_247 = arith.subi %rev3A_245, %rev3A_246 : vector<16xi32>
      %rev3A_248 = tpu.dynamic_gather %add3A_213[%rev3A_247] in [0] : vector<16xi32>, vector<16xi32> -> vector<16xi32>
      %broadcast_in_dim3A_249 = arith.constant true
      %broadcast_in_dim3A_250 = vector.broadcast %broadcast_in_dim3A_249 : i1 to vector<16xi1>
      %masked_cumsum3A = tpu.scan <sum>, %rev3A_248 masked %broadcast_in_dim3A_250 : vector<16xi32>, vector<16xi1> -> vector<16xi32>
      %ge3A = vector.broadcast %sub3A_70 : i32 to vector<16xi32>
      %ge3A_251 = arith.cmpi sge, %masked_cumsum3A, %ge3A : vector<16xi32>
      %convert_element_type3A = arith.extui %ge3A_251 : vector<16xi1> to vector<16xi32>
      %reduce_sum3A = arith.constant true
      %reduce_sum3A_252 = vector.broadcast %reduce_sum3A : i1 to vector<16xi1>
      %reduce_sum3A_253 = tpu.scan <sum>, %convert_element_type3A masked %reduce_sum3A_252 : vector<16xi32>, vector<16xi1> -> vector<16xi32>
      %reduce_sum3A_254 = vector.extract %reduce_sum3A_253[15] : i32 from vector<16xi32>
      %jit3A = arith.constant 0 : i32
      %broadcast_in_dim3A_255 = vector.broadcast %jit3A : i32 to vector<16xi32>
      %select_n3A = arith.select %ge3A_251, %broadcast_in_dim3A_255, %rev3A_248 : vector<16xi1>, vector<16xi32>
      %reduce_sum3A_256 = arith.constant true
      %reduce_sum3A_257 = vector.broadcast %reduce_sum3A_256 : i1 to vector<16xi1>
      %reduce_sum3A_258 = tpu.scan <sum>, %select_n3A masked %reduce_sum3A_257 : vector<16xi32>, vector<16xi1> -> vector<16xi32>
      %reduce_sum3A_259 = vector.extract %reduce_sum3A_258[15] : i32 from vector<16xi32>
      %shift_left3A_260 = arith.constant 4 : i32
      %shift_left3A_261 = arith.shli %or3A, %shift_left3A_260 : i32
      %sub3A_262 = arith.constant 1 : i32
      %sub3A_263 = arith.subi %reduce_sum3A_254, %sub3A_262 : i32
      %or3A_264 = arith.ori %shift_left3A_261, %sub3A_263 : i32
      %sub3A_265 = arith.subi %sub3A_70, %reduce_sum3A_259 : i32
      %while3A_266 = arith.constant 0 : i32
      %while3A_267 = arith.constant 0 : i32
      %while3A_268 = arith.subi %reduce_max3A_77, %while3A_267 : i32
      %while3A_269 = arith.addi %while3A_267, %while3A_268 : i32
      %while3A_270 = arith.constant 1 : i32
      %while3A_271 = arith.divsi %while3A_268, %while3A_270 : i32
      %while3A_272 = arith.muli %while3A_271, %while3A_270 : i32
      %while3A_273 = arith.addi %while3A_267, %while3A_272 : i32
      %while3A_274 = arith.constant 1 : i32
      scf.for %while3A_869 = %while3A_267 to %while3A_273 step %while3A_274  : i32 {
        %mul3A_870 = arith.constant 16 : i32
        %mul3A_871 = arith.muli %while3A_869, %mul3A_870 : i32
        %get3A = arith.index_cast %mul3A_871 : i32 to index
        %get3A_872 = tpu.vector_load %arg5[%get3A] {strides = array<i32>} : memref<8192xi32, #tpu.memory_space<vmem>>, vector<16xi32>,
        %broadcast_in_dim3A_873 = arith.constant 12 : i32
        %broadcast_in_dim3A_874 = vector.broadcast %broadcast_in_dim3A_873 : i32 to vector<16xi32>
        %shift_right_logical3A = arith.shrui %get3A_872, %broadcast_in_dim3A_874 : vector<16xi32>
        %eq3A = vector.broadcast %or3A_264 : i32 to vector<16xi32>
        %eq3A_875 = arith.cmpi eq, %shift_right_logical3A, %eq3A : vector<16xi32>
        %lt3A = vector.broadcast %while3A_869 : i32 to vector<16xi32>
        %lt3A_876 = arith.cmpi slt, %lt3A, %scan3A_50 : vector<16xi32>
        %and3A = arith.andi %eq3A_875, %lt3A_876 : vector<16xi1>
        %broadcast_in_dim3A_877 = arith.constant 8 : i32
        %broadcast_in_dim3A_878 = vector.broadcast %broadcast_in_dim3A_877 : i32 to vector<16xi32>
        %shift_right_logical3A_879 = arith.shrui %get3A_872, %broadcast_in_dim3A_878 : vector<16xi32>
        %and3A_880 = arith.constant 15 : i32
        %and3A_881 = vector.broadcast %and3A_880 : i32 to vector<16xi32>
        %and3A_882 = arith.andi %shift_right_logical3A_879, %and3A_881 : vector<16xi32>
        %mul3A_883 = arith.constant 16 : i32
        %mul3A_884 = vector.broadcast %mul3A_883 : i32 to vector<16xi32>
        %mul3A_885 = arith.muli %and3A_882, %mul3A_884 : vector<16xi32>
        %add3A_886 = arith.addi %mul3A_885, %iota3A : vector<16xi32>
        tpu.vector_store_idx %arg6[%add3A_886], %broadcast_in_dim3A_3 masked %and3A {add = true} : memref<4096xi32, #tpu.memory_space<vmem>>[vector<16xi32>], vector<16xi32>, vector<16xi1>
      }
      %while3A_275 = arith.constant 1 : i32
      scf.for %while3A_869 = %while3A_273 to %while3A_269 step %while3A_275  : i32 {
        %mul3A_870 = arith.constant 16 : i32
        %mul3A_871 = arith.muli %while3A_869, %mul3A_870 : i32
        %get3A = arith.index_cast %mul3A_871 : i32 to index
        %get3A_872 = tpu.vector_load %arg5[%get3A] {strides = array<i32>} : memref<8192xi32, #tpu.memory_space<vmem>>, vector<16xi32>,
        %broadcast_in_dim3A_873 = arith.constant 12 : i32
        %broadcast_in_dim3A_874 = vector.broadcast %broadcast_in_dim3A_873 : i32 to vector<16xi32>
        %shift_right_logical3A = arith.shrui %get3A_872, %broadcast_in_dim3A_874 : vector<16xi32>
        %eq3A = vector.broadcast %or3A_264 : i32 to vector<16xi32>
        %eq3A_875 = arith.cmpi eq, %shift_right_logical3A, %eq3A : vector<16xi32>
        %lt3A = vector.broadcast %while3A_869 : i32 to vector<16xi32>
        %lt3A_876 = arith.cmpi slt, %lt3A, %scan3A_50 : vector<16xi32>
        %and3A = arith.andi %eq3A_875, %lt3A_876 : vector<16xi1>
        %broadcast_in_dim3A_877 = arith.constant 8 : i32
        %broadcast_in_dim3A_878 = vector.broadcast %broadcast_in_dim3A_877 : i32 to vector<16xi32>
        %shift_right_logical3A_879 = arith.shrui %get3A_872, %broadcast_in_dim3A_878 : vector<16xi32>
        %and3A_880 = arith.constant 15 : i32
        %and3A_881 = vector.broadcast %and3A_880 : i32 to vector<16xi32>
        %and3A_882 = arith.andi %shift_right_logical3A_879, %and3A_881 : vector<16xi32>
        %mul3A_883 = arith.constant 16 : i32
        %mul3A_884 = vector.broadcast %mul3A_883 : i32 to vector<16xi32>
        %mul3A_885 = arith.muli %and3A_882, %mul3A_884 : vector<16xi32>
        %add3A_886 = arith.addi %mul3A_885, %iota3A : vector<16xi32>
        tpu.vector_store_idx %arg6[%add3A_886], %broadcast_in_dim3A_3 masked %and3A {add = true} : memref<4096xi32, #tpu.memory_space<vmem>>[vector<16xi32>], vector<16xi32>, vector<16xi1>
      }
      %mul3A_276 = arith.constant 16 : i32
      %mul3A_277 = vector.broadcast %mul3A_276 : i32 to vector<16xi32>
      %mul3A_278 = arith.muli %iota3A, %mul3A_277 : vector<16xi32>
      %add3A_279 = arith.constant 0 : i32
      %add3A_280 = vector.broadcast %add3A_279 : i32 to vector<16xi32>
      %add3A_281 = arith.addi %mul3A_278, %add3A_280 : vector<16xi32>
      %gather3A_282 = tpu.vector_load_idx %arg6[%add3A_281] : memref<4096xi32, #tpu.memory_space<vmem>>[vector<16xi32>], vector<16xi32>,
      %add3A_283 = arith.addi %broadcast_in_dim3A_1, %gather3A_282 : vector<16xi32>
      %mul3A_284 = arith.constant 16 : i32
      %mul3A_285 = vector.broadcast %mul3A_284 : i32 to vector<16xi32>
      %mul3A_286 = arith.muli %iota3A, %mul3A_285 : vector<16xi32>
      %add3A_287 = arith.constant 1 : i32
      %add3A_288 = vector.broadcast %add3A_287 : i32 to vector<16xi32>
      %add3A_289 = arith.addi %mul3A_286, %add3A_288 : vector<16xi32>
      %gather3A_290 = tpu.vector_load_idx %arg6[%add3A_289] : memref<4096xi32, #tpu.memory_space<vmem>>[vector<16xi32>], vector<16xi32>,
      %add3A_291 = arith.addi %add3A_283, %gather3A_290 : vector<16xi32>
      %mul3A_292 = arith.constant 16 : i32
      %mul3A_293 = vector.broadcast %mul3A_292 : i32 to vector<16xi32>
      %mul3A_294 = arith.muli %iota3A, %mul3A_293 : vector<16xi32>
      %add3A_295 = arith.constant 2 : i32
      %add3A_296 = vector.broadcast %add3A_295 : i32 to vector<16xi32>
      %add3A_297 = arith.addi %mul3A_294, %add3A_296 : vector<16xi32>
      %gather3A_298 = tpu.vector_load_idx %arg6[%add3A_297] : memref<4096xi32, #tpu.memory_space<vmem>>[vector<16xi32>], vector<16xi32>,
      %add3A_299 = arith.addi %add3A_291, %gather3A_298 : vector<16xi32>
      %mul3A_300 = arith.constant 16 : i32
      %mul3A_301 = vector.broadcast %mul3A_300 : i32 to vector<16xi32>
      %mul3A_302 = arith.muli %iota3A, %mul3A_301 : vector<16xi32>
      %add3A_303 = arith.constant 3 : i32
      %add3A_304 = vector.broadcast %add3A_303 : i32 to vector<16xi32>
      %add3A_305 = arith.addi %mul3A_302, %add3A_304 : vector<16xi32>
      %gather3A_306 = tpu.vector_load_idx %arg6[%add3A_305] : memref<4096xi32, #tpu.memory_space<vmem>>[vector<16xi32>], vector<16xi32>,
      %add3A_307 = arith.addi %add3A_299, %gather3A_306 : vector<16xi32>
      %mul3A_308 = arith.constant 16 : i32
      %mul3A_309 = vector.broadcast %mul3A_308 : i32 to vector<16xi32>
      %mul3A_310 = arith.muli %iota3A, %mul3A_309 : vector<16xi32>
      %add3A_311 = arith.constant 4 : i32
      %add3A_312 = vector.broadcast %add3A_311 : i32 to vector<16xi32>
      %add3A_313 = arith.addi %mul3A_310, %add3A_312 : vector<16xi32>
      %gather3A_314 = tpu.vector_load_idx %arg6[%add3A_313] : memref<4096xi32, #tpu.memory_space<vmem>>[vector<16xi32>], vector<16xi32>,
      %add3A_315 = arith.addi %add3A_307, %gather3A_314 : vector<16xi32>
      %mul3A_316 = arith.constant 16 : i32
      %mul3A_317 = vector.broadcast %mul3A_316 : i32 to vector<16xi32>
      %mul3A_318 = arith.muli %iota3A, %mul3A_317 : vector<16xi32>
      %add3A_319 = arith.constant 5 : i32
      %add3A_320 = vector.broadcast %add3A_319 : i32 to vector<16xi32>
      %add3A_321 = arith.addi %mul3A_318, %add3A_320 : vector<16xi32>
      %gather3A_322 = tpu.vector_load_idx %arg6[%add3A_321] : memref<4096xi32, #tpu.memory_space<vmem>>[vector<16xi32>], vector<16xi32>,
      %add3A_323 = arith.addi %add3A_315, %gather3A_322 : vector<16xi32>
      %mul3A_324 = arith.constant 16 : i32
      %mul3A_325 = vector.broadcast %mul3A_324 : i32 to vector<16xi32>
      %mul3A_326 = arith.muli %iota3A, %mul3A_325 : vector<16xi32>
      %add3A_327 = arith.constant 6 : i32
      %add3A_328 = vector.broadcast %add3A_327 : i32 to vector<16xi32>
      %add3A_329 = arith.addi %mul3A_326, %add3A_328 : vector<16xi32>
      %gather3A_330 = tpu.vector_load_idx %arg6[%add3A_329] : memref<4096xi32, #tpu.memory_space<vmem>>[vector<16xi32>], vector<16xi32>,
      %add3A_331 = arith.addi %add3A_323, %gather3A_330 : vector<16xi32>
      %mul3A_332 = arith.constant 16 : i32
      %mul3A_333 = vector.broadcast %mul3A_332 : i32 to vector<16xi32>
      %mul3A_334 = arith.muli %iota3A, %mul3A_333 : vector<16xi32>
      %add3A_335 = arith.constant 7 : i32
      %add3A_336 = vector.broadcast %add3A_335 : i32 to vector<16xi32>
      %add3A_337 = arith.addi %mul3A_334, %add3A_336 : vector<16xi32>
      %gather3A_338 = tpu.vector_load_idx %arg6[%add3A_337] : memref<4096xi32, #tpu.memory_space<vmem>>[vector<16xi32>], vector<16xi32>,
      %add3A_339 = arith.addi %add3A_331, %gather3A_338 : vector<16xi32>
      %mul3A_340 = arith.constant 16 : i32
      %mul3A_341 = vector.broadcast %mul3A_340 : i32 to vector<16xi32>
      %mul3A_342 = arith.muli %iota3A, %mul3A_341 : vector<16xi32>
      %add3A_343 = arith.constant 8 : i32
      %add3A_344 = vector.broadcast %add3A_343 : i32 to vector<16xi32>
      %add3A_345 = arith.addi %mul3A_342, %add3A_344 : vector<16xi32>
      %gather3A_346 = tpu.vector_load_idx %arg6[%add3A_345] : memref<4096xi32, #tpu.memory_space<vmem>>[vector<16xi32>], vector<16xi32>,
      %add3A_347 = arith.addi %add3A_339, %gather3A_346 : vector<16xi32>
      %mul3A_348 = arith.constant 16 : i32
      %mul3A_349 = vector.broadcast %mul3A_348 : i32 to vector<16xi32>
      %mul3A_350 = arith.muli %iota3A, %mul3A_349 : vector<16xi32>
      %add3A_351 = arith.constant 9 : i32
      %add3A_352 = vector.broadcast %add3A_351 : i32 to vector<16xi32>
      %add3A_353 = arith.addi %mul3A_350, %add3A_352 : vector<16xi32>
      %gather3A_354 = tpu.vector_load_idx %arg6[%add3A_353] : memref<4096xi32, #tpu.memory_space<vmem>>[vector<16xi32>], vector<16xi32>,
      %add3A_355 = arith.addi %add3A_347, %gather3A_354 : vector<16xi32>
      %mul3A_356 = arith.constant 16 : i32
      %mul3A_357 = vector.broadcast %mul3A_356 : i32 to vector<16xi32>
      %mul3A_358 = arith.muli %iota3A, %mul3A_357 : vector<16xi32>
      %add3A_359 = arith.constant 10 : i32
      %add3A_360 = vector.broadcast %add3A_359 : i32 to vector<16xi32>
      %add3A_361 = arith.addi %mul3A_358, %add3A_360 : vector<16xi32>
      %gather3A_362 = tpu.vector_load_idx %arg6[%add3A_361] : memref<4096xi32, #tpu.memory_space<vmem>>[vector<16xi32>], vector<16xi32>,
      %add3A_363 = arith.addi %add3A_355, %gather3A_362 : vector<16xi32>
      %mul3A_364 = arith.constant 16 : i32
      %mul3A_365 = vector.broadcast %mul3A_364 : i32 to vector<16xi32>
      %mul3A_366 = arith.muli %iota3A, %mul3A_365 : vector<16xi32>
      %add3A_367 = arith.constant 11 : i32
      %add3A_368 = vector.broadcast %add3A_367 : i32 to vector<16xi32>
      %add3A_369 = arith.addi %mul3A_366, %add3A_368 : vector<16xi32>
      %gather3A_370 = tpu.vector_load_idx %arg6[%add3A_369] : memref<4096xi32, #tpu.memory_space<vmem>>[vector<16xi32>], vector<16xi32>,
      %add3A_371 = arith.addi %add3A_363, %gather3A_370 : vector<16xi32>
      %mul3A_372 = arith.constant 16 : i32
      %mul3A_373 = vector.broadcast %mul3A_372 : i32 to vector<16xi32>
      %mul3A_374 = arith.muli %iota3A, %mul3A_373 : vector<16xi32>
      %add3A_375 = arith.constant 12 : i32
      %add3A_376 = vector.broadcast %add3A_375 : i32 to vector<16xi32>
      %add3A_377 = arith.addi %mul3A_374, %add3A_376 : vector<16xi32>
      %gather3A_378 = tpu.vector_load_idx %arg6[%add3A_377] : memref<4096xi32, #tpu.memory_space<vmem>>[vector<16xi32>], vector<16xi32>,
      %add3A_379 = arith.addi %add3A_371, %gather3A_378 : vector<16xi32>
      %mul3A_380 = arith.constant 16 : i32
      %mul3A_381 = vector.broadcast %mul3A_380 : i32 to vector<16xi32>
      %mul3A_382 = arith.muli %iota3A, %mul3A_381 : vector<16xi32>
      %add3A_383 = arith.constant 13 : i32
      %add3A_384 = vector.broadcast %add3A_383 : i32 to vector<16xi32>
      %add3A_385 = arith.addi %mul3A_382, %add3A_384 : vector<16xi32>
      %gather3A_386 = tpu.vector_load_idx %arg6[%add3A_385] : memref<4096xi32, #tpu.memory_space<vmem>>[vector<16xi32>], vector<16xi32>,
      %add3A_387 = arith.addi %add3A_379, %gather3A_386 : vector<16xi32>
      %mul3A_388 = arith.constant 16 : i32
      %mul3A_389 = vector.broadcast %mul3A_388 : i32 to vector<16xi32>
      %mul3A_390 = arith.muli %iota3A, %mul3A_389 : vector<16xi32>
      %add3A_391 = arith.constant 14 : i32
      %add3A_392 = vector.broadcast %add3A_391 : i32 to vector<16xi32>
      %add3A_393 = arith.addi %mul3A_390, %add3A_392 : vector<16xi32>
      %gather3A_394 = tpu.vector_load_idx %arg6[%add3A_393] : memref<4096xi32, #tpu.memory_space<vmem>>[vector<16xi32>], vector<16xi32>,
      %add3A_395 = arith.addi %add3A_387, %gather3A_394 : vector<16xi32>
      %mul3A_396 = arith.constant 16 : i32
      %mul3A_397 = vector.broadcast %mul3A_396 : i32 to vector<16xi32>
      %mul3A_398 = arith.muli %iota3A, %mul3A_397 : vector<16xi32>
      %add3A_399 = arith.constant 15 : i32
      %add3A_400 = vector.broadcast %add3A_399 : i32 to vector<16xi32>
      %add3A_401 = arith.addi %mul3A_398, %add3A_400 : vector<16xi32>
      %gather3A_402 = tpu.vector_load_idx %arg6[%add3A_401] : memref<4096xi32, #tpu.memory_space<vmem>>[vector<16xi32>], vector<16xi32>,
      %add3A_403 = arith.addi %add3A_395, %gather3A_402 : vector<16xi32>
      %swap3A_404 = arith.constant 0 : index
      %swap3A_405 = tpu.vector_load %arg6[%swap3A_404] {strides = array<i32>} : memref<4096xi32, #tpu.memory_space<vmem>>, vector<16xi32>,
      tpu.vector_store %arg6[%swap3A_404], %broadcast_in_dim3A_1 {strides = array<i32>} : memref<4096xi32, #tpu.memory_space<vmem>>, vector<16xi32>,
      %swap3A_406 = arith.constant 16 : index
      %swap3A_407 = tpu.vector_load %arg6[%swap3A_406] {strides = array<i32>} : memref<4096xi32, #tpu.memory_space<vmem>>, vector<16xi32>,
      tpu.vector_store %arg6[%swap3A_406], %broadcast_in_dim3A_1 {strides = array<i32>} : memref<4096xi32, #tpu.memory_space<vmem>>, vector<16xi32>,
      %swap3A_408 = arith.constant 32 : index
      %swap3A_409 = tpu.vector_load %arg6[%swap3A_408] {strides = array<i32>} : memref<4096xi32, #tpu.memory_space<vmem>>, vector<16xi32>,
      tpu.vector_store %arg6[%swap3A_408], %broadcast_in_dim3A_1 {strides = array<i32>} : memref<4096xi32, #tpu.memory_space<vmem>>, vector<16xi32>,
      %swap3A_410 = arith.constant 48 : index
      %swap3A_411 = tpu.vector_load %arg6[%swap3A_410] {strides = array<i32>} : memref<4096xi32, #tpu.memory_space<vmem>>, vector<16xi32>,
      tpu.vector_store %arg6[%swap3A_410], %broadcast_in_dim3A_1 {strides = array<i32>} : memref<4096xi32, #tpu.memory_space<vmem>>, vector<16xi32>,
      %swap3A_412 = arith.constant 64 : index
      %swap3A_413 = tpu.vector_load %arg6[%swap3A_412] {strides = array<i32>} : memref<4096xi32, #tpu.memory_space<vmem>>, vector<16xi32>,
      tpu.vector_store %arg6[%swap3A_412], %broadcast_in_dim3A_1 {strides = array<i32>} : memref<4096xi32, #tpu.memory_space<vmem>>, vector<16xi32>,
      %swap3A_414 = arith.constant 80 : index
      %swap3A_415 = tpu.vector_load %arg6[%swap3A_414] {strides = array<i32>} : memref<4096xi32, #tpu.memory_space<vmem>>, vector<16xi32>,
      tpu.vector_store %arg6[%swap3A_414], %broadcast_in_dim3A_1 {strides = array<i32>} : memref<4096xi32, #tpu.memory_space<vmem>>, vector<16xi32>,
      %swap3A_416 = arith.constant 96 : index
      %swap3A_417 = tpu.vector_load %arg6[%swap3A_416] {strides = array<i32>} : memref<4096xi32, #tpu.memory_space<vmem>>, vector<16xi32>,
      tpu.vector_store %arg6[%swap3A_416], %broadcast_in_dim3A_1 {strides = array<i32>} : memref<4096xi32, #tpu.memory_space<vmem>>, vector<16xi32>,
      %swap3A_418 = arith.constant 112 : index
      %swap3A_419 = tpu.vector_load %arg6[%swap3A_418] {strides = array<i32>} : memref<4096xi32, #tpu.memory_space<vmem>>, vector<16xi32>,
      tpu.vector_store %arg6[%swap3A_418], %broadcast_in_dim3A_1 {strides = array<i32>} : memref<4096xi32, #tpu.memory_space<vmem>>, vector<16xi32>,
      %swap3A_420 = arith.constant 128 : index
      %swap3A_421 = tpu.vector_load %arg6[%swap3A_420] {strides = array<i32>} : memref<4096xi32, #tpu.memory_space<vmem>>, vector<16xi32>,
      tpu.vector_store %arg6[%swap3A_420], %broadcast_in_dim3A_1 {strides = array<i32>} : memref<4096xi32, #tpu.memory_space<vmem>>, vector<16xi32>,
      %swap3A_422 = arith.constant 144 : index
      %swap3A_423 = tpu.vector_load %arg6[%swap3A_422] {strides = array<i32>} : memref<4096xi32, #tpu.memory_space<vmem>>, vector<16xi32>,
      tpu.vector_store %arg6[%swap3A_422], %broadcast_in_dim3A_1 {strides = array<i32>} : memref<4096xi32, #tpu.memory_space<vmem>>, vector<16xi32>,
      %swap3A_424 = arith.constant 160 : index
      %swap3A_425 = tpu.vector_load %arg6[%swap3A_424] {strides = array<i32>} : memref<4096xi32, #tpu.memory_space<vmem>>, vector<16xi32>,
      tpu.vector_store %arg6[%swap3A_424], %broadcast_in_dim3A_1 {strides = array<i32>} : memref<4096xi32, #tpu.memory_space<vmem>>, vector<16xi32>,
      %swap3A_426 = arith.constant 176 : index
      %swap3A_427 = tpu.vector_load %arg6[%swap3A_426] {strides = array<i32>} : memref<4096xi32, #tpu.memory_space<vmem>>, vector<16xi32>,
      tpu.vector_store %arg6[%swap3A_426], %broadcast_in_dim3A_1 {strides = array<i32>} : memref<4096xi32, #tpu.memory_space<vmem>>, vector<16xi32>,
      %swap3A_428 = arith.constant 192 : index
      %swap3A_429 = tpu.vector_load %arg6[%swap3A_428] {strides = array<i32>} : memref<4096xi32, #tpu.memory_space<vmem>>, vector<16xi32>,
      tpu.vector_store %arg6[%swap3A_428], %broadcast_in_dim3A_1 {strides = array<i32>} : memref<4096xi32, #tpu.memory_space<vmem>>, vector<16xi32>,
      %swap3A_430 = arith.constant 208 : index
      %swap3A_431 = tpu.vector_load %arg6[%swap3A_430] {strides = array<i32>} : memref<4096xi32, #tpu.memory_space<vmem>>, vector<16xi32>,
      tpu.vector_store %arg6[%swap3A_430], %broadcast_in_dim3A_1 {strides = array<i32>} : memref<4096xi32, #tpu.memory_space<vmem>>, vector<16xi32>,
      %swap3A_432 = arith.constant 224 : index
      %swap3A_433 = tpu.vector_load %arg6[%swap3A_432] {strides = array<i32>} : memref<4096xi32, #tpu.memory_space<vmem>>, vector<16xi32>,
      tpu.vector_store %arg6[%swap3A_432], %broadcast_in_dim3A_1 {strides = array<i32>} : memref<4096xi32, #tpu.memory_space<vmem>>, vector<16xi32>,
      %swap3A_434 = arith.constant 240 : index
      %swap3A_435 = tpu.vector_load %arg6[%swap3A_434] {strides = array<i32>} : memref<4096xi32, #tpu.memory_space<vmem>>, vector<16xi32>,
      tpu.vector_store %arg6[%swap3A_434], %broadcast_in_dim3A_1 {strides = array<i32>} : memref<4096xi32, #tpu.memory_space<vmem>>, vector<16xi32>,
      %rev3A_436 = arith.constant 15 : i32
      %rev3A_437 = vector.broadcast %rev3A_436 : i32 to vector<16xi32>
      %rev3A_438 = tpu.iota {dimensions = array<i32: 0>} : vector<16xi32>
      %rev3A_439 = arith.subi %rev3A_437, %rev3A_438 : vector<16xi32>
      %rev3A_440 = tpu.dynamic_gather %add3A_403[%rev3A_439] in [0] : vector<16xi32>, vector<16xi32> -> vector<16xi32>
      %broadcast_in_dim3A_441 = arith.constant true
      %broadcast_in_dim3A_442 = vector.broadcast %broadcast_in_dim3A_441 : i1 to vector<16xi1>
      %masked_cumsum3A_443 = tpu.scan <sum>, %rev3A_440 masked %broadcast_in_dim3A_442 : vector<16xi32>, vector<16xi1> -> vector<16xi32>
      %ge3A_444 = vector.broadcast %sub3A_265 : i32 to vector<16xi32>
      %ge3A_445 = arith.cmpi sge, %masked_cumsum3A_443, %ge3A_444 : vector<16xi32>
      %convert_element_type3A_446 = arith.extui %ge3A_445 : vector<16xi1> to vector<16xi32>
      %reduce_sum3A_447 = arith.constant true
      %reduce_sum3A_448 = vector.broadcast %reduce_sum3A_447 : i1 to vector<16xi1>
      %reduce_sum3A_449 = tpu.scan <sum>, %convert_element_type3A_446 masked %reduce_sum3A_448 : vector<16xi32>, vector<16xi1> -> vector<16xi32>
      %reduce_sum3A_450 = vector.extract %reduce_sum3A_449[15] : i32 from vector<16xi32>
      %jit3A_451 = arith.constant 0 : i32
      %broadcast_in_dim3A_452 = vector.broadcast %jit3A_451 : i32 to vector<16xi32>
      %select_n3A_453 = arith.select %ge3A_445, %broadcast_in_dim3A_452, %rev3A_440 : vector<16xi1>, vector<16xi32>
      %reduce_sum3A_454 = arith.constant true
      %reduce_sum3A_455 = vector.broadcast %reduce_sum3A_454 : i1 to vector<16xi1>
      %reduce_sum3A_456 = tpu.scan <sum>, %select_n3A_453 masked %reduce_sum3A_455 : vector<16xi32>, vector<16xi1> -> vector<16xi32>
      %reduce_sum3A_457 = vector.extract %reduce_sum3A_456[15] : i32 from vector<16xi32>
      %shift_left3A_458 = arith.constant 4 : i32
      %shift_left3A_459 = arith.shli %or3A_264, %shift_left3A_458 : i32
      %sub3A_460 = arith.constant 1 : i32
      %sub3A_461 = arith.subi %reduce_sum3A_450, %sub3A_460 : i32
      %or3A_462 = arith.ori %shift_left3A_459, %sub3A_461 : i32
      %sub3A_463 = arith.subi %sub3A_265, %reduce_sum3A_457 : i32
      %while3A_464 = arith.constant 0 : i32
      %while3A_465 = arith.constant 0 : i32
      %while3A_466 = arith.subi %reduce_max3A_77, %while3A_465 : i32
      %while3A_467 = arith.addi %while3A_465, %while3A_466 : i32
      %while3A_468 = arith.constant 1 : i32
      %while3A_469 = arith.divsi %while3A_466, %while3A_468 : i32
      %while3A_470 = arith.muli %while3A_469, %while3A_468 : i32
      %while3A_471 = arith.addi %while3A_465, %while3A_470 : i32
      %while3A_472 = arith.constant 1 : i32
      scf.for %while3A_869 = %while3A_465 to %while3A_471 step %while3A_472  : i32 {
        %mul3A_870 = arith.constant 16 : i32
        %mul3A_871 = arith.muli %while3A_869, %mul3A_870 : i32
        %get3A = arith.index_cast %mul3A_871 : i32 to index
        %get3A_872 = tpu.vector_load %arg5[%get3A] {strides = array<i32>} : memref<8192xi32, #tpu.memory_space<vmem>>, vector<16xi32>,
        %broadcast_in_dim3A_873 = arith.constant 8 : i32
        %broadcast_in_dim3A_874 = vector.broadcast %broadcast_in_dim3A_873 : i32 to vector<16xi32>
        %shift_right_logical3A = arith.shrui %get3A_872, %broadcast_in_dim3A_874 : vector<16xi32>
        %eq3A = vector.broadcast %or3A_462 : i32 to vector<16xi32>
        %eq3A_875 = arith.cmpi eq, %shift_right_logical3A, %eq3A : vector<16xi32>
        %lt3A = vector.broadcast %while3A_869 : i32 to vector<16xi32>
        %lt3A_876 = arith.cmpi slt, %lt3A, %scan3A_50 : vector<16xi32>
        %and3A = arith.andi %eq3A_875, %lt3A_876 : vector<16xi1>
        %broadcast_in_dim3A_877 = arith.constant 4 : i32
        %broadcast_in_dim3A_878 = vector.broadcast %broadcast_in_dim3A_877 : i32 to vector<16xi32>
        %shift_right_logical3A_879 = arith.shrui %get3A_872, %broadcast_in_dim3A_878 : vector<16xi32>
        %and3A_880 = arith.constant 15 : i32
        %and3A_881 = vector.broadcast %and3A_880 : i32 to vector<16xi32>
        %and3A_882 = arith.andi %shift_right_logical3A_879, %and3A_881 : vector<16xi32>
        %mul3A_883 = arith.constant 16 : i32
        %mul3A_884 = vector.broadcast %mul3A_883 : i32 to vector<16xi32>
        %mul3A_885 = arith.muli %and3A_882, %mul3A_884 : vector<16xi32>
        %add3A_886 = arith.addi %mul3A_885, %iota3A : vector<16xi32>
        tpu.vector_store_idx %arg6[%add3A_886], %broadcast_in_dim3A_3 masked %and3A {add = true} : memref<4096xi32, #tpu.memory_space<vmem>>[vector<16xi32>], vector<16xi32>, vector<16xi1>
      }
      %while3A_473 = arith.constant 1 : i32
      scf.for %while3A_869 = %while3A_471 to %while3A_467 step %while3A_473  : i32 {
        %mul3A_870 = arith.constant 16 : i32
        %mul3A_871 = arith.muli %while3A_869, %mul3A_870 : i32
        %get3A = arith.index_cast %mul3A_871 : i32 to index
        %get3A_872 = tpu.vector_load %arg5[%get3A] {strides = array<i32>} : memref<8192xi32, #tpu.memory_space<vmem>>, vector<16xi32>,
        %broadcast_in_dim3A_873 = arith.constant 8 : i32
        %broadcast_in_dim3A_874 = vector.broadcast %broadcast_in_dim3A_873 : i32 to vector<16xi32>
        %shift_right_logical3A = arith.shrui %get3A_872, %broadcast_in_dim3A_874 : vector<16xi32>
        %eq3A = vector.broadcast %or3A_462 : i32 to vector<16xi32>
        %eq3A_875 = arith.cmpi eq, %shift_right_logical3A, %eq3A : vector<16xi32>
        %lt3A = vector.broadcast %while3A_869 : i32 to vector<16xi32>
        %lt3A_876 = arith.cmpi slt, %lt3A, %scan3A_50 : vector<16xi32>
        %and3A = arith.andi %eq3A_875, %lt3A_876 : vector<16xi1>
        %broadcast_in_dim3A_877 = arith.constant 4 : i32
        %broadcast_in_dim3A_878 = vector.broadcast %broadcast_in_dim3A_877 : i32 to vector<16xi32>
        %shift_right_logical3A_879 = arith.shrui %get3A_872, %broadcast_in_dim3A_878 : vector<16xi32>
        %and3A_880 = arith.constant 15 : i32
        %and3A_881 = vector.broadcast %and3A_880 : i32 to vector<16xi32>
        %and3A_882 = arith.andi %shift_right_logical3A_879, %and3A_881 : vector<16xi32>
        %mul3A_883 = arith.constant 16 : i32
        %mul3A_884 = vector.broadcast %mul3A_883 : i32 to vector<16xi32>
        %mul3A_885 = arith.muli %and3A_882, %mul3A_884 : vector<16xi32>
        %add3A_886 = arith.addi %mul3A_885, %iota3A : vector<16xi32>
        tpu.vector_store_idx %arg6[%add3A_886], %broadcast_in_dim3A_3 masked %and3A {add = true} : memref<4096xi32, #tpu.memory_space<vmem>>[vector<16xi32>], vector<16xi32>, vector<16xi1>
      }
      %mul3A_474 = arith.constant 16 : i32
      %mul3A_475 = vector.broadcast %mul3A_474 : i32 to vector<16xi32>
      %mul3A_476 = arith.muli %iota3A, %mul3A_475 : vector<16xi32>
      %add3A_477 = arith.constant 0 : i32
      %add3A_478 = vector.broadcast %add3A_477 : i32 to vector<16xi32>
      %add3A_479 = arith.addi %mul3A_476, %add3A_478 : vector<16xi32>
      %gather3A_480 = tpu.vector_load_idx %arg6[%add3A_479] : memref<4096xi32, #tpu.memory_space<vmem>>[vector<16xi32>], vector<16xi32>,
      %add3A_481 = arith.addi %broadcast_in_dim3A_1, %gather3A_480 : vector<16xi32>
      %mul3A_482 = arith.constant 16 : i32
      %mul3A_483 = vector.broadcast %mul3A_482 : i32 to vector<16xi32>
      %mul3A_484 = arith.muli %iota3A, %mul3A_483 : vector<16xi32>
      %add3A_485 = arith.constant 1 : i32
      %add3A_486 = vector.broadcast %add3A_485 : i32 to vector<16xi32>
      %add3A_487 = arith.addi %mul3A_484, %add3A_486 : vector<16xi32>
      %gather3A_488 = tpu.vector_load_idx %arg6[%add3A_487] : memref<4096xi32, #tpu.memory_space<vmem>>[vector<16xi32>], vector<16xi32>,
      %add3A_489 = arith.addi %add3A_481, %gather3A_488 : vector<16xi32>
      %mul3A_490 = arith.constant 16 : i32
      %mul3A_491 = vector.broadcast %mul3A_490 : i32 to vector<16xi32>
      %mul3A_492 = arith.muli %iota3A, %mul3A_491 : vector<16xi32>
      %add3A_493 = arith.constant 2 : i32
      %add3A_494 = vector.broadcast %add3A_493 : i32 to vector<16xi32>
      %add3A_495 = arith.addi %mul3A_492, %add3A_494 : vector<16xi32>
      %gather3A_496 = tpu.vector_load_idx %arg6[%add3A_495] : memref<4096xi32, #tpu.memory_space<vmem>>[vector<16xi32>], vector<16xi32>,
      %add3A_497 = arith.addi %add3A_489, %gather3A_496 : vector<16xi32>
      %mul3A_498 = arith.constant 16 : i32
      %mul3A_499 = vector.broadcast %mul3A_498 : i32 to vector<16xi32>
      %mul3A_500 = arith.muli %iota3A, %mul3A_499 : vector<16xi32>
      %add3A_501 = arith.constant 3 : i32
      %add3A_502 = vector.broadcast %add3A_501 : i32 to vector<16xi32>
      %add3A_503 = arith.addi %mul3A_500, %add3A_502 : vector<16xi32>
      %gather3A_504 = tpu.vector_load_idx %arg6[%add3A_503] : memref<4096xi32, #tpu.memory_space<vmem>>[vector<16xi32>], vector<16xi32>,
      %add3A_505 = arith.addi %add3A_497, %gather3A_504 : vector<16xi32>
      %mul3A_506 = arith.constant 16 : i32
      %mul3A_507 = vector.broadcast %mul3A_506 : i32 to vector<16xi32>
      %mul3A_508 = arith.muli %iota3A, %mul3A_507 : vector<16xi32>
      %add3A_509 = arith.constant 4 : i32
      %add3A_510 = vector.broadcast %add3A_509 : i32 to vector<16xi32>
      %add3A_511 = arith.addi %mul3A_508, %add3A_510 : vector<16xi32>
      %gather3A_512 = tpu.vector_load_idx %arg6[%add3A_511] : memref<4096xi32, #tpu.memory_space<vmem>>[vector<16xi32>], vector<16xi32>,
      %add3A_513 = arith.addi %add3A_505, %gather3A_512 : vector<16xi32>
      %mul3A_514 = arith.constant 16 : i32
      %mul3A_515 = vector.broadcast %mul3A_514 : i32 to vector<16xi32>
      %mul3A_516 = arith.muli %iota3A, %mul3A_515 : vector<16xi32>
      %add3A_517 = arith.constant 5 : i32
      %add3A_518 = vector.broadcast %add3A_517 : i32 to vector<16xi32>
      %add3A_519 = arith.addi %mul3A_516, %add3A_518 : vector<16xi32>
      %gather3A_520 = tpu.vector_load_idx %arg6[%add3A_519] : memref<4096xi32, #tpu.memory_space<vmem>>[vector<16xi32>], vector<16xi32>,
      %add3A_521 = arith.addi %add3A_513, %gather3A_520 : vector<16xi32>
      %mul3A_522 = arith.constant 16 : i32
      %mul3A_523 = vector.broadcast %mul3A_522 : i32 to vector<16xi32>
      %mul3A_524 = arith.muli %iota3A, %mul3A_523 : vector<16xi32>
      %add3A_525 = arith.constant 6 : i32
      %add3A_526 = vector.broadcast %add3A_525 : i32 to vector<16xi32>
      %add3A_527 = arith.addi %mul3A_524, %add3A_526 : vector<16xi32>
      %gather3A_528 = tpu.vector_load_idx %arg6[%add3A_527] : memref<4096xi32, #tpu.memory_space<vmem>>[vector<16xi32>], vector<16xi32>,
      %add3A_529 = arith.addi %add3A_521, %gather3A_528 : vector<16xi32>
      %mul3A_530 = arith.constant 16 : i32
      %mul3A_531 = vector.broadcast %mul3A_530 : i32 to vector<16xi32>
      %mul3A_532 = arith.muli %iota3A, %mul3A_531 : vector<16xi32>
      %add3A_533 = arith.constant 7 : i32
      %add3A_534 = vector.broadcast %add3A_533 : i32 to vector<16xi32>
      %add3A_535 = arith.addi %mul3A_532, %add3A_534 : vector<16xi32>
      %gather3A_536 = tpu.vector_load_idx %arg6[%add3A_535] : memref<4096xi32, #tpu.memory_space<vmem>>[vector<16xi32>], vector<16xi32>,
      %add3A_537 = arith.addi %add3A_529, %gather3A_536 : vector<16xi32>
      %mul3A_538 = arith.constant 16 : i32
      %mul3A_539 = vector.broadcast %mul3A_538 : i32 to vector<16xi32>
      %mul3A_540 = arith.muli %iota3A, %mul3A_539 : vector<16xi32>
      %add3A_541 = arith.constant 8 : i32
      %add3A_542 = vector.broadcast %add3A_541 : i32 to vector<16xi32>
      %add3A_543 = arith.addi %mul3A_540, %add3A_542 : vector<16xi32>
      %gather3A_544 = tpu.vector_load_idx %arg6[%add3A_543] : memref<4096xi32, #tpu.memory_space<vmem>>[vector<16xi32>], vector<16xi32>,
      %add3A_545 = arith.addi %add3A_537, %gather3A_544 : vector<16xi32>
      %mul3A_546 = arith.constant 16 : i32
      %mul3A_547 = vector.broadcast %mul3A_546 : i32 to vector<16xi32>
      %mul3A_548 = arith.muli %iota3A, %mul3A_547 : vector<16xi32>
      %add3A_549 = arith.constant 9 : i32
      %add3A_550 = vector.broadcast %add3A_549 : i32 to vector<16xi32>
      %add3A_551 = arith.addi %mul3A_548, %add3A_550 : vector<16xi32>
      %gather3A_552 = tpu.vector_load_idx %arg6[%add3A_551] : memref<4096xi32, #tpu.memory_space<vmem>>[vector<16xi32>], vector<16xi32>,
      %add3A_553 = arith.addi %add3A_545, %gather3A_552 : vector<16xi32>
      %mul3A_554 = arith.constant 16 : i32
      %mul3A_555 = vector.broadcast %mul3A_554 : i32 to vector<16xi32>
      %mul3A_556 = arith.muli %iota3A, %mul3A_555 : vector<16xi32>
      %add3A_557 = arith.constant 10 : i32
      %add3A_558 = vector.broadcast %add3A_557 : i32 to vector<16xi32>
      %add3A_559 = arith.addi %mul3A_556, %add3A_558 : vector<16xi32>
      %gather3A_560 = tpu.vector_load_idx %arg6[%add3A_559] : memref<4096xi32, #tpu.memory_space<vmem>>[vector<16xi32>], vector<16xi32>,
      %add3A_561 = arith.addi %add3A_553, %gather3A_560 : vector<16xi32>
      %mul3A_562 = arith.constant 16 : i32
      %mul3A_563 = vector.broadcast %mul3A_562 : i32 to vector<16xi32>
      %mul3A_564 = arith.muli %iota3A, %mul3A_563 : vector<16xi32>
      %add3A_565 = arith.constant 11 : i32
      %add3A_566 = vector.broadcast %add3A_565 : i32 to vector<16xi32>
      %add3A_567 = arith.addi %mul3A_564, %add3A_566 : vector<16xi32>
      %gather3A_568 = tpu.vector_load_idx %arg6[%add3A_567] : memref<4096xi32, #tpu.memory_space<vmem>>[vector<16xi32>], vector<16xi32>,
      %add3A_569 = arith.addi %add3A_561, %gather3A_568 : vector<16xi32>
      %mul3A_570 = arith.constant 16 : i32
      %mul3A_571 = vector.broadcast %mul3A_570 : i32 to vector<16xi32>
      %mul3A_572 = arith.muli %iota3A, %mul3A_571 : vector<16xi32>
      %add3A_573 = arith.constant 12 : i32
      %add3A_574 = vector.broadcast %add3A_573 : i32 to vector<16xi32>
      %add3A_575 = arith.addi %mul3A_572, %add3A_574 : vector<16xi32>
      %gather3A_576 = tpu.vector_load_idx %arg6[%add3A_575] : memref<4096xi32, #tpu.memory_space<vmem>>[vector<16xi32>], vector<16xi32>,
      %add3A_577 = arith.addi %add3A_569, %gather3A_576 : vector<16xi32>
      %mul3A_578 = arith.constant 16 : i32
      %mul3A_579 = vector.broadcast %mul3A_578 : i32 to vector<16xi32>
      %mul3A_580 = arith.muli %iota3A, %mul3A_579 : vector<16xi32>
      %add3A_581 = arith.constant 13 : i32
      %add3A_582 = vector.broadcast %add3A_581 : i32 to vector<16xi32>
      %add3A_583 = arith.addi %mul3A_580, %add3A_582 : vector<16xi32>
      %gather3A_584 = tpu.vector_load_idx %arg6[%add3A_583] : memref<4096xi32, #tpu.memory_space<vmem>>[vector<16xi32>], vector<16xi32>,
      %add3A_585 = arith.addi %add3A_577, %gather3A_584 : vector<16xi32>
      %mul3A_586 = arith.constant 16 : i32
      %mul3A_587 = vector.broadcast %mul3A_586 : i32 to vector<16xi32>
      %mul3A_588 = arith.muli %iota3A, %mul3A_587 : vector<16xi32>
      %add3A_589 = arith.constant 14 : i32
      %add3A_590 = vector.broadcast %add3A_589 : i32 to vector<16xi32>
      %add3A_591 = arith.addi %mul3A_588, %add3A_590 : vector<16xi32>
      %gather3A_592 = tpu.vector_load_idx %arg6[%add3A_591] : memref<4096xi32, #tpu.memory_space<vmem>>[vector<16xi32>], vector<16xi32>,
      %add3A_593 = arith.addi %add3A_585, %gather3A_592 : vector<16xi32>
      %mul3A_594 = arith.constant 16 : i32
      %mul3A_595 = vector.broadcast %mul3A_594 : i32 to vector<16xi32>
      %mul3A_596 = arith.muli %iota3A, %mul3A_595 : vector<16xi32>
      %add3A_597 = arith.constant 15 : i32
      %add3A_598 = vector.broadcast %add3A_597 : i32 to vector<16xi32>
      %add3A_599 = arith.addi %mul3A_596, %add3A_598 : vector<16xi32>
      %gather3A_600 = tpu.vector_load_idx %arg6[%add3A_599] : memref<4096xi32, #tpu.memory_space<vmem>>[vector<16xi32>], vector<16xi32>,
      %add3A_601 = arith.addi %add3A_593, %gather3A_600 : vector<16xi32>
      %swap3A_602 = arith.constant 0 : index
      %swap3A_603 = tpu.vector_load %arg6[%swap3A_602] {strides = array<i32>} : memref<4096xi32, #tpu.memory_space<vmem>>, vector<16xi32>,
      tpu.vector_store %arg6[%swap3A_602], %broadcast_in_dim3A_1 {strides = array<i32>} : memref<4096xi32, #tpu.memory_space<vmem>>, vector<16xi32>,
      %swap3A_604 = arith.constant 16 : index
      %swap3A_605 = tpu.vector_load %arg6[%swap3A_604] {strides = array<i32>} : memref<4096xi32, #tpu.memory_space<vmem>>, vector<16xi32>,
      tpu.vector_store %arg6[%swap3A_604], %broadcast_in_dim3A_1 {strides = array<i32>} : memref<4096xi32, #tpu.memory_space<vmem>>, vector<16xi32>,
      %swap3A_606 = arith.constant 32 : index
      %swap3A_607 = tpu.vector_load %arg6[%swap3A_606] {strides = array<i32>} : memref<4096xi32, #tpu.memory_space<vmem>>, vector<16xi32>,
      tpu.vector_store %arg6[%swap3A_606], %broadcast_in_dim3A_1 {strides = array<i32>} : memref<4096xi32, #tpu.memory_space<vmem>>, vector<16xi32>,
      %swap3A_608 = arith.constant 48 : index
      %swap3A_609 = tpu.vector_load %arg6[%swap3A_608] {strides = array<i32>} : memref<4096xi32, #tpu.memory_space<vmem>>, vector<16xi32>,
      tpu.vector_store %arg6[%swap3A_608], %broadcast_in_dim3A_1 {strides = array<i32>} : memref<4096xi32, #tpu.memory_space<vmem>>, vector<16xi32>,
      %swap3A_610 = arith.constant 64 : index
      %swap3A_611 = tpu.vector_load %arg6[%swap3A_610] {strides = array<i32>} : memref<4096xi32, #tpu.memory_space<vmem>>, vector<16xi32>,
      tpu.vector_store %arg6[%swap3A_610], %broadcast_in_dim3A_1 {strides = array<i32>} : memref<4096xi32, #tpu.memory_space<vmem>>, vector<16xi32>,
      %swap3A_612 = arith.constant 80 : index
      %swap3A_613 = tpu.vector_load %arg6[%swap3A_612] {strides = array<i32>} : memref<4096xi32, #tpu.memory_space<vmem>>, vector<16xi32>,
      tpu.vector_store %arg6[%swap3A_612], %broadcast_in_dim3A_1 {strides = array<i32>} : memref<4096xi32, #tpu.memory_space<vmem>>, vector<16xi32>,
      %swap3A_614 = arith.constant 96 : index
      %swap3A_615 = tpu.vector_load %arg6[%swap3A_614] {strides = array<i32>} : memref<4096xi32, #tpu.memory_space<vmem>>, vector<16xi32>,
      tpu.vector_store %arg6[%swap3A_614], %broadcast_in_dim3A_1 {strides = array<i32>} : memref<4096xi32, #tpu.memory_space<vmem>>, vector<16xi32>,
      %swap3A_616 = arith.constant 112 : index
      %swap3A_617 = tpu.vector_load %arg6[%swap3A_616] {strides = array<i32>} : memref<4096xi32, #tpu.memory_space<vmem>>, vector<16xi32>,
      tpu.vector_store %arg6[%swap3A_616], %broadcast_in_dim3A_1 {strides = array<i32>} : memref<4096xi32, #tpu.memory_space<vmem>>, vector<16xi32>,
      %swap3A_618 = arith.constant 128 : index
      %swap3A_619 = tpu.vector_load %arg6[%swap3A_618] {strides = array<i32>} : memref<4096xi32, #tpu.memory_space<vmem>>, vector<16xi32>,
      tpu.vector_store %arg6[%swap3A_618], %broadcast_in_dim3A_1 {strides = array<i32>} : memref<4096xi32, #tpu.memory_space<vmem>>, vector<16xi32>,
      %swap3A_620 = arith.constant 144 : index
      %swap3A_621 = tpu.vector_load %arg6[%swap3A_620] {strides = array<i32>} : memref<4096xi32, #tpu.memory_space<vmem>>, vector<16xi32>,
      tpu.vector_store %arg6[%swap3A_620], %broadcast_in_dim3A_1 {strides = array<i32>} : memref<4096xi32, #tpu.memory_space<vmem>>, vector<16xi32>,
      %swap3A_622 = arith.constant 160 : index
      %swap3A_623 = tpu.vector_load %arg6[%swap3A_622] {strides = array<i32>} : memref<4096xi32, #tpu.memory_space<vmem>>, vector<16xi32>,
      tpu.vector_store %arg6[%swap3A_622], %broadcast_in_dim3A_1 {strides = array<i32>} : memref<4096xi32, #tpu.memory_space<vmem>>, vector<16xi32>,
      %swap3A_624 = arith.constant 176 : index
      %swap3A_625 = tpu.vector_load %arg6[%swap3A_624] {strides = array<i32>} : memref<4096xi32, #tpu.memory_space<vmem>>, vector<16xi32>,
      tpu.vector_store %arg6[%swap3A_624], %broadcast_in_dim3A_1 {strides = array<i32>} : memref<4096xi32, #tpu.memory_space<vmem>>, vector<16xi32>,
      %swap3A_626 = arith.constant 192 : index
      %swap3A_627 = tpu.vector_load %arg6[%swap3A_626] {strides = array<i32>} : memref<4096xi32, #tpu.memory_space<vmem>>, vector<16xi32>,
      tpu.vector_store %arg6[%swap3A_626], %broadcast_in_dim3A_1 {strides = array<i32>} : memref<4096xi32, #tpu.memory_space<vmem>>, vector<16xi32>,
      %swap3A_628 = arith.constant 208 : index
      %swap3A_629 = tpu.vector_load %arg6[%swap3A_628] {strides = array<i32>} : memref<4096xi32, #tpu.memory_space<vmem>>, vector<16xi32>,
      tpu.vector_store %arg6[%swap3A_628], %broadcast_in_dim3A_1 {strides = array<i32>} : memref<4096xi32, #tpu.memory_space<vmem>>, vector<16xi32>,
      %swap3A_630 = arith.constant 224 : index
      %swap3A_631 = tpu.vector_load %arg6[%swap3A_630] {strides = array<i32>} : memref<4096xi32, #tpu.memory_space<vmem>>, vector<16xi32>,
      tpu.vector_store %arg6[%swap3A_630], %broadcast_in_dim3A_1 {strides = array<i32>} : memref<4096xi32, #tpu.memory_space<vmem>>, vector<16xi32>,
      %swap3A_632 = arith.constant 240 : index
      %swap3A_633 = tpu.vector_load %arg6[%swap3A_632] {strides = array<i32>} : memref<4096xi32, #tpu.memory_space<vmem>>, vector<16xi32>,
      tpu.vector_store %arg6[%swap3A_632], %broadcast_in_dim3A_1 {strides = array<i32>} : memref<4096xi32, #tpu.memory_space<vmem>>, vector<16xi32>,
      %rev3A_634 = arith.constant 15 : i32
      %rev3A_635 = vector.broadcast %rev3A_634 : i32 to vector<16xi32>
      %rev3A_636 = tpu.iota {dimensions = array<i32: 0>} : vector<16xi32>
      %rev3A_637 = arith.subi %rev3A_635, %rev3A_636 : vector<16xi32>
      %rev3A_638 = tpu.dynamic_gather %add3A_601[%rev3A_637] in [0] : vector<16xi32>, vector<16xi32> -> vector<16xi32>
      %broadcast_in_dim3A_639 = arith.constant true
      %broadcast_in_dim3A_640 = vector.broadcast %broadcast_in_dim3A_639 : i1 to vector<16xi1>
      %masked_cumsum3A_641 = tpu.scan <sum>, %rev3A_638 masked %broadcast_in_dim3A_640 : vector<16xi32>, vector<16xi1> -> vector<16xi32>
      %ge3A_642 = vector.broadcast %sub3A_463 : i32 to vector<16xi32>
      %ge3A_643 = arith.cmpi sge, %masked_cumsum3A_641, %ge3A_642 : vector<16xi32>
      %convert_element_type3A_644 = arith.extui %ge3A_643 : vector<16xi1> to vector<16xi32>
      %reduce_sum3A_645 = arith.constant true
      %reduce_sum3A_646 = vector.broadcast %reduce_sum3A_645 : i1 to vector<16xi1>
      %reduce_sum3A_647 = tpu.scan <sum>, %convert_element_type3A_644 masked %reduce_sum3A_646 : vector<16xi32>, vector<16xi1> -> vector<16xi32>
      %reduce_sum3A_648 = vector.extract %reduce_sum3A_647[15] : i32 from vector<16xi32>
      %jit3A_649 = arith.constant 0 : i32
      %broadcast_in_dim3A_650 = vector.broadcast %jit3A_649 : i32 to vector<16xi32>
      %select_n3A_651 = arith.select %ge3A_643, %broadcast_in_dim3A_650, %rev3A_638 : vector<16xi1>, vector<16xi32>
      %reduce_sum3A_652 = arith.constant true
      %reduce_sum3A_653 = vector.broadcast %reduce_sum3A_652 : i1 to vector<16xi1>
      %reduce_sum3A_654 = tpu.scan <sum>, %select_n3A_651 masked %reduce_sum3A_653 : vector<16xi32>, vector<16xi1> -> vector<16xi32>
      %reduce_sum3A_655 = vector.extract %reduce_sum3A_654[15] : i32 from vector<16xi32>
      %shift_left3A_656 = arith.constant 4 : i32
      %shift_left3A_657 = arith.shli %or3A_462, %shift_left3A_656 : i32
      %sub3A_658 = arith.constant 1 : i32
      %sub3A_659 = arith.subi %reduce_sum3A_648, %sub3A_658 : i32
      %or3A_660 = arith.ori %shift_left3A_657, %sub3A_659 : i32
      %sub3A_661 = arith.subi %sub3A_463, %reduce_sum3A_655 : i32
      %while3A_662 = arith.constant 0 : i32
      %while3A_663 = arith.constant 0 : i32
      %while3A_664 = arith.subi %reduce_max3A_77, %while3A_663 : i32
      %while3A_665 = arith.addi %while3A_663, %while3A_664 : i32
      %while3A_666 = arith.constant 1 : i32
      %while3A_667 = arith.divsi %while3A_664, %while3A_666 : i32
      %while3A_668 = arith.muli %while3A_667, %while3A_666 : i32
      %while3A_669 = arith.addi %while3A_663, %while3A_668 : i32
      %while3A_670 = arith.constant 1 : i32
      scf.for %while3A_869 = %while3A_663 to %while3A_669 step %while3A_670  : i32 {
        %mul3A_870 = arith.constant 16 : i32
        %mul3A_871 = arith.muli %while3A_869, %mul3A_870 : i32
        %get3A = arith.index_cast %mul3A_871 : i32 to index
        %get3A_872 = tpu.vector_load %arg5[%get3A] {strides = array<i32>} : memref<8192xi32, #tpu.memory_space<vmem>>, vector<16xi32>,
        %broadcast_in_dim3A_873 = arith.constant 4 : i32
        %broadcast_in_dim3A_874 = vector.broadcast %broadcast_in_dim3A_873 : i32 to vector<16xi32>
        %shift_right_logical3A = arith.shrui %get3A_872, %broadcast_in_dim3A_874 : vector<16xi32>
        %eq3A = vector.broadcast %or3A_660 : i32 to vector<16xi32>
        %eq3A_875 = arith.cmpi eq, %shift_right_logical3A, %eq3A : vector<16xi32>
        %lt3A = vector.broadcast %while3A_869 : i32 to vector<16xi32>
        %lt3A_876 = arith.cmpi slt, %lt3A, %scan3A_50 : vector<16xi32>
        %and3A = arith.andi %eq3A_875, %lt3A_876 : vector<16xi1>
        %broadcast_in_dim3A_877 = arith.constant 0 : i32
        %broadcast_in_dim3A_878 = vector.broadcast %broadcast_in_dim3A_877 : i32 to vector<16xi32>
        %shift_right_logical3A_879 = arith.shrui %get3A_872, %broadcast_in_dim3A_878 : vector<16xi32>
        %and3A_880 = arith.constant 15 : i32
        %and3A_881 = vector.broadcast %and3A_880 : i32 to vector<16xi32>
        %and3A_882 = arith.andi %shift_right_logical3A_879, %and3A_881 : vector<16xi32>
        %mul3A_883 = arith.constant 16 : i32
        %mul3A_884 = vector.broadcast %mul3A_883 : i32 to vector<16xi32>
        %mul3A_885 = arith.muli %and3A_882, %mul3A_884 : vector<16xi32>
        %add3A_886 = arith.addi %mul3A_885, %iota3A : vector<16xi32>
        tpu.vector_store_idx %arg6[%add3A_886], %broadcast_in_dim3A_3 masked %and3A {add = true} : memref<4096xi32, #tpu.memory_space<vmem>>[vector<16xi32>], vector<16xi32>, vector<16xi1>
      }
      %while3A_671 = arith.constant 1 : i32
      scf.for %while3A_869 = %while3A_669 to %while3A_665 step %while3A_671  : i32 {
        %mul3A_870 = arith.constant 16 : i32
        %mul3A_871 = arith.muli %while3A_869, %mul3A_870 : i32
        %get3A = arith.index_cast %mul3A_871 : i32 to index
        %get3A_872 = tpu.vector_load %arg5[%get3A] {strides = array<i32>} : memref<8192xi32, #tpu.memory_space<vmem>>, vector<16xi32>,
        %broadcast_in_dim3A_873 = arith.constant 4 : i32
        %broadcast_in_dim3A_874 = vector.broadcast %broadcast_in_dim3A_873 : i32 to vector<16xi32>
        %shift_right_logical3A = arith.shrui %get3A_872, %broadcast_in_dim3A_874 : vector<16xi32>
        %eq3A = vector.broadcast %or3A_660 : i32 to vector<16xi32>
        %eq3A_875 = arith.cmpi eq, %shift_right_logical3A, %eq3A : vector<16xi32>
        %lt3A = vector.broadcast %while3A_869 : i32 to vector<16xi32>
        %lt3A_876 = arith.cmpi slt, %lt3A, %scan3A_50 : vector<16xi32>
        %and3A = arith.andi %eq3A_875, %lt3A_876 : vector<16xi1>
        %broadcast_in_dim3A_877 = arith.constant 0 : i32
        %broadcast_in_dim3A_878 = vector.broadcast %broadcast_in_dim3A_877 : i32 to vector<16xi32>
        %shift_right_logical3A_879 = arith.shrui %get3A_872, %broadcast_in_dim3A_878 : vector<16xi32>
        %and3A_880 = arith.constant 15 : i32
        %and3A_881 = vector.broadcast %and3A_880 : i32 to vector<16xi32>
        %and3A_882 = arith.andi %shift_right_logical3A_879, %and3A_881 : vector<16xi32>
        %mul3A_883 = arith.constant 16 : i32
        %mul3A_884 = vector.broadcast %mul3A_883 : i32 to vector<16xi32>
        %mul3A_885 = arith.muli %and3A_882, %mul3A_884 : vector<16xi32>
        %add3A_886 = arith.addi %mul3A_885, %iota3A : vector<16xi32>
        tpu.vector_store_idx %arg6[%add3A_886], %broadcast_in_dim3A_3 masked %and3A {add = true} : memref<4096xi32, #tpu.memory_space<vmem>>[vector<16xi32>], vector<16xi32>, vector<16xi1>
      }
      %mul3A_672 = arith.constant 16 : i32
      %mul3A_673 = vector.broadcast %mul3A_672 : i32 to vector<16xi32>
      %mul3A_674 = arith.muli %iota3A, %mul3A_673 : vector<16xi32>
      %add3A_675 = arith.constant 0 : i32
      %add3A_676 = vector.broadcast %add3A_675 : i32 to vector<16xi32>
      %add3A_677 = arith.addi %mul3A_674, %add3A_676 : vector<16xi32>
      %gather3A_678 = tpu.vector_load_idx %arg6[%add3A_677] : memref<4096xi32, #tpu.memory_space<vmem>>[vector<16xi32>], vector<16xi32>,
      %add3A_679 = arith.addi %broadcast_in_dim3A_1, %gather3A_678 : vector<16xi32>
      %mul3A_680 = arith.constant 16 : i32
      %mul3A_681 = vector.broadcast %mul3A_680 : i32 to vector<16xi32>
      %mul3A_682 = arith.muli %iota3A, %mul3A_681 : vector<16xi32>
      %add3A_683 = arith.constant 1 : i32
      %add3A_684 = vector.broadcast %add3A_683 : i32 to vector<16xi32>
      %add3A_685 = arith.addi %mul3A_682, %add3A_684 : vector<16xi32>
      %gather3A_686 = tpu.vector_load_idx %arg6[%add3A_685] : memref<4096xi32, #tpu.memory_space<vmem>>[vector<16xi32>], vector<16xi32>,
      %add3A_687 = arith.addi %add3A_679, %gather3A_686 : vector<16xi32>
      %mul3A_688 = arith.constant 16 : i32
      %mul3A_689 = vector.broadcast %mul3A_688 : i32 to vector<16xi32>
      %mul3A_690 = arith.muli %iota3A, %mul3A_689 : vector<16xi32>
      %add3A_691 = arith.constant 2 : i32
      %add3A_692 = vector.broadcast %add3A_691 : i32 to vector<16xi32>
      %add3A_693 = arith.addi %mul3A_690, %add3A_692 : vector<16xi32>
      %gather3A_694 = tpu.vector_load_idx %arg6[%add3A_693] : memref<4096xi32, #tpu.memory_space<vmem>>[vector<16xi32>], vector<16xi32>,
      %add3A_695 = arith.addi %add3A_687, %gather3A_694 : vector<16xi32>
      %mul3A_696 = arith.constant 16 : i32
      %mul3A_697 = vector.broadcast %mul3A_696 : i32 to vector<16xi32>
      %mul3A_698 = arith.muli %iota3A, %mul3A_697 : vector<16xi32>
      %add3A_699 = arith.constant 3 : i32
      %add3A_700 = vector.broadcast %add3A_699 : i32 to vector<16xi32>
      %add3A_701 = arith.addi %mul3A_698, %add3A_700 : vector<16xi32>
      %gather3A_702 = tpu.vector_load_idx %arg6[%add3A_701] : memref<4096xi32, #tpu.memory_space<vmem>>[vector<16xi32>], vector<16xi32>,
      %add3A_703 = arith.addi %add3A_695, %gather3A_702 : vector<16xi32>
      %mul3A_704 = arith.constant 16 : i32
      %mul3A_705 = vector.broadcast %mul3A_704 : i32 to vector<16xi32>
      %mul3A_706 = arith.muli %iota3A, %mul3A_705 : vector<16xi32>
      %add3A_707 = arith.constant 4 : i32
      %add3A_708 = vector.broadcast %add3A_707 : i32 to vector<16xi32>
      %add3A_709 = arith.addi %mul3A_706, %add3A_708 : vector<16xi32>
      %gather3A_710 = tpu.vector_load_idx %arg6[%add3A_709] : memref<4096xi32, #tpu.memory_space<vmem>>[vector<16xi32>], vector<16xi32>,
      %add3A_711 = arith.addi %add3A_703, %gather3A_710 : vector<16xi32>
      %mul3A_712 = arith.constant 16 : i32
      %mul3A_713 = vector.broadcast %mul3A_712 : i32 to vector<16xi32>
      %mul3A_714 = arith.muli %iota3A, %mul3A_713 : vector<16xi32>
      %add3A_715 = arith.constant 5 : i32
      %add3A_716 = vector.broadcast %add3A_715 : i32 to vector<16xi32>
      %add3A_717 = arith.addi %mul3A_714, %add3A_716 : vector<16xi32>
      %gather3A_718 = tpu.vector_load_idx %arg6[%add3A_717] : memref<4096xi32, #tpu.memory_space<vmem>>[vector<16xi32>], vector<16xi32>,
      %add3A_719 = arith.addi %add3A_711, %gather3A_718 : vector<16xi32>
      %mul3A_720 = arith.constant 16 : i32
      %mul3A_721 = vector.broadcast %mul3A_720 : i32 to vector<16xi32>
      %mul3A_722 = arith.muli %iota3A, %mul3A_721 : vector<16xi32>
      %add3A_723 = arith.constant 6 : i32
      %add3A_724 = vector.broadcast %add3A_723 : i32 to vector<16xi32>
      %add3A_725 = arith.addi %mul3A_722, %add3A_724 : vector<16xi32>
      %gather3A_726 = tpu.vector_load_idx %arg6[%add3A_725] : memref<4096xi32, #tpu.memory_space<vmem>>[vector<16xi32>], vector<16xi32>,
      %add3A_727 = arith.addi %add3A_719, %gather3A_726 : vector<16xi32>
      %mul3A_728 = arith.constant 16 : i32
      %mul3A_729 = vector.broadcast %mul3A_728 : i32 to vector<16xi32>
      %mul3A_730 = arith.muli %iota3A, %mul3A_729 : vector<16xi32>
      %add3A_731 = arith.constant 7 : i32
      %add3A_732 = vector.broadcast %add3A_731 : i32 to vector<16xi32>
      %add3A_733 = arith.addi %mul3A_730, %add3A_732 : vector<16xi32>
      %gather3A_734 = tpu.vector_load_idx %arg6[%add3A_733] : memref<4096xi32, #tpu.memory_space<vmem>>[vector<16xi32>], vector<16xi32>,
      %add3A_735 = arith.addi %add3A_727, %gather3A_734 : vector<16xi32>
      %mul3A_736 = arith.constant 16 : i32
      %mul3A_737 = vector.broadcast %mul3A_736 : i32 to vector<16xi32>
      %mul3A_738 = arith.muli %iota3A, %mul3A_737 : vector<16xi32>
      %add3A_739 = arith.constant 8 : i32
      %add3A_740 = vector.broadcast %add3A_739 : i32 to vector<16xi32>
      %add3A_741 = arith.addi %mul3A_738, %add3A_740 : vector<16xi32>
      %gather3A_742 = tpu.vector_load_idx %arg6[%add3A_741] : memref<4096xi32, #tpu.memory_space<vmem>>[vector<16xi32>], vector<16xi32>,
      %add3A_743 = arith.addi %add3A_735, %gather3A_742 : vector<16xi32>
      %mul3A_744 = arith.constant 16 : i32
      %mul3A_745 = vector.broadcast %mul3A_744 : i32 to vector<16xi32>
      %mul3A_746 = arith.muli %iota3A, %mul3A_745 : vector<16xi32>
      %add3A_747 = arith.constant 9 : i32
      %add3A_748 = vector.broadcast %add3A_747 : i32 to vector<16xi32>
      %add3A_749 = arith.addi %mul3A_746, %add3A_748 : vector<16xi32>
      %gather3A_750 = tpu.vector_load_idx %arg6[%add3A_749] : memref<4096xi32, #tpu.memory_space<vmem>>[vector<16xi32>], vector<16xi32>,
      %add3A_751 = arith.addi %add3A_743, %gather3A_750 : vector<16xi32>
      %mul3A_752 = arith.constant 16 : i32
      %mul3A_753 = vector.broadcast %mul3A_752 : i32 to vector<16xi32>
      %mul3A_754 = arith.muli %iota3A, %mul3A_753 : vector<16xi32>
      %add3A_755 = arith.constant 10 : i32
      %add3A_756 = vector.broadcast %add3A_755 : i32 to vector<16xi32>
      %add3A_757 = arith.addi %mul3A_754, %add3A_756 : vector<16xi32>
      %gather3A_758 = tpu.vector_load_idx %arg6[%add3A_757] : memref<4096xi32, #tpu.memory_space<vmem>>[vector<16xi32>], vector<16xi32>,
      %add3A_759 = arith.addi %add3A_751, %gather3A_758 : vector<16xi32>
      %mul3A_760 = arith.constant 16 : i32
      %mul3A_761 = vector.broadcast %mul3A_760 : i32 to vector<16xi32>
      %mul3A_762 = arith.muli %iota3A, %mul3A_761 : vector<16xi32>
      %add3A_763 = arith.constant 11 : i32
      %add3A_764 = vector.broadcast %add3A_763 : i32 to vector<16xi32>
      %add3A_765 = arith.addi %mul3A_762, %add3A_764 : vector<16xi32>
      %gather3A_766 = tpu.vector_load_idx %arg6[%add3A_765] : memref<4096xi32, #tpu.memory_space<vmem>>[vector<16xi32>], vector<16xi32>,
      %add3A_767 = arith.addi %add3A_759, %gather3A_766 : vector<16xi32>
      %mul3A_768 = arith.constant 16 : i32
      %mul3A_769 = vector.broadcast %mul3A_768 : i32 to vector<16xi32>
      %mul3A_770 = arith.muli %iota3A, %mul3A_769 : vector<16xi32>
      %add3A_771 = arith.constant 12 : i32
      %add3A_772 = vector.broadcast %add3A_771 : i32 to vector<16xi32>
      %add3A_773 = arith.addi %mul3A_770, %add3A_772 : vector<16xi32>
      %gather3A_774 = tpu.vector_load_idx %arg6[%add3A_773] : memref<4096xi32, #tpu.memory_space<vmem>>[vector<16xi32>], vector<16xi32>,
      %add3A_775 = arith.addi %add3A_767, %gather3A_774 : vector<16xi32>
      %mul3A_776 = arith.constant 16 : i32
      %mul3A_777 = vector.broadcast %mul3A_776 : i32 to vector<16xi32>
      %mul3A_778 = arith.muli %iota3A, %mul3A_777 : vector<16xi32>
      %add3A_779 = arith.constant 13 : i32
      %add3A_780 = vector.broadcast %add3A_779 : i32 to vector<16xi32>
      %add3A_781 = arith.addi %mul3A_778, %add3A_780 : vector<16xi32>
      %gather3A_782 = tpu.vector_load_idx %arg6[%add3A_781] : memref<4096xi32, #tpu.memory_space<vmem>>[vector<16xi32>], vector<16xi32>,
      %add3A_783 = arith.addi %add3A_775, %gather3A_782 : vector<16xi32>
      %mul3A_784 = arith.constant 16 : i32
      %mul3A_785 = vector.broadcast %mul3A_784 : i32 to vector<16xi32>
      %mul3A_786 = arith.muli %iota3A, %mul3A_785 : vector<16xi32>
      %add3A_787 = arith.constant 14 : i32
      %add3A_788 = vector.broadcast %add3A_787 : i32 to vector<16xi32>
      %add3A_789 = arith.addi %mul3A_786, %add3A_788 : vector<16xi32>
      %gather3A_790 = tpu.vector_load_idx %arg6[%add3A_789] : memref<4096xi32, #tpu.memory_space<vmem>>[vector<16xi32>], vector<16xi32>,
      %add3A_791 = arith.addi %add3A_783, %gather3A_790 : vector<16xi32>
      %mul3A_792 = arith.constant 16 : i32
      %mul3A_793 = vector.broadcast %mul3A_792 : i32 to vector<16xi32>
      %mul3A_794 = arith.muli %iota3A, %mul3A_793 : vector<16xi32>
      %add3A_795 = arith.constant 15 : i32
      %add3A_796 = vector.broadcast %add3A_795 : i32 to vector<16xi32>
      %add3A_797 = arith.addi %mul3A_794, %add3A_796 : vector<16xi32>
      %gather3A_798 = tpu.vector_load_idx %arg6[%add3A_797] : memref<4096xi32, #tpu.memory_space<vmem>>[vector<16xi32>], vector<16xi32>,
      %add3A_799 = arith.addi %add3A_791, %gather3A_798 : vector<16xi32>
      %swap3A_800 = arith.constant 0 : index
      %swap3A_801 = tpu.vector_load %arg6[%swap3A_800] {strides = array<i32>} : memref<4096xi32, #tpu.memory_space<vmem>>, vector<16xi32>,
      tpu.vector_store %arg6[%swap3A_800], %broadcast_in_dim3A_1 {strides = array<i32>} : memref<4096xi32, #tpu.memory_space<vmem>>, vector<16xi32>,
      %swap3A_802 = arith.constant 16 : index
      %swap3A_803 = tpu.vector_load %arg6[%swap3A_802] {strides = array<i32>} : memref<4096xi32, #tpu.memory_space<vmem>>, vector<16xi32>,
      tpu.vector_store %arg6[%swap3A_802], %broadcast_in_dim3A_1 {strides = array<i32>} : memref<4096xi32, #tpu.memory_space<vmem>>, vector<16xi32>,
      %swap3A_804 = arith.constant 32 : index
      %swap3A_805 = tpu.vector_load %arg6[%swap3A_804] {strides = array<i32>} : memref<4096xi32, #tpu.memory_space<vmem>>, vector<16xi32>,
      tpu.vector_store %arg6[%swap3A_804], %broadcast_in_dim3A_1 {strides = array<i32>} : memref<4096xi32, #tpu.memory_space<vmem>>, vector<16xi32>,
      %swap3A_806 = arith.constant 48 : index
      %swap3A_807 = tpu.vector_load %arg6[%swap3A_806] {strides = array<i32>} : memref<4096xi32, #tpu.memory_space<vmem>>, vector<16xi32>,
      tpu.vector_store %arg6[%swap3A_806], %broadcast_in_dim3A_1 {strides = array<i32>} : memref<4096xi32, #tpu.memory_space<vmem>>, vector<16xi32>,
      %swap3A_808 = arith.constant 64 : index
      %swap3A_809 = tpu.vector_load %arg6[%swap3A_808] {strides = array<i32>} : memref<4096xi32, #tpu.memory_space<vmem>>, vector<16xi32>,
      tpu.vector_store %arg6[%swap3A_808], %broadcast_in_dim3A_1 {strides = array<i32>} : memref<4096xi32, #tpu.memory_space<vmem>>, vector<16xi32>,
      %swap3A_810 = arith.constant 80 : index
      %swap3A_811 = tpu.vector_load %arg6[%swap3A_810] {strides = array<i32>} : memref<4096xi32, #tpu.memory_space<vmem>>, vector<16xi32>,
      tpu.vector_store %arg6[%swap3A_810], %broadcast_in_dim3A_1 {strides = array<i32>} : memref<4096xi32, #tpu.memory_space<vmem>>, vector<16xi32>,
      %swap3A_812 = arith.constant 96 : index
      %swap3A_813 = tpu.vector_load %arg6[%swap3A_812] {strides = array<i32>} : memref<4096xi32, #tpu.memory_space<vmem>>, vector<16xi32>,
      tpu.vector_store %arg6[%swap3A_812], %broadcast_in_dim3A_1 {strides = array<i32>} : memref<4096xi32, #tpu.memory_space<vmem>>, vector<16xi32>,
      %swap3A_814 = arith.constant 112 : index
      %swap3A_815 = tpu.vector_load %arg6[%swap3A_814] {strides = array<i32>} : memref<4096xi32, #tpu.memory_space<vmem>>, vector<16xi32>,
      tpu.vector_store %arg6[%swap3A_814], %broadcast_in_dim3A_1 {strides = array<i32>} : memref<4096xi32, #tpu.memory_space<vmem>>, vector<16xi32>,
      %swap3A_816 = arith.constant 128 : index
      %swap3A_817 = tpu.vector_load %arg6[%swap3A_816] {strides = array<i32>} : memref<4096xi32, #tpu.memory_space<vmem>>, vector<16xi32>,
      tpu.vector_store %arg6[%swap3A_816], %broadcast_in_dim3A_1 {strides = array<i32>} : memref<4096xi32, #tpu.memory_space<vmem>>, vector<16xi32>,
      %swap3A_818 = arith.constant 144 : index
      %swap3A_819 = tpu.vector_load %arg6[%swap3A_818] {strides = array<i32>} : memref<4096xi32, #tpu.memory_space<vmem>>, vector<16xi32>,
      tpu.vector_store %arg6[%swap3A_818], %broadcast_in_dim3A_1 {strides = array<i32>} : memref<4096xi32, #tpu.memory_space<vmem>>, vector<16xi32>,
      %swap3A_820 = arith.constant 160 : index
      %swap3A_821 = tpu.vector_load %arg6[%swap3A_820] {strides = array<i32>} : memref<4096xi32, #tpu.memory_space<vmem>>, vector<16xi32>,
      tpu.vector_store %arg6[%swap3A_820], %broadcast_in_dim3A_1 {strides = array<i32>} : memref<4096xi32, #tpu.memory_space<vmem>>, vector<16xi32>,
      %swap3A_822 = arith.constant 176 : index
      %swap3A_823 = tpu.vector_load %arg6[%swap3A_822] {strides = array<i32>} : memref<4096xi32, #tpu.memory_space<vmem>>, vector<16xi32>,
      tpu.vector_store %arg6[%swap3A_822], %broadcast_in_dim3A_1 {strides = array<i32>} : memref<4096xi32, #tpu.memory_space<vmem>>, vector<16xi32>,
      %swap3A_824 = arith.constant 192 : index
      %swap3A_825 = tpu.vector_load %arg6[%swap3A_824] {strides = array<i32>} : memref<4096xi32, #tpu.memory_space<vmem>>, vector<16xi32>,
      tpu.vector_store %arg6[%swap3A_824], %broadcast_in_dim3A_1 {strides = array<i32>} : memref<4096xi32, #tpu.memory_space<vmem>>, vector<16xi32>,
      %swap3A_826 = arith.constant 208 : index
      %swap3A_827 = tpu.vector_load %arg6[%swap3A_826] {strides = array<i32>} : memref<4096xi32, #tpu.memory_space<vmem>>, vector<16xi32>,
      tpu.vector_store %arg6[%swap3A_826], %broadcast_in_dim3A_1 {strides = array<i32>} : memref<4096xi32, #tpu.memory_space<vmem>>, vector<16xi32>,
      %swap3A_828 = arith.constant 224 : index
      %swap3A_829 = tpu.vector_load %arg6[%swap3A_828] {strides = array<i32>} : memref<4096xi32, #tpu.memory_space<vmem>>, vector<16xi32>,
      tpu.vector_store %arg6[%swap3A_828], %broadcast_in_dim3A_1 {strides = array<i32>} : memref<4096xi32, #tpu.memory_space<vmem>>, vector<16xi32>,
      %swap3A_830 = arith.constant 240 : index
      %swap3A_831 = tpu.vector_load %arg6[%swap3A_830] {strides = array<i32>} : memref<4096xi32, #tpu.memory_space<vmem>>, vector<16xi32>,
      tpu.vector_store %arg6[%swap3A_830], %broadcast_in_dim3A_1 {strides = array<i32>} : memref<4096xi32, #tpu.memory_space<vmem>>, vector<16xi32>,
      %rev3A_832 = arith.constant 15 : i32
      %rev3A_833 = vector.broadcast %rev3A_832 : i32 to vector<16xi32>
      %rev3A_834 = tpu.iota {dimensions = array<i32: 0>} : vector<16xi32>
      %rev3A_835 = arith.subi %rev3A_833, %rev3A_834 : vector<16xi32>
      %rev3A_836 = tpu.dynamic_gather %add3A_799[%rev3A_835] in [0] : vector<16xi32>, vector<16xi32> -> vector<16xi32>
      %broadcast_in_dim3A_837 = arith.constant true
      %broadcast_in_dim3A_838 = vector.broadcast %broadcast_in_dim3A_837 : i1 to vector<16xi1>
      %masked_cumsum3A_839 = tpu.scan <sum>, %rev3A_836 masked %broadcast_in_dim3A_838 : vector<16xi32>, vector<16xi1> -> vector<16xi32>
      %ge3A_840 = vector.broadcast %sub3A_661 : i32 to vector<16xi32>
      %ge3A_841 = arith.cmpi sge, %masked_cumsum3A_839, %ge3A_840 : vector<16xi32>
      %convert_element_type3A_842 = arith.extui %ge3A_841 : vector<16xi1> to vector<16xi32>
      %reduce_sum3A_843 = arith.constant true
      %reduce_sum3A_844 = vector.broadcast %reduce_sum3A_843 : i1 to vector<16xi1>
      %reduce_sum3A_845 = tpu.scan <sum>, %convert_element_type3A_842 masked %reduce_sum3A_844 : vector<16xi32>, vector<16xi1> -> vector<16xi32>
      %reduce_sum3A_846 = vector.extract %reduce_sum3A_845[15] : i32 from vector<16xi32>
      %jit3A_847 = arith.constant 0 : i32
      %broadcast_in_dim3A_848 = vector.broadcast %jit3A_847 : i32 to vector<16xi32>
      %select_n3A_849 = arith.select %ge3A_841, %broadcast_in_dim3A_848, %rev3A_836 : vector<16xi1>, vector<16xi32>
      %reduce_sum3A_850 = arith.constant true
      %reduce_sum3A_851 = vector.broadcast %reduce_sum3A_850 : i1 to vector<16xi1>
      %reduce_sum3A_852 = tpu.scan <sum>, %select_n3A_849 masked %reduce_sum3A_851 : vector<16xi32>, vector<16xi1> -> vector<16xi32>
      %reduce_sum3A_853 = vector.extract %reduce_sum3A_852[15] : i32 from vector<16xi32>
      %shift_left3A_854 = arith.constant 4 : i32
      %shift_left3A_855 = arith.shli %or3A_660, %shift_left3A_854 : i32
      %sub3A_856 = arith.constant 1 : i32
      %sub3A_857 = arith.subi %reduce_sum3A_846, %sub3A_856 : i32
      %or3A_858 = arith.ori %shift_left3A_855, %sub3A_857 : i32
      %sub3A_859 = arith.subi %sub3A_661, %reduce_sum3A_853 : i32
      %xor3A = arith.constant -2147483648 : i32
      %xor3A_860 = arith.xori %or3A_858, %xor3A : i32
      %scan3A_861 = arith.constant 0 : i32
      %scan3A_862 = arith.constant 0 : i32
      %scan3A_863 = arith.constant 128 : i32
      %scan3A_864 = arith.addi %scan3A_862, %scan3A_863 : i32
      %scan3A_865 = arith.constant 1 : i32
      scf.for %scan3A_869 = %scan3A_862 to %scan3A_864 step %scan3A_865  : i32 {
        %mul3A_870 = arith.constant 4 : i32
        %mul3A_871 = arith.muli %scan3A_869, %mul3A_870 : i32
        %add3A_872 = arith.constant 0 : i32
        %add3A_873 = arith.addi %mul3A_871, %add3A_872 : i32
        %mul3A_874 = arith.constant 16 : i32
        %mul3A_875 = arith.muli %add3A_873, %mul3A_874 : i32
        %get3A = arith.index_cast %mul3A_875 : i32 to index
        %get3A_876 = tpu.vector_load %arg4[%get3A] {strides = array<i32>} : memref<8192xi32, #tpu.memory_space<vmem>>, vector<16xi32>,
        %xor3A_877 = arith.constant -2147483648 : i32
        %xor3A_878 = vector.broadcast %xor3A_877 : i32 to vector<16xi32>
        %xor3A_879 = arith.xori %get3A_876, %xor3A_878 : vector<16xi32>
        %ge3A_880 = vector.broadcast %xor3A_860 : i32 to vector<16xi32>
        %ge3A_881 = arith.cmpi sge, %xor3A_879, %ge3A_880 : vector<16xi32>
        %jit3A_882 = arith.constant 1065353216 : i32
        %jit3A_883 = arith.constant 0 : i32
        %broadcast_in_dim3A_884 = vector.broadcast %jit3A_882 : i32 to vector<16xi32>
        %broadcast_in_dim3A_885 = vector.broadcast %jit3A_883 : i32 to vector<16xi32>
        %select_n3A_886 = arith.select %ge3A_881, %broadcast_in_dim3A_884, %broadcast_in_dim3A_885 : vector<16xi1>, vector<16xi32>
        %swap3A_887 = arith.index_cast %mul3A_875 : i32 to index
        %swap3A_888 = tpu.vector_load %arg4[%swap3A_887] {strides = array<i32>} : memref<8192xi32, #tpu.memory_space<vmem>>, vector<16xi32>,
        tpu.vector_store %arg4[%swap3A_887], %select_n3A_886 {strides = array<i32>} : memref<8192xi32, #tpu.memory_space<vmem>>, vector<16xi32>,
        %mul3A_889 = arith.constant 4 : i32
        %mul3A_890 = arith.muli %scan3A_869, %mul3A_889 : i32
        %add3A_891 = arith.constant 1 : i32
        %add3A_892 = arith.addi %mul3A_890, %add3A_891 : i32
        %mul3A_893 = arith.constant 16 : i32
        %mul3A_894 = arith.muli %add3A_892, %mul3A_893 : i32
        %get3A_895 = arith.index_cast %mul3A_894 : i32 to index
        %get3A_896 = tpu.vector_load %arg4[%get3A_895] {strides = array<i32>} : memref<8192xi32, #tpu.memory_space<vmem>>, vector<16xi32>,
        %xor3A_897 = arith.constant -2147483648 : i32
        %xor3A_898 = vector.broadcast %xor3A_897 : i32 to vector<16xi32>
        %xor3A_899 = arith.xori %get3A_896, %xor3A_898 : vector<16xi32>
        %ge3A_900 = vector.broadcast %xor3A_860 : i32 to vector<16xi32>
        %ge3A_901 = arith.cmpi sge, %xor3A_899, %ge3A_900 : vector<16xi32>
        %jit3A_902 = arith.constant 1065353216 : i32
        %jit3A_903 = arith.constant 0 : i32
        %broadcast_in_dim3A_904 = vector.broadcast %jit3A_902 : i32 to vector<16xi32>
        %broadcast_in_dim3A_905 = vector.broadcast %jit3A_903 : i32 to vector<16xi32>
        %select_n3A_906 = arith.select %ge3A_901, %broadcast_in_dim3A_904, %broadcast_in_dim3A_905 : vector<16xi1>, vector<16xi32>
        %swap3A_907 = arith.index_cast %mul3A_894 : i32 to index
        %swap3A_908 = tpu.vector_load %arg4[%swap3A_907] {strides = array<i32>} : memref<8192xi32, #tpu.memory_space<vmem>>, vector<16xi32>,
        tpu.vector_store %arg4[%swap3A_907], %select_n3A_906 {strides = array<i32>} : memref<8192xi32, #tpu.memory_space<vmem>>, vector<16xi32>,
        %mul3A_909 = arith.constant 4 : i32
        %mul3A_910 = arith.muli %scan3A_869, %mul3A_909 : i32
        %add3A_911 = arith.constant 2 : i32
        %add3A_912 = arith.addi %mul3A_910, %add3A_911 : i32
        %mul3A_913 = arith.constant 16 : i32
        %mul3A_914 = arith.muli %add3A_912, %mul3A_913 : i32
        %get3A_915 = arith.index_cast %mul3A_914 : i32 to index
        %get3A_916 = tpu.vector_load %arg4[%get3A_915] {strides = array<i32>} : memref<8192xi32, #tpu.memory_space<vmem>>, vector<16xi32>,
        %xor3A_917 = arith.constant -2147483648 : i32
        %xor3A_918 = vector.broadcast %xor3A_917 : i32 to vector<16xi32>
        %xor3A_919 = arith.xori %get3A_916, %xor3A_918 : vector<16xi32>
        %ge3A_920 = vector.broadcast %xor3A_860 : i32 to vector<16xi32>
        %ge3A_921 = arith.cmpi sge, %xor3A_919, %ge3A_920 : vector<16xi32>
        %jit3A_922 = arith.constant 1065353216 : i32
        %jit3A_923 = arith.constant 0 : i32
        %broadcast_in_dim3A_924 = vector.broadcast %jit3A_922 : i32 to vector<16xi32>
        %broadcast_in_dim3A_925 = vector.broadcast %jit3A_923 : i32 to vector<16xi32>
        %select_n3A_926 = arith.select %ge3A_921, %broadcast_in_dim3A_924, %broadcast_in_dim3A_925 : vector<16xi1>, vector<16xi32>
        %swap3A_927 = arith.index_cast %mul3A_914 : i32 to index
        %swap3A_928 = tpu.vector_load %arg4[%swap3A_927] {strides = array<i32>} : memref<8192xi32, #tpu.memory_space<vmem>>, vector<16xi32>,
        tpu.vector_store %arg4[%swap3A_927], %select_n3A_926 {strides = array<i32>} : memref<8192xi32, #tpu.memory_space<vmem>>, vector<16xi32>,
        %mul3A_929 = arith.constant 4 : i32
        %mul3A_930 = arith.muli %scan3A_869, %mul3A_929 : i32
        %add3A_931 = arith.constant 3 : i32
        %add3A_932 = arith.addi %mul3A_930, %add3A_931 : i32
        %mul3A_933 = arith.constant 16 : i32
        %mul3A_934 = arith.muli %add3A_932, %mul3A_933 : i32
        %get3A_935 = arith.index_cast %mul3A_934 : i32 to index
        %get3A_936 = tpu.vector_load %arg4[%get3A_935] {strides = array<i32>} : memref<8192xi32, #tpu.memory_space<vmem>>, vector<16xi32>,
        %xor3A_937 = arith.constant -2147483648 : i32
        %xor3A_938 = vector.broadcast %xor3A_937 : i32 to vector<16xi32>
        %xor3A_939 = arith.xori %get3A_936, %xor3A_938 : vector<16xi32>
        %ge3A_940 = vector.broadcast %xor3A_860 : i32 to vector<16xi32>
        %ge3A_941 = arith.cmpi sge, %xor3A_939, %ge3A_940 : vector<16xi32>
        %jit3A_942 = arith.constant 1065353216 : i32
        %jit3A_943 = arith.constant 0 : i32
        %broadcast_in_dim3A_944 = vector.broadcast %jit3A_942 : i32 to vector<16xi32>
        %broadcast_in_dim3A_945 = vector.broadcast %jit3A_943 : i32 to vector<16xi32>
        %select_n3A_946 = arith.select %ge3A_941, %broadcast_in_dim3A_944, %broadcast_in_dim3A_945 : vector<16xi1>, vector<16xi32>
        %swap3A_947 = arith.index_cast %mul3A_934 : i32 to index
        %swap3A_948 = tpu.vector_load %arg4[%swap3A_947] {strides = array<i32>} : memref<8192xi32, #tpu.memory_space<vmem>>, vector<16xi32>,
        tpu.vector_store %arg4[%swap3A_947], %select_n3A_946 {strides = array<i32>} : memref<8192xi32, #tpu.memory_space<vmem>>, vector<16xi32>,
      }
      %scan3A_866 = arith.constant 128 : i32
      %mul3A_867 = arith.constant 8192 : i32
      %mul3A_868 = arith.muli %add3A_18, %mul3A_867 : i32
      "tpu.region"() ({
        %run_scoped3A = tpu.sem_alloc : memref<!tpu.dma_semaphore, #tpu.memory_space<semaphore_mem>>
        %dma_start3A = tpu.memref_slice %arg3[%mul3A_868] : memref<1048576xi32, #tpu.memory_space<hbm>> -> memref<8192xi32, #tpu.memory_space<hbm>>
        %dma_start3A_869 = tpu.memref_slice %arg3[%mul3A_868] : memref<1048576xi32, #tpu.memory_space<hbm>> -> memref<8192xi32, #tpu.memory_space<hbm>>
        tpu.enqueue_dma source(%arg4 : memref<8192xi32, #tpu.memory_space<vmem>>) target(%dma_start3A_869 : memref<8192xi32, #tpu.memory_space<hbm>>) target_semaphore(%run_scoped3A : memref<!tpu.dma_semaphore, #tpu.memory_space<semaphore_mem>>)
        %dma_wait3A = tpu.memref_slice %arg3[%mul3A_868] : memref<1048576xi32, #tpu.memory_space<hbm>> -> memref<8192xi32, #tpu.memory_space<hbm>>
        %dma_wait3A_870 = tpu.memref_slice %arg3[%mul3A_868] : memref<1048576xi32, #tpu.memory_space<hbm>> -> memref<8192xi32, #tpu.memory_space<hbm>>
        tpu.wait_dma2 semaphore(%run_scoped3A : memref<!tpu.dma_semaphore, #tpu.memory_space<semaphore_mem>>) src(%arg4 : memref<8192xi32, #tpu.memory_space<vmem>>) dst(%dma_wait3A_870 : memref<8192xi32, #tpu.memory_space<hbm>>)
        tpu.yield
      }) : () -> ()
    }
    %scan3A_14 = arith.constant 4 : i32
    return
  }
}

</mosaic_0001>

<sc_bundles>
// kernel: kernel.3.cloned.1.call-start
scs
__scs_entry_jumppad:
0x0: {  	(pc) =	sbr.rel $0x88, $3  }
0x1: {  	(tag) =	ssettag $0x0;
	lr =	simm.s32 $0x1  }
0x2: {  	[smem:$0x3FA0] =	sst lr;
	_ =	strace $0xD0000000  }
0x3: {  	_ = 	snop  }
0x4: {  	_ = 	snop  }
0x5: {  	_ = 	snop  }
0x6: {  	_ = 	snop  }
0x7: {  	_ = 	snop  }
__scs_overlays_trampoline_lowered:
0x8: {  	[smem:$0x3FAF] =	sst s0  }
0x9: {  	[smem:$0x3FB0] =	sst s1  }
0xa: {  	[smem:$0x3FB1] =	sst s2  }
0xb: {  	[smem:$0x3FB2] =	sst s3  }
0xc: {  	[smem:$0x3FB3] =	sst s4  }
0xd: {  	[smem:$0x3FB4] =	sst s5  }
0xe: {  	[smem:$0x3FB5] =	sst s6  }
0xf: {  	[smem:$0x3FB6] =	sst s7  }
0x10: {  	[smem:$0x3FB7] =	sst s8  }
0x11: {  	[smem:$0x3FB8] =	sst s9;
	s0 =	simm.s32 @!p0 $0x0  }
0x12: {  	s1 =	sld [smem:$0x3F9E];
	s0 =	simm.s32 @p0 $0x1  }
0x13: {  	[smem:$0x3FB9] =	sst s0;
	s0 =	simm.s32 @!p1 $0x0  }
0x14: {  	s2 =	sld [smem:$0x3F9D];
	s0 =	simm.s32 @p1 $0x1  }
0x15: {  	[smem:$0x3FBA] =	sst s0;
	s0 =	simm.s32 @!p2 $0x0  }
0x16: {  	s3 =	sld [smem:$0x3FDB];
	s0 =	simm.s32 @p2 $0x1  }
0x17: {  	s4 =	simm.s32 $0x1BF5;
	[smem:$0x3FBC] =	sst s0  }
0x18: {  	s0 =	sld [smem:$0x3F9F];
	_ =	swait.ge [sflag:s4], $0x0  }
0x19: {  	s7 =	sld [smem:$0x3FA0]  }
0x1a: {  	s8 =	sadd.s32 $0xFFFFE003, lr  }
0x1b: {  	s9 =	sadd.s32 $0xFFFFFEF7, lr;
	s5 =	simm.s32 $0xFFFFFFFF;
	p2 =	slt.u32 s8, $0xFFFFF086  }
0x1c: {  	p1 =	slt.u32 s9, $0xF7A;
	s5 =	simm.s32 @!p2 $0x0  }
0x1d: {  	s5 =	simm.s32 @p1 $0x1;
	p0 =	seq.s32 s7, s2  }
0x1e: {  	s7 =	smul.u32 @!p0 $0xF7A, s2;
	p2 =	seq.s32 @!p0 s5, $0x0  }
0x1f: {  	s9 =	smul.u32 $0xF7A, s1;
	s8 =	simm.s32 @!p0 $0x1BF5;
	p2 =	por !p2, p0  }
0x20: {  	[sflag:s8] =	ssyncset.s32 @!p0 $0xFFFFF086;
	s6 =	sadd.s32 @!p0 s3, s7;
	s7 =	simm.s32 @!p0 $0x108  }
0x21: {  	s3 =	sadd.s32 s3, s9;
	s6 =	sadd.s32 @!p0 $0x88, s6;
	s7 =	simm.s32 @p2 $0x1082  }
0x22: {  	[simem:s7], [sflag:s8] =	dma.local @!p0 [hbm:s6], $0xF7A  }
0x23: {  	s9 =	sor.u32 $0xD0000000, s2;
	s6 =	simm.s32 $0x108;
	_ =	swait.ge @!p0 [sflag:s8], $0x0  }
0x24: {  	s3 =	sadd.s32 $0x88, s3;
	s6 =	simm.s32 @!p1 $0x1082;
	[sflag:s4] =	ssyncset.s32 $0xFFFFF086  }
0x25: {  	[simem:s6], [sflag:s4] =	dma.local [hbm:s3], $0xF7A  }
0x26: {  	[smem:$0x3FA0] =	sst s1;
	(tag) =	ssettag s2;
	_ =	strace s9  }
0x27: {  	s1 =	sld [smem:$0x3FB0]  }
0x28: {  	s2 =	sld [smem:$0x3FB1]  }
0x29: {  	s4 =	sld [smem:$0x3FB3]  }
0x2a: {  	p0 =	seq.s32 s5, $0x0;
	s5 =	sld [smem:$0x3FB4]  }
0x2b: {  	s6 =	sld [smem:$0x3FB5]  }
0x2c: {  	s7 =	sld [smem:$0x3FB6]  }
0x2d: {  	s3 =	simm.s32 $0x108;
	s8 =	sld [smem:$0x3FB7]  }
0x2e: {  	s3 =	simm.s32 @!p0 $0x1082;
	s9 =	sld [smem:$0x3FB8]  }
0x2f: {  	lr =	sadd.s32 s0, s3;
	s0 =	sld [smem:$0x3FAF]  }
0x30: {  	s3 =	sld [smem:$0x3FB2]  }
0x31: {  	[smem:$0x3FBB] =	sst s10  }
0x32: {  	s10 =	sld [smem:$0x3FB9];
	_ =	sdelay $0x3  }
0x33: {  	p0 =	seq.s32 s10, $0x1;
	s10 =	sld [smem:$0x3FBB];
	_ =	sdelay $0x3  }
0x34: {  	[smem:$0x3FBB] =	sst s10  }
0x35: {  	s10 =	sld [smem:$0x3FBA];
	_ =	sdelay $0x3  }
0x36: {  	p1 =	seq.s32 s10, $0x1;
	s10 =	sld [smem:$0x3FBB];
	_ =	sdelay $0x3  }
0x37: {  	[smem:$0x3FBB] =	sst s10  }
0x38: {  	s10 =	sld [smem:$0x3FBC]  }
0x39: {  	_ = 	snop;
	(pc) =	sbr.ind lr, $3  }
0x3a: {  	_ = 	snop  }
0x3b: {  	_ = 	snop  }
0x3c: {  	p2 =	seq.s32 s10, $0x1;
	s10 =	sld [smem:$0x3FBB]  }
0x3d: {  	_ =	shalt  }
0x3e: {  	_ =	shalt  }
0x3f: {  	_ =	shalt  }
0x40: {  	_ =	shalt  }
0x41: {  	_ =	shalt  }
0x42: {  	_ =	shalt  }
0x43: {  	_ =	shalt  }
0x44: {  	_ =	shalt  }
0x45: {  	_ =	shalt  }
0x46: {  	_ =	shalt  }
0x47: {  	_ =	shalt  }
0x48: {  	_ =	shalt  }
0x49: {  	_ =	shalt  }
0x4a: {  	_ =	shalt  }
0x4b: {  	_ =	shalt  }
0x4c: {  	_ =	shalt  }
0x4d: {  	_ =	shalt  }
0x4e: {  	_ =	shalt  }
0x4f: {  	_ =	shalt  }
0x50: {  	_ =	shalt  }
0x51: {  	_ =	shalt  }
0x52: {  	_ =	shalt  }
0x53: {  	_ =	shalt  }
0x54: {  	_ =	shalt  }
0x55: {  	_ =	shalt  }
0x56: {  	_ =	shalt  }
0x57: {  	_ =	shalt  }
0x58: {  	_ =	shalt  }
0x59: {  	_ =	shalt  }
0x5a: {  	_ =	shalt  }
0x5b: {  	_ =	shalt  }
0x5c: {  	_ =	shalt  }
0x5d: {  	_ =	shalt  }
0x5e: {  	_ =	shalt  }
0x5f: {  	_ =	shalt  }
0x60: {  	_ =	shalt  }
0x61: {  	_ =	shalt  }
0x62: {  	_ =	shalt  }
0x63: {  	_ =	shalt  }
0x64: {  	_ =	shalt  }
0x65: {  	_ =	shalt  }
0x66: {  	_ =	shalt  }
0x67: {  	_ =	shalt  }
0x68: {  	_ =	shalt  }
0x69: {  	_ =	shalt  }
0x6a: {  	_ =	shalt  }
0x6b: {  	_ =	shalt  }
0x6c: {  	_ =	shalt  }
0x6d: {  	_ =	shalt  }
0x6e: {  	_ =	shalt  }
0x6f: {  	_ =	shalt  }
0x70: {  	_ =	shalt  }
0x71: {  	_ =	shalt  }
0x72: {  	_ =	shalt  }
0x73: {  	_ =	shalt  }
0x74: {  	_ =	shalt  }
0x75: {  	_ =	shalt  }
0x76: {  	_ =	shalt  }
0x77: {  	_ =	shalt  }
0x78: {  	_ =	shalt  }
0x79: {  	_ =	shalt  }
0x7a: {  	_ =	shalt  }
0x7b: {  	_ =	shalt  }
0x7c: {  	_ =	shalt  }
0x7d: {  	_ =	shalt  }
0x7e: {  	_ =	shalt  }
0x7f: {  	_ =	shalt  }
0x80: {  	_ =	shalt  }
0x81: {  	_ =	shalt  }
0x82: {  	_ =	shalt  }
0x83: {  	_ =	shalt  }
0x84: {  	_ =	shalt  }
0x85: {  	_ =	shalt  }
0x86: {  	_ =	shalt  }
0x87: {  	_ =	shalt  }
.Lfunc_end0:
.L_simem_size_0:
called_computation_lowered:
.L_overlay_start_0:
0x88: {  	s2 =	sld [smem:$0x3FD9]  }
0x89: {  	s3 =	sld [smem:$0x3FFE];
	_ =	sdelay $0x1  }
0x8a: {  	s1 =	srdreg.scid  }
0x8b: {  	s0 =	sand.u32 $0x1, s1  }
0x8c: {  	s17 =	sshll.u32 s0, $0xA;
	s2 =	sadd.s32 s3, s2  }
0x8d: {  	s2 =	sadd.s32 s2, s17  }
0x8e: {  	[smem:$0x3FC7] =	sst s2  }
0x8f: {  	_ = 	snop  }
0x90: {  	s2 =	sld [smem:$0x3FD0];
	(tm) =	ssettm $0x1  }
0x91: {  	s18 =	sld [smem:$0x3FFB];
	_ =	sdelay $0x3  }
0x92: {  	_ =	strace s18  }
0x93: {  	s3 =	sld [smem:$0x3FFC];
	_ =	sdelay $0x3  }
0x94: {  	_ =	strace s3  }
0x95: {  	s3 =	sld [smem:$0x3FFD];
	_ =	sdelay $0x3  }
0x96: {  	_ =	strace s3  }
0x97: {  	_ =	strace $0x8FFFFFFF  }
0x98: {  	s19 =	sld [smem:$0x3FDB];
	_ =	sdelay $0x1  }
0x99: {  	s4 =	simm.s32 $_scs_section_size  }
0x9a: {  	s5 =	simm.s32 $_size__tile_overlayer_lowered;
	s6 =	simm.s32 $_tile_overlayer_lowered  }
0x9b: {  	s22 =	simm.s32 $0x1BFF;
	s21 =	sshll.u32 s6, $0x1;
	s3 =	sadd.s32 s4, s19  }
0x9c: {  	s7 =	simm.s32 $0x0;
	s20 =	sshll.u32 s5, $0x1;
	s5 =	sadd.s32 s21, s3  }
0x9d: {  	[timem:s7], [sflag:s22] =	dma.local [hbm:s5], s20  }
0x9e: {  	_ =	swait.ge [sflag:s22], s20  }
0x9f: {  	s4 =	ssub.s32 $0x0, s20;
	[sflag:s22] =	ssyncset.done $0x0  }
0xa0: {  	[sflag:s22] =	ssyncadd.s32 s4;
	_ =	sdelay $0x1  }
0xa1: {  	s23 =	simm.s32 $0x1B8B  }
0xa2: {  	_ =	swait.ge [sflag:s23], $0x1  }
0xa3: {  	[sflag:s23] =	ssyncset.done $0x0  }
0xa4: {  	s25 =	simm.s32 $0x1B8E;
	s24 =	sld [smem:$0x3FFE];
	[sflag:s23] =	ssyncadd.s32 $0xFFFFFFFF  }
0xa5: {  	s26 =	simm.s32 $execute0_lowered;
	[smem:$0x3FD2] =	sst s25  }
0xa6: {  	s5 =	sshll.u32 s26, $0x1;
	_ =	strace $0x80000046;
	[dreg:$0x1] =	wrdreg $0xFFFFFFFF  }
0xa7: {  	s28 =	simm.s32 $_size_execute0_lowered;
	s3 =	sadd.s32 s3, s5;
	[dreg:$0x0] =	wrdreg $0x0  }
0xa8: {  	s5 =	sshll.u32 s28, $0x1;
	[dreg:$0x2] =	wrdreg s3  }
0xa9: {  	[dreg:$0x3] =	wrdreg s5  }
0xaa: {  	[dreg:$0x4] =	wrdreg $0xC0  }
0xab: {  	_ =	task [dreg:s7], $0x5FFFF  }
0xac: {  	[dreg:$0x1] =	wrdreg $0xFFFFFFFF  }
0xad: {  	[dreg:$0x0] =	wrdreg $0x60  }
0xae: {  	[dreg:$0x2] =	wrdreg s2  }
0xaf: {  	[dreg:$0x3] =	wrdreg s24  }
0xb0: {  	[dreg:$0x4] =	wrdreg $0x9  }
0xb1: {  	_ =	task.clear_ibuf [dreg:s7], $0x5FFFF;
	_ =	strace $0x90000046  }
0xb2: {  	s29 =	simm.s32 $0x9;
	_ =	strace $0x80000048  }
0xb3: {  	_ =	swait.ge [sflag:s29], $0x1  }
0xb4: {  	[sflag:s29] =	ssyncadd.s32 $0xFFFFFFFF  }
0xb5: {  	_ =	strace $0x90000048  }
0xb6: {  	_ =	sfence  }
0xb7: {  	s30 =	sld [smem:$0x0];
	_ =	sdelay $0x2  }
0xb8: {  	s31 =	sshll.u32 s1, $0xD;
	s1 =	sshrl.u32 s1, $0x2  }
0xb9: {  	s3 =	sand.u32 $0x4000, s31;
	s1 =	sadd.s32 s1, s30  }
0xba: {  	s0 =	sor.u32 s3, s0;
	s1 =	sshll.u32 s1, $0x11  }
0xbb: {  	s0 =	sor.u32 s1, s0  }
0xbc: {  	s0 =	sadd.s32 $0x8F2B, s0  }
0xbd: {  	[sflag:s0] =	ssyncadd.remote.s32 $0x1  }
0xbe: {  	_ =	sfence.sel $0xFFFF  }
0xbf: {  	[dreg:$0x0] =	wrdreg $0xFFFFFFFF;
	(pc) =	sbr.abs _section_cstart, $3  }
0xc0: {  	[dreg:$0x1] =	wrdreg $0xFFFFFFFF  }
0xc1: {  	_ =	task.clear_ibuf [dreg:s7], $0x2FFFF;
	_ =	strace $0x9FFFFFFF  }
0xc2: {  	(tm) =	ssettm $0x7FFFFFFF  }
0xc3: {  	_ =	shalt  }
tec
execute0_lowered:
.L_overlay_start_1:
0x0: {  	(tag) =	ssettag $0x1  }
0x1: {  	s1 =	rddreg [dreg:$0x0];
	v0 =	vlaneseq.u32  }
0x2: {  	s3 =	rddreg [dreg:$0x1];
	v4 =	vmul.u32 $0xFFFFFFFF, v0  }
0x3: {  	s0 =	rddreg [dreg:$0x2];
	v2 =	vimm.s32 $0x0;
	v1 =	vmul.u32 $0x10, v0  }
0x4: {  	s2 =	simm.s32 $0x0;
	s4 =	srdreg.scid;
	v3 =	vimm.s32 $0x1;
	s8 =	simm.s32 $0x4000;
	v20 =	vimm.s32 $0x3F800000;
	v4 =	vadd.s32 $0xF, v4  }
0x5: {  	s9 =	simm.s32 $0x2000;
	s10 =	simm.s32 $0x0;
	s5 =	sand.u32 $0x1, s4;
	v5 =	vor.u32 $0x1, v1;
	v6 =	vor.u32 $0x2, v1;
	v7 =	vor.u32 $0x3, v1  }
0x6: {  	[smem:$0x7FF] =	sst s2;
	s4 =	sadd.s32 $0x400, s3;
	s6 =	ssub.s32 $0x2, s5;
	v8 =	vor.u32 $0x4, v1;
	v9 =	vor.u32 $0x5, v1;
	v10 =	vor.u32 $0x6, v1  }
0x7: {  	s3 =	stileid.u32;
	_ =	strace $0x80000047;
	s7 =	sshrl.u32 s6, $0x1;
	v11 =	vor.u32 $0x7, v1;
	v12 =	vor.u32 $0x8, v1;
	v13 =	vor.u32 $0x9, v1  }
0x8: {  	s31 =	sshll.u32 s3, $0x3;
	s5 =	sshll.u32 s5, $0x2;
	v14 =	vor.u32 $0xA, v1;
	v15 =	vor.u32 $0xB, v1;
	v16 =	vor.u32 $0xC, v1;
	s6 =	ssub.s32 s6, s7  }
0x9: {  	s5 =	sor.u32 s5, s31;
	v17 =	vor.u32 $0xD, v1;
	v18 =	vor.u32 $0xE, v1;
	v19 =	vor.u32 $0xF, v1;
	s7 =	simm.s32 $0x1;
	s6 =	smax.u32 s6, $0x1  }
.LBB2_1:
0xa: {  	s11 =	simm.s32 $0x40;
	s12 =	simm.s32 $0x0  }
.LBB2_2:
0xb: {  	p0 =	sne.s32 s11, $0x3FC0;
	[tilespmem:s12+$0x4000] =	vst v2;
	s12 =	smov.u32 s11;
	s11 =	sadd.s32 $0x40, s11  }
.Ltmp0:
0xc: {  	(pc) =	sbr.rel @p0 .LBB2_2-.Ltmp0, $2  }
0xd: {  	_ =	sdelay $0x2  }
0xe: {  	s12 =	sshra.s32 s12, $0x2  }
0xf: {  	[tilespmem:s12+$0x4000] =	vst v2;
	s11 =	simm.s32 $0x0;
	s12 =	simm.s32 $0x0  }
.LBB2_4:
0x10: {  	s13 =	sadd.s32 s5, s12  }
0x11: {  	s13 =	sshll.u32 s13, $0xA  }
0x12: {  	s14 =	sadd.s32 s1, s13  }
0x13: {  	[tilespmem:s11], [sflag:$0x1] =	stream.linear.gather [hbm4b:s14+s11], $0x2000, $0x38;
	[tilespmem:$0x5100] =	vst v63  }
0x14: {  	_ =	swait.ge [sflag:s7], $0x2000  }
0x15: {  	[sflag:s7] =	ssyncset.done $0x0  }
0x16: {  	s14 =	simm.s32 $0x0;
	[sflag:s7] =	ssyncadd.s32 $0xFFFFE000  }
.LBB2_5:
0x17: {  	s15 =	sshra.s32 s14, $0x2  }
0x18: {  	v21 =	vld [tilespmem:s15+$0x0];
	_ =	sdelay $0x4  }
0x19: {  	v22 =	vshra.s32 v21, $0x1F  }
0x1a: {  	v22 =	vor.u32 $0x80000000, v22  }
0x1b: {  	v21 =	vxor.u32 v21, v22  }
0x1c: {  	v22 =	vshrl.u32 v21, $0x14  }
0x1d: {  	v22 =	vand.u32 $0xFF0, v22  }
0x1e: {  	v22 =	vor.u32 v0, v22;
	_ =	sdelay $0x3  }
0x1f: {  	[tilespmem:s15+$0x0] =	vst v21  }
0x20: {  	[tilespmem:v22+s8+$0x0] =	vst.idx.add.s32.msk $0xffff, v3  }
0x21: {  	v21 =	vld [tilespmem:s15+$0x10];
	_ =	sdelay $0x4  }
0x22: {  	v22 =	vshra.s32 v21, $0x1F  }
0x23: {  	v22 =	vor.u32 $0x80000000, v22  }
0x24: {  	v21 =	vxor.u32 v21, v22  }
0x25: {  	v22 =	vshrl.u32 v21, $0x14  }
0x26: {  	v22 =	vand.u32 $0xFF0, v22  }
0x27: {  	v22 =	vor.u32 v0, v22;
	_ =	sdelay $0x3  }
0x28: {  	[tilespmem:s15+$0x10] =	vst v21  }
0x29: {  	[tilespmem:v22+s8+$0x0] =	vst.idx.add.s32.msk $0xffff, v3  }
0x2a: {  	v21 =	vld [tilespmem:s15+$0x20];
	_ =	sdelay $0x4  }
0x2b: {  	v22 =	vshra.s32 v21, $0x1F  }
0x2c: {  	v22 =	vor.u32 $0x80000000, v22  }
0x2d: {  	v21 =	vxor.u32 v21, v22  }
0x2e: {  	v22 =	vshrl.u32 v21, $0x14  }
0x2f: {  	v22 =	vand.u32 $0xFF0, v22  }
0x30: {  	v22 =	vor.u32 v0, v22;
	_ =	sdelay $0x3  }
0x31: {  	[tilespmem:s15+$0x20] =	vst v21  }
0x32: {  	[tilespmem:v22+s8+$0x0] =	vst.idx.add.s32.msk $0xffff, v3  }
0x33: {  	v21 =	vld [tilespmem:s15+$0x30];
	_ =	sdelay $0x4  }
0x34: {  	v22 =	vshra.s32 v21, $0x1F  }
0x35: {  	v22 =	vor.u32 $0x80000000, v22  }
0x36: {  	v21 =	vxor.u32 v21, v22  }
0x37: {  	v22 =	vshrl.u32 v21, $0x14  }
0x38: {  	v22 =	vand.u32 $0xFF0, v22  }
0x39: {  	p0 =	sne.s32 s14, $0x7F00;
	v22 =	vor.u32 v0, v22  }
.Ltmp1:
0x3a: {  	_ = 	snop;
	(pc) =	sbr.rel @p0 .LBB2_5-.Ltmp1, $3  }
0x3b: {  	_ =	sdelay $0x1  }
0x3c: {  	[tilespmem:s15+$0x30] =	vst v21  }
0x3d: {  	s14 =	sadd.s32 $0x100, s14;
	[tilespmem:v22+s8+$0x0] =	vst.idx.add.s32.msk $0xffff, v3  }
0x3e: {  	s14 =	simm.s32 $0x0  }
0x3f: {  	v21 =	vmov s14  }
0x40: {  	v21 =	vshll.u32 v21, $0x4  }
0x41: {  	v21 =	vor.u32 v1, v21  }
0x42: {  	v22 =	vor.u32 $0xF, v21  }
0x43: {  	v23 =	vor.u32 $0xE, v21  }
0x44: {  	v24 =	vor.u32 $0xD, v21  }
0x45: {  	v25 =	vor.u32 $0xC, v21  }
0x46: {  	v26 =	vor.u32 $0xB, v21;
	v36 =	vld.idx.msk [tilespmem:v21+s8+$0x0], $0xffff  }
0x47: {  	v27 =	vor.u32 $0xA, v21;
	v22 =	vld.idx.msk [tilespmem:v22+s8+$0x0], $0xffff  }
0x48: {  	v28 =	vor.u32 $0x9, v21;
	v23 =	vld.idx.msk [tilespmem:v23+s8+$0x0], $0xffff  }
0x49: {  	v29 =	vor.u32 $0x8, v21;
	v30 =	vld.idx.msk [tilespmem:v24+s8+$0x0], $0xffff  }
0x4a: {  	v31 =	vor.u32 $0x1, v21;
	v25 =	vld.idx.msk [tilespmem:v25+s8+$0x0], $0xffff  }
0x4b: {  	v32 =	vor.u32 $0x2, v21;
	v26 =	vld.idx.msk [tilespmem:v26+s8+$0x0], $0xffff  }
0x4c: {  	v33 =	vor.u32 $0x3, v21;
	v27 =	vld.idx.msk [tilespmem:v27+s8+$0x0], $0xffff  }
0x4d: {  	v34 =	vor.u32 $0x4, v21;
	v28 =	vld.idx.msk [tilespmem:v28+s8+$0x0], $0xffff  }
0x4e: {  	v35 =	vor.u32 $0x5, v21;
	v29 =	vld.idx.msk [tilespmem:v29+s8+$0x0], $0xffff  }
0x4f: {  	v24 =	vor.u32 $0x7, v21;
	v31 =	vld.idx.msk [tilespmem:v31+s8+$0x0], $0xffff  }
0x50: {  	v21 =	vor.u32 $0x6, v21;
	v32 =	vld.idx.msk [tilespmem:v32+s8+$0x0], $0xffff  }
0x51: {  	v33 =	vld.idx.msk [tilespmem:v33+s8+$0x0], $0xffff  }
0x52: {  	v34 =	vld.idx.msk [tilespmem:v34+s8+$0x0], $0xffff  }
0x53: {  	v35 =	vld.idx.msk [tilespmem:v35+s8+$0x0], $0xffff  }
0x54: {  	s15 =	simm.s32 $0x4080;
	v24 =	vld.idx.msk [tilespmem:v24+s8+$0x0], $0xffff  }
0x55: {  	v21 =	vld.idx.msk [tilespmem:v21+s8+$0x0], $0xffff;
	[tilespmem:s15+$0xFFFFFF80] =	vst v2  }
0x56: {  	v31 =	vadd.s32 v36, v31;
	[tilespmem:s15+$0xFFFFFF90] =	vst v2  }
0x57: {  	[tilespmem:s15+$0xFFFFFFA0] =	vst v2;
	v31 =	vadd.s32 v32, v31  }
0x58: {  	[tilespmem:s15+$0xFFFFFFB0] =	vst v2;
	v31 =	vadd.s32 v33, v31  }
0x59: {  	[tilespmem:s15+$0xFFFFFFC0] =	vst v2;
	v31 =	vadd.s32 v34, v31  }
0x5a: {  	[tilespmem:s15+$0xFFFFFFD0] =	vst v2;
	v31 =	vadd.s32 v35, v31  }
0x5b: {  	[tilespmem:s15+$0xFFFFFFE0] =	vst v2;
	v21 =	vadd.s32 v21, v31  }
0x5c: {  	[tilespmem:s15+$0xFFFFFFF0] =	vst v2;
	v21 =	vadd.s32 v24, v21  }
0x5d: {  	s16 =	simm.s32 $0x10;
	[tilespmem:s15+$0x0] =	vst v2;
	v21 =	vadd.s32 v29, v21  }
0x5e: {  	[tilespmem:s15+$0x10] =	vst v2;
	v24 =	vmov s16;
	v21 =	vadd.s32 v28, v21  }
0x5f: {  	[tilespmem:s15+$0x20] =	vst v2;
	v24 =	vshll.u32 v24, $0x4;
	v21 =	vadd.s32 v27, v21  }
0x60: {  	[tilespmem:s15+$0x30] =	vst v2;
	v24 =	vor.u32 v1, v24;
	v21 =	vadd.s32 v26, v21  }
0x61: {  	[tilespmem:s15+$0x40] =	vst v2;
	v26 =	vor.u32 $0xF, v24;
	v21 =	vadd.s32 v25, v21  }
0x62: {  	[tilespmem:s15+$0x50] =	vst v2;
	v21 =	vadd.s32 v30, v21  }
0x63: {  	[tilespmem:s15+$0x60] =	vst v2;
	v27 =	vor.u32 $0xE, v24;
	v21 =	vadd.s32 v23, v21  }
0x64: {  	[tilespmem:s15+$0x70] =	vst v2;
	s16 =	simm.s32 $0x5000;
	v30 =	vor.u32 $0xD, v24;
	v21 =	vadd.s32 v22, v21  }
0x65: {  	v25 =	vor.u32 $0xC, v24;
	[tilespmem:s16+$0x0] =	vst v21  }
0x66: {  	v21 =	vld.idx.msk [tilespmem:v26+s8+$0x0], $0xffff;
	v26 =	vor.u32 $0xB, v24  }
0x67: {  	v29 =	vor.u32 $0xA, v24  }
0x68: {  	v28 =	vor.u32 $0x9, v24;
	v22 =	vld.idx.msk [tilespmem:v27+s8+$0x0], $0xffff  }
0x69: {  	s17 =	simm.s32 $0x20;
	v27 =	vor.u32 $0x8, v24;
	v23 =	vld.idx.msk [tilespmem:v30+s8+$0x0], $0xffff  }
.LBB2_7:
0x6a: {  	p0 =	sne.s32 s17, $0xF0;
	v30 =	vor.u32 $0x7, v24;
	v25 =	vld.idx.msk [tilespmem:v25+s8+$0x0], $0xffff  }
0x6b: {  	v31 =	vor.u32 $0x1, v24;
	v26 =	vld.idx.msk [tilespmem:v26+s8+$0x0], $0xffff  }
0x6c: {  	v29 =	vld.idx.msk [tilespmem:v29+s8+$0x0], $0xffff  }
0x6d: {  	v32 =	vor.u32 $0x2, v24;
	v28 =	vld.idx.msk [tilespmem:v28+s8+$0x0], $0xffff  }
0x6e: {  	v33 =	vor.u32 $0x3, v24;
	v27 =	vld.idx.msk [tilespmem:v27+s8+$0x0], $0xffff  }
0x6f: {  	v34 =	vor.u32 $0x4, v24;
	v30 =	vld.idx.msk [tilespmem:v30+s8+$0x0], $0xffff  }
0x70: {  	v35 =	vor.u32 $0x5, v24;
	v31 =	vld.idx.msk [tilespmem:v31+s8+$0x0], $0xffff  }
0x71: {  	v36 =	vld.idx.msk [tilespmem:v24+s8+$0x0], $0xffff;
	v24 =	vor.u32 $0x6, v24  }
0x72: {  	v32 =	vld.idx.msk [tilespmem:v32+s8+$0x0], $0xffff  }
0x73: {  	v33 =	vld.idx.msk [tilespmem:v33+s8+$0x0], $0xffff  }
0x74: {  	v34 =	vld.idx.msk [tilespmem:v34+s8+$0x0], $0xffff  }
0x75: {  	s15 =	sadd.s32 $0x100, s15;
	v35 =	vld.idx.msk [tilespmem:v35+s8+$0x0], $0xffff  }
0x76: {  	v24 =	vld.idx.msk [tilespmem:v24+s8+$0x0], $0xffff;
	[tilespmem:s15+$0xFFFFFF80] =	vst v2  }
0x77: {  	v31 =	vadd.s32 v36, v31;
	[tilespmem:s15+$0xFFFFFF90] =	vst v2  }
0x78: {  	v31 =	vadd.s32 v32, v31;
	[tilespmem:s15+$0xFFFFFFA0] =	vst v2  }
0x79: {  	v31 =	vadd.s32 v33, v31;
	[tilespmem:s15+$0xFFFFFFB0] =	vst v2  }
0x7a: {  	v31 =	vadd.s32 v34, v31;
	[tilespmem:s15+$0xFFFFFFC0] =	vst v2  }
0x7b: {  	v31 =	vadd.s32 v35, v31;
	[tilespmem:s15+$0xFFFFFFD0] =	vst v2  }
0x7c: {  	v24 =	vadd.s32 v24, v31;
	[tilespmem:s15+$0xFFFFFFE0] =	vst v2  }
0x7d: {  	v24 =	vadd.s32 v30, v24;
	[tilespmem:s15+$0xFFFFFFF0] =	vst v2  }
0x7e: {  	v24 =	vadd.s32 v27, v24;
	[tilespmem:s15+$0x0] =	vst v2  }
0x7f: {  	v27 =	vmov s17;
	v24 =	vadd.s32 v28, v24;
	[tilespmem:s15+$0x10] =	vst v2  }
0x80: {  	v27 =	vshll.u32 v27, $0x4;
	v28 =	vadd.s32 v29, v24;
	[tilespmem:s15+$0x20] =	vst v2  }
0x81: {  	v24 =	vor.u32 v1, v27;
	v26 =	vadd.s32 v26, v28;
	[tilespmem:s15+$0x30] =	vst v2  }
0x82: {  	v27 =	vor.u32 $0xF, v24;
	v25 =	vadd.s32 v25, v26;
	[tilespmem:s15+$0x40] =	vst v2  }
0x83: {  	v30 =	vor.u32 $0xE, v24;
	v23 =	vadd.s32 v23, v25;
	[tilespmem:s15+$0x50] =	vst v2  }
0x84: {  	v31 =	vor.u32 $0xD, v24;
	v22 =	vadd.s32 v22, v23;
	[tilespmem:s15+$0x60] =	vst v2  }
.Ltmp2:
0x85: {  	s16 =	sadd.s32 $0x10, s16;
	v25 =	vor.u32 $0xC, v24;
	v21 =	vadd.s32 v21, v22;
	[tilespmem:s15+$0x70] =	vst v2;
	(pc) =	sbr.rel @p0 .LBB2_7-.Ltmp2, $4  }
0x86: {  	v26 =	vor.u32 $0xB, v24;
	[tilespmem:s16+$0x0] =	vst v21  }
0x87: {  	v29 =	vor.u32 $0xA, v24;
	v21 =	vld.idx.msk [tilespmem:v27+s8+$0x0], $0xffff  }
0x88: {  	v28 =	vor.u32 $0x9, v24;
	v22 =	vld.idx.msk [tilespmem:v30+s8+$0x0], $0xffff  }
0x89: {  	s17 =	sadd.s32 $0x10, s17;
	v27 =	vor.u32 $0x8, v24;
	v23 =	vld.idx.msk [tilespmem:v31+s8+$0x0], $0xffff  }
0x8a: {  	_ =	sdelay $0x3  }
0x8b: {  	v25 =	vld.idx.msk [tilespmem:v25+s8+$0x0], $0xffff  }
0x8c: {  	v30 =	vor.u32 $0x7, v24;
	v26 =	vld.idx.msk [tilespmem:v26+s8+$0x0], $0xffff  }
0x8d: {  	v31 =	vor.u32 $0x1, v24;
	v29 =	vld.idx.msk [tilespmem:v29+s8+$0x0], $0xffff  }
0x8e: {  	v32 =	vor.u32 $0x2, v24;
	v28 =	vld.idx.msk [tilespmem:v28+s8+$0x0], $0xffff  }
0x8f: {  	v33 =	vor.u32 $0x3, v24;
	v27 =	vld.idx.msk [tilespmem:v27+s8+$0x0], $0xffff  }
0x90: {  	v34 =	vor.u32 $0x4, v24;
	v36 =	vld.idx.msk [tilespmem:v24+s8+$0x0], $0xffff  }
0x91: {  	v35 =	vor.u32 $0x5, v24;
	v30 =	vld.idx.msk [tilespmem:v30+s8+$0x0], $0xffff  }
0x92: {  	v24 =	vor.u32 $0x6, v24;
	v31 =	vld.idx.msk [tilespmem:v31+s8+$0x0], $0xffff  }
0x93: {  	v32 =	vld.idx.msk [tilespmem:v32+s8+$0x0], $0xffff  }
0x94: {  	v33 =	vld.idx.msk [tilespmem:v33+s8+$0x0], $0xffff  }
0x95: {  	v34 =	vld.idx.msk [tilespmem:v34+s8+$0x0], $0xffff  }
0x96: {  	s15 =	sadd.s32 $0x100, s15;
	v35 =	vld.idx.msk [tilespmem:v35+s8+$0x0], $0xffff  }
0x97: {  	v24 =	vld.idx.msk [tilespmem:v24+s8+$0x0], $0xffff;
	[tilespmem:s15+$0xFFFFFF80] =	vst v2  }
0x98: {  	[tilespmem:s15+$0xFFFFFF90] =	vst v2;
	v31 =	vadd.s32 v36, v31  }
0x99: {  	[tilespmem:s15+$0xFFFFFFA0] =	vst v2;
	v31 =	vadd.s32 v32, v31  }
0x9a: {  	[tilespmem:s15+$0xFFFFFFB0] =	vst v2;
	v31 =	vadd.s32 v33, v31  }
0x9b: {  	[tilespmem:s15+$0xFFFFFFC0] =	vst v2;
	v31 =	vadd.s32 v34, v31  }
0x9c: {  	[tilespmem:s15+$0xFFFFFFD0] =	vst v2;
	v31 =	vadd.s32 v35, v31  }
0x9d: {  	[tilespmem:s15+$0xFFFFFFE0] =	vst v2;
	v24 =	vadd.s32 v24, v31  }
0x9e: {  	[tilespmem:s15+$0xFFFFFFF0] =	vst v2;
	v24 =	vadd.s32 v30, v24  }
0x9f: {  	[tilespmem:s15+$0x0] =	vst v2;
	v24 =	vadd.s32 v27, v24  }
0xa0: {  	[tilespmem:s15+$0x10] =	vst v2;
	v24 =	vadd.s32 v28, v24  }
0xa1: {  	[tilespmem:s15+$0x20] =	vst v2;
	v24 =	vadd.s32 v29, v24  }
0xa2: {  	[tilespmem:s15+$0x30] =	vst v2;
	v24 =	vadd.s32 v26, v24  }
0xa3: {  	[tilespmem:s15+$0x40] =	vst v2;
	v24 =	vadd.s32 v25, v24  }
0xa4: {  	[tilespmem:s15+$0x50] =	vst v2;
	v23 =	vadd.s32 v23, v24  }
0xa5: {  	[tilespmem:s15+$0x60] =	vst v2;
	v22 =	vadd.s32 v22, v23  }
0xa6: {  	s17 =	sadd.s32 $0x10, s16;
	[tilespmem:s15+$0x70] =	vst v2;
	v21 =	vadd.s32 v21, v22  }
0xa7: {  	s18 =	simm.s32 $0xF0;
	[tilespmem:s17+$0x0] =	vst v21  }
0xa8: {  	v21 =	vld [tilespmem:s18+$0x5000];
	_ =	sdelay $0x4  }
0xa9: {  	s19 =	simm.s32 $0xE0;
	(xrf0) =	vadd.scan.msk.s32 $0xffff, v21  }
0xaa: {  	v22 =	vld [tilespmem:s19+$0x5000];
	_ =	sdelay $0x4  }
0xab: {  	(xrf0) =	vadd.scan.msk.s32 $0xffff, v22;
	v23, _, _ =	vpop (xrf0)  }
0xac: {  	(v2sf) =	vpush v23, $0xF  }
0xad: {  	s20 =	simm.s32 $0xD0  }
0xae: {  	v24 =	vld [tilespmem:s20+$0x5000];
	v21 =	vperm.xlane v21, v4;
	_ =	sdelay $0x1  }
0xaf: {  	(xrf0) =	vadd.scan.msk.s32 $0xffff, v21  }
0xb0: {  	v23, _, _ =	vpop (xrf0)  }
0xb1: {  	(v2sf) =	vpush v23, $0xF  }
0xb2: {  	s21 =	simm.s32 $0xC0;
	(xrf0) =	vadd.scan.msk.s32 $0xffff, v24  }
0xb3: {  	v25 =	vld [tilespmem:s21+$0x5000];
	v22 =	vperm.xlane v22, v4;
	_ =	sdelay $0x1  }
0xb4: {  	(xrf0) =	vadd.scan.msk.s32 $0xffff, v22;
	v23, _, _ =	vpop (xrf0)  }
0xb5: {  	v23 =	vadd.s32 s14, v23  }
0xb6: {  	vm0 =	vgt.s32 v23, $0x199  }
0xb7: {  	(xrf0) =	vadd.scan.msk.s32 $0xffff, v25;
	v26, _, _ =	vpop (xrf0);
	v23 =	vsel vm0, $0x1, v2;
	v21 =	vsel vm0, $0x0, v21  }
0xb8: {  	v24 =	vperm.xlane v24, v4;
	(v2sf) =	vpush v26, $0xF;
	(xrf0) =	vadd.scan.msk.s32 $0xffff, v23  }
0xb9: {  	s22 =	simm.s32 $0xB0;
	(xrf0) =	vadd.scan.msk.s32 $0xffff, v21;
	s23 =	spop (v2sf)  }
0xba: {  	v23 =	vld [tilespmem:s22+$0x5000];
	(xrf0) =	vadd.scan.msk.s32 $0xffff, v24;
	v21, _, _ =	vpop (xrf0);
	s15 =	sadd.s32 $0x0, s23  }
0xbb: {  	v21 =	vadd.s32 s15, v21  }
0xbc: {  	vm0 =	vgt.s32 v21, $0x199  }
0xbd: {  	v26, _, _ =	vpop (xrf0);
	v21 =	vsel vm0, $0x1, v2  }
0xbe: {  	(v2sf) =	vpush v26, $0xF;
	v27, _, _ =	vpop (xrf0)  }
0xbf: {  	s24 =	simm.s32 $0xA0;
	(xrf0) =	vadd.scan.msk.s32 $0xffff, v23;
	(v2sf) =	vpush v27, $0xF;
	v27, _, _ =	vpop (xrf0);
	s25 =	spop (v2sf)  }
0xc0: {  	v25 =	vperm.xlane v25, v4;
	v26 =	vld [tilespmem:s24+$0x5000];
	s15 =	sadd.s32 s15, s25;
	v22 =	vsel vm0, $0x0, v22;
	(xrf0) =	vadd.scan.msk.s32 $0xffff, v21;
	v21, _, _ =	vpop (xrf0)  }
0xc1: {  	(xrf0) =	vadd.scan.msk.s32 $0xffff, v22;
	v22 =	vadd.s32 s15, v21  }
0xc2: {  	(xrf0) =	vadd.scan.msk.s32 $0xffff, v25;
	vm0 =	vgt.s32 v22, $0x199  }
0xc3: {  	s26 =	simm.s32 $0x90;
	v22 =	vsel vm0, $0x1, v2  }
0xc4: {  	v21 =	vld [tilespmem:s26+$0x5000]  }
0xc5: {  	(xrf0) =	vadd.scan.msk.s32 $0xffff, v26;
	v61, _, _ =	vpop (xrf0);
	v24 =	vsel vm0, $0x0, v24  }
0xc6: {  	v23 =	vperm.xlane v23, v4;
	(xrf0) =	vadd.scan.msk.s32 $0xffff, v22;
	v22, _, _ =	vpop (xrf0)  }
0xc7: {  	s28 =	spop (v2sf);
	(xrf0) =	vadd.scan.msk.s32 $0xffff, v24;
	v62, _, _ =	vpop (xrf0)  }
0xc8: {  	(v2sf) =	vpush v27, $0xF;
	s15 =	sadd.s32 s15, s28;
	(xrf0) =	vadd.scan.msk.s32 $0xffff, v23;
	v24, _, _ =	vpop (xrf0)  }
0xc9: {  	(v2sf) =	vpush v61, $0xF;
	(xrf0) =	vadd.scan.msk.s32 $0xffff, v21;
	v27 =	vadd.s32 s15, v24  }
0xca: {  	(v2sf) =	vpush v22, $0xF;
	vm0 =	vgt.s32 v27, $0x199  }
0xcb: {  	(v2sf) =	vpush v62, $0xF;
	v22, _, _ =	vpop (xrf0);
	v25 =	vsel vm0, $0x0, v25  }
0xcc: {  	v63, _, _ =	vpop (xrf0);
	(v2sf) =	vpush v22, $0xF;
	v27 =	vsel vm0, $0x1, v2  }
0xcd: {  	v22 =	vperm.xlane v26, v4;
	(v2sf) =	vpush v63, $0xF;
	(xrf0) =	vadd.scan.msk.s32 $0xffff, v27;
	v26, _, _ =	vpop (xrf0)  }
0xce: {  	(xrf0) =	vadd.scan.msk.s32 $0xffff, v25;
	v25, _, _ =	vpop (xrf0)  }
0xcf: {  	s30 =	spop (v2sf);
	(v2sf) =	vpush v26, $0xF;
	v26, _, _ =	vpop (xrf0)  }
0xd0: {  	(v2sf) =	vpush v26, $0xF;
	_ =	sdelay $0x1  }
0xd1: {  	s29 =	simm.s32 $0x80  }
0xd2: {  	v24 =	vld [tilespmem:s29+$0x5000];
	_ =	sdelay $0x2  }
0xd3: {  	s17 =	sadd.s32 s15, s30  }
0xd4: {  	s31 =	simm.s32 $0x70;
	(xrf0) =	vadd.scan.msk.s32 $0xffff, v22;
	v27 =	vadd.s32 s17, v25  }
0xd5: {  	s18 =	simm.s32 $0x180;
	s16 =	spop (v2sf);
	s15 =	simm.s32 $0x0;
	(xrf0) =	vadd.scan.msk.s32 $0xffff, v24;
	v25 =	vld [tilespmem:s31+$0x5000];
	vm0 =	vgt.s32 v27, $0x199  }
.LBB2_9:
0xd6: {  	s14 =	sadd.s32 s14, s16;
	s16 =	spop (v2sf)  }
0xd7: {  	v28 =	vsel vm0, $0x1, v2;
	v27 =	vsel vm0, $0x0, v23;
	v23 =	vmov v22;
	s19 =	smov.u32 s18;
	s20 =	sadd.s32 $0xFFFFFFC0, s18;
	p0 =	sne.s32 s18, $0x0  }
.Ltmp3:
0xd8: {  	v22 =	vperm.xlane v21, v4;
	v21 =	vmov v24;
	(xrf0) =	vadd.scan.msk.s32 $0xffff, v28;
	v26, _, _ =	vpop (xrf0);
	s15 =	sadd.s32 s15, s16;
	(pc) =	sbr.rel @p0 .LBB2_9-.Ltmp3, $4  }
0xd9: {  	(xrf0) =	vadd.scan.msk.s32 $0xffff, v27;
	s16 =	spop (v2sf);
	(v2sf) =	vpush v26, $0xF;
	v24, _, _ =	vpop (xrf0)  }
0xda: {  	(xrf0) =	vadd.scan.msk.s32 $0xffff, v22;
	v26, _, _ =	vpop (xrf0);
	s17 =	sadd.s32 s17, s16;
	(v2sf) =	vpush v24, $0xF  }
0xdb: {  	s16 =	sshra.s32 s19, $0x2;
	(xrf0) =	vadd.scan.msk.s32 $0xffff, v25;
	v27, _, _ =	vpop (xrf0);
	v26 =	vadd.s32 s17, v26;
	v24 =	vmov v25  }
0xdc: {  	s18 =	smov.u32 s20;
	v25 =	vld [tilespmem:s16+$0x5000];
	(v2sf) =	vpush v27, $0xF;
	vm0 =	vgt.s32 v26, $0x199;
	s16 =	spop (v2sf)  }
0xdd: {  	v23 =	vsel vm0, $0x0, v23  }
0xde: {  	v26 =	vsel vm0, $0x1, v2  }
0xdf: {  	v21 =	vperm.xlane v21, v4;
	(xrf0) =	vadd.scan.msk.s32 $0xffff, v26;
	v56, _, _ =	vpop (xrf0)  }
0xe0: {  	s18 =	spop (v2sf);
	(xrf0) =	vadd.scan.msk.s32 $0xffff, v23;
	v23, _, _ =	vpop (xrf0)  }
0xe1: {  	s19 =	spop (v2sf);
	(v2sf) =	vpush v56, $0xF;
	(xrf0) =	vadd.scan.msk.s32 $0xffff, v21;
	v57, _, _ =	vpop (xrf0)  }
0xe2: {  	s20 =	sadd.s32 s17, s19;
	(v2sf) =	vpush v23, $0xF;
	v23, _, _ =	vpop (xrf0)  }
0xe3: {  	(v2sf) =	vpush v23, $0xF;
	v23 =	vadd.s32 s20, v57  }
0xe4: {  	s19 =	spop (v2sf)  }
0xe5: {  	s17 =	spop (v2sf);
	v58, _, _ =	vpop (xrf0)  }
0xe6: {  	s21 =	spop (v2sf);
	vm12 =	vgt.s32 v23, $0x199;
	v23, _, _ =	vpop (xrf0)  }
0xe7: {  	s20 =	sadd.s32 s20, s21;
	v27 =	vsel vm12, $0x1, v2;
	(xrf0) =	vadd.scan.msk.s32 $0xffff, v25;
	v28, _, _ =	vpop (xrf0)  }
0xe8: {  	v24 =	vperm.xlane v24, v4;
	v22 =	vsel vm12, $0x0, v22;
	(xrf0) =	vadd.scan.msk.s32 $0xffff, v27;
	v59 =	vadd.s32 s20, v28  }
0xe9: {  	(xrf0) =	vadd.scan.msk.s32 $0xffff, v22;
	vm13 =	vgt.s32 v59, $0x199  }
0xea: {  	(xrf0) =	vadd.scan.msk.s32 $0xffff, v24;
	v22 =	vsel vm13, $0x1, v2;
	v21 =	vsel vm13, $0x0, v21  }
0xeb: {  	v60 =	vperm.xlane v25, v4;
	(xrf0) =	vadd.scan.msk.s32 $0xffff, v22  }
0xec: {  	(xrf0) =	vadd.scan.msk.s32 $0xffff, v21  }
0xed: {  	s26 =	spop (v2sf);
	v21, _, _ =	vpop (xrf0);
	(xrf0) =	vadd.scan.msk.s32 $0xffff, v60  }
0xee: {  	s22 =	spop (v2sf);
	v22, _, _ =	vpop (xrf0)  }
0xef: {  	s23 =	spop (v2sf);
	v61, _, _ =	vpop (xrf0)  }
0xf0: {  	s24 =	spop (v2sf);
	v62, _, _ =	vpop (xrf0)  }
0xf1: {  	s20 =	sadd.s32 s20, s23;
	s28 =	spop (v2sf);
	v29, _, _ =	vpop (xrf0)  }
0xf2: {  	v28 =	vadd.s32 s20, v62;
	s25 =	spop (v2sf);
	v30, _, _ =	vpop (xrf0)  }
0xf3: {  	vm14 =	vgt.s32 v28, $0x199;
	v63, _, _ =	vpop (xrf0);
	s20 =	sadd.s32 s20, s25  }
0xf4: {  	v31 =	vsel vm14, $0x1, v2;
	v28 =	vadd.s32 s20, v63  }
0xf5: {  	(v2sf) =	vpush v58, $0xF;
	v24 =	vsel vm14, $0x0, v24;
	(xrf0) =	vadd.scan.msk.s32 $0xffff, v31;
	vm15 =	vgt.s32 v28, $0x199  }
0xf6: {  	(v2sf) =	vpush v23, $0xF;
	(xrf0) =	vadd.scan.msk.s32 $0xffff, v24;
	v23 =	vsel vm15, $0x1, v2  }
0xf7: {  	(v2sf) =	vpush v21, $0xF;
	(xrf0) =	vadd.scan.msk.s32 $0xffff, v23  }
0xf8: {  	(v2sf) =	vpush v22, $0xF;
	v21 =	vsel vm15, $0x0, v60  }
0xf9: {  	(v2sf) =	vpush v61, $0xF;
	(xrf0) =	vadd.scan.msk.s32 $0xffff, v21  }
0xfa: {  	(v2sf) =	vpush v29, $0xF  }
0xfb: {  	(v2sf) =	vpush v30, $0xF;
	v21, _, _ =	vpop (xrf0)  }
0xfc: {  	(v2sf) =	vpush v21, $0xF;
	v21, _, _ =	vpop (xrf0)  }
0xfd: {  	(v2sf) =	vpush v21, $0xF;
	v21, _, _ =	vpop (xrf0)  }
0xfe: {  	(v2sf) =	vpush v21, $0xF  }
0xff: {  	v21, _, _ =	vpop (xrf0)  }
0x100: {  	(v2sf) =	vpush v21, $0xF;
	_ =	sdelay $0x3  }
0x101: {  	s29 =	spop (v2sf)  }
0x102: {  	s30 =	spop (v2sf)  }
0x103: {  	s14 =	sadd.s32 s14, s16;
	s31 =	spop (v2sf)  }
0x104: {  	s14 =	sadd.s32 s14, s19;
	s16 =	spop (v2sf)  }
0x105: {  	s15 =	sadd.s32 s15, s18;
	s14 =	sadd.s32 s14, s26;
	s21 =	spop (v2sf)  }
0x106: {  	s15 =	sadd.s32 s15, s17;
	s14 =	sadd.s32 s14, s24;
	s24 =	spop (v2sf)  }
0x107: {  	s15 =	sadd.s32 s15, s22;
	s14 =	sadd.s32 s14, s29;
	s26 =	spop (v2sf)  }
0x108: {  	s15 =	sadd.s32 s15, s28;
	s14 =	sadd.s32 s14, s16;
	s28 =	spop (v2sf)  }
0x109: {  	s15 =	sadd.s32 s15, s30;
	s14 =	sadd.s32 s14, s24;
	s29 =	spop (v2sf)  }
0x10a: {  	s15 =	sadd.s32 s15, s21;
	s14 =	sadd.s32 s14, s28;
	s30 =	spop (v2sf)  }
0x10b: {  	s15 =	sadd.s32 s15, s26;
	s14 =	sadd.s32 s14, s30  }
0x10c: {  	s15 =	sadd.s32 s15, s29;
	s31 =	spop (v2sf);
	s14 =	sadd.s32 $0xFFFFFFFF, s14  }
0x10d: {  	s18 =	simm.s32 $0x0;
	v21 =	vimm.s32 $0x0;
	s16 =	simm.s32 $0x0;
	s15 =	sadd.s32 s15, s31;
	v22 =	vmov s14  }
.LBB2_11:
0x10e: {  	s17 =	sshra.s32 s16, $0x2  }
0x10f: {  	v23 =	vld [tilespmem:s17+$0x0];
	_ =	sdelay $0x4  }
0x110: {  	v24 =	vshrl.u32 v23, $0x18;
	v25 =	vshrl.u32 v23, $0xC  }
0x111: {  	vm0 =	veq.s32 v24, v22;
	v47 =	vand.u32 $0xFF0, v25  }
0x112: {  	v48 =	vshll.u32 v21, $0x4;
	v24 =	vor.u32 v0, v47  }
0x113: {  	v25 =	vor.u32 v0, v48;
	_ =	sdelay $0x3  }
0x114: {  	[tilespmem:v24+s8+$0x0] =	vst.idx.add.s32.msk vm0, v3  }
0x115: {  	[tilespmem:v25+s9+$0x0] =	vst.idx.msk vm0, v23  }
0x116: {  	v23 =	vld [tilespmem:s17+$0x10];
	_ =	sdelay $0x4  }
0x117: {  	v49 =	vsel vm0, $0x1, v2;
	v50 =	vshrl.u32 v23, $0x18;
	v26 =	vshrl.u32 v23, $0xC  }
0x118: {  	v21 =	vadd.s32 v49, v21;
	vm13 =	veq.s32 v50, v22;
	v51 =	vand.u32 $0xFF0, v26  }
0x119: {  	v52 =	vshll.u32 v21, $0x4;
	v24 =	vor.u32 v0, v51  }
0x11a: {  	v25 =	vor.u32 v0, v52;
	_ =	sdelay $0x3  }
0x11b: {  	[tilespmem:v24+s8+$0x0] =	vst.idx.add.s32.msk vm13, v3  }
0x11c: {  	[tilespmem:v25+s9+$0x0] =	vst.idx.msk vm13, v23  }
0x11d: {  	v23 =	vld [tilespmem:s17+$0x20];
	_ =	sdelay $0x4  }
0x11e: {  	v53 =	vsel vm13, $0x1, v2;
	v54 =	vshrl.u32 v23, $0x18;
	v55 =	vshrl.u32 v23, $0xC  }
0x11f: {  	v21 =	vadd.s32 v53, v21;
	vm14 =	veq.s32 v54, v22;
	v56 =	vand.u32 $0xFF0, v55  }
0x120: {  	v57 =	vshll.u32 v21, $0x4;
	v24 =	vor.u32 v0, v56  }
0x121: {  	v25 =	vor.u32 v0, v57;
	_ =	sdelay $0x3  }
0x122: {  	[tilespmem:v24+s8+$0x0] =	vst.idx.add.s32.msk vm14, v3  }
0x123: {  	[tilespmem:v25+s9+$0x0] =	vst.idx.msk vm14, v23  }
0x124: {  	v23 =	vld [tilespmem:s17+$0x30];
	_ =	sdelay $0x4  }
0x125: {  	v58 =	vsel vm14, $0x1, v2;
	v59 =	vshrl.u32 v23, $0x18;
	v60 =	vshrl.u32 v23, $0xC  }
0x126: {  	v21 =	vadd.s32 v58, v21;
	vm15 =	veq.s32 v59, v22;
	v61 =	vand.u32 $0xFF0, v60  }
0x127: {  	v62 =	vshll.u32 v21, $0x4;
	v24 =	vor.u32 v0, v61  }
0x128: {  	p0 =	seq.s32 s16, $0x7F00;
	v25 =	vor.u32 v0, v62  }
.Ltmp4:
0x129: {  	_ = 	snop;
	(pc) =	sbr.rel @!p0 .LBB2_11-.Ltmp4, $3  }
0x12a: {  	_ =	sdelay $0x1  }
0x12b: {  	v63 =	vsel vm15, $0x1, v2;
	[tilespmem:v24+s8+$0x0] =	vst.idx.add.s32.msk vm15, v3  }
0x12c: {  	s16 =	sadd.s32 $0x100, s16;
	v21 =	vadd.s32 v63, v21;
	[tilespmem:v25+s9+$0x0] =	vst.idx.msk vm15, v23  }
0x12d: {  	v22 =	vmov s18  }
0x12e: {  	v22 =	vshll.u32 v22, $0x4  }
0x12f: {  	v22 =	vor.u32 v1, v22  }
0x130: {  	v23 =	vor.u32 $0xF, v22  }
0x131: {  	v24 =	vor.u32 $0xE, v22  }
0x132: {  	v25 =	vor.u32 $0xD, v22  }
0x133: {  	v26 =	vor.u32 $0xC, v22  }
0x134: {  	v27 =	vor.u32 $0xB, v22;
	v37 =	vld.idx.msk [tilespmem:v22+s8+$0x0], $0xffff  }
0x135: {  	v28 =	vor.u32 $0xA, v22;
	v23 =	vld.idx.msk [tilespmem:v23+s8+$0x0], $0xffff  }
0x136: {  	v29 =	vor.u32 $0x9, v22;
	v24 =	vld.idx.msk [tilespmem:v24+s8+$0x0], $0xffff  }
0x137: {  	v30 =	vor.u32 $0x8, v22;
	v31 =	vld.idx.msk [tilespmem:v25+s8+$0x0], $0xffff  }
0x138: {  	v32 =	vor.u32 $0x1, v22;
	v26 =	vld.idx.msk [tilespmem:v26+s8+$0x0], $0xffff  }
0x139: {  	v33 =	vor.u32 $0x2, v22;
	v27 =	vld.idx.msk [tilespmem:v27+s8+$0x0], $0xffff  }
0x13a: {  	v34 =	vor.u32 $0x3, v22;
	v28 =	vld.idx.msk [tilespmem:v28+s8+$0x0], $0xffff  }
0x13b: {  	v35 =	vor.u32 $0x4, v22;
	v29 =	vld.idx.msk [tilespmem:v29+s8+$0x0], $0xffff  }
0x13c: {  	v36 =	vor.u32 $0x5, v22;
	v30 =	vld.idx.msk [tilespmem:v30+s8+$0x0], $0xffff  }
0x13d: {  	v25 =	vor.u32 $0x7, v22;
	v32 =	vld.idx.msk [tilespmem:v32+s8+$0x0], $0xffff  }
0x13e: {  	v22 =	vor.u32 $0x6, v22;
	v33 =	vld.idx.msk [tilespmem:v33+s8+$0x0], $0xffff  }
0x13f: {  	v34 =	vld.idx.msk [tilespmem:v34+s8+$0x0], $0xffff  }
0x140: {  	v35 =	vld.idx.msk [tilespmem:v35+s8+$0x0], $0xffff  }
0x141: {  	v36 =	vld.idx.msk [tilespmem:v36+s8+$0x0], $0xffff  }
0x142: {  	s17 =	simm.s32 $0x4080;
	v25 =	vld.idx.msk [tilespmem:v25+s8+$0x0], $0xffff  }
0x143: {  	v22 =	vld.idx.msk [tilespmem:v22+s8+$0x0], $0xffff;
	[tilespmem:s17+$0xFFFFFF80] =	vst v2  }
0x144: {  	v32 =	vadd.s32 v37, v32;
	[tilespmem:s17+$0xFFFFFF90] =	vst v2  }
0x145: {  	[tilespmem:s17+$0xFFFFFFA0] =	vst v2;
	v32 =	vadd.s32 v33, v32  }
0x146: {  	[tilespmem:s17+$0xFFFFFFB0] =	vst v2;
	v32 =	vadd.s32 v34, v32  }
0x147: {  	[tilespmem:s17+$0xFFFFFFC0] =	vst v2;
	v32 =	vadd.s32 v35, v32  }
0x148: {  	[tilespmem:s17+$0xFFFFFFD0] =	vst v2;
	v32 =	vadd.s32 v36, v32  }
0x149: {  	[tilespmem:s17+$0xFFFFFFE0] =	vst v2;
	v22 =	vadd.s32 v22, v32  }
0x14a: {  	[tilespmem:s17+$0xFFFFFFF0] =	vst v2;
	v22 =	vadd.s32 v25, v22  }
0x14b: {  	s31 =	simm.s32 $0x10;
	[tilespmem:s17+$0x0] =	vst v2;
	v22 =	vadd.s32 v30, v22  }
0x14c: {  	[tilespmem:s17+$0x10] =	vst v2;
	v25 =	vmov s31;
	v22 =	vadd.s32 v29, v22  }
0x14d: {  	[tilespmem:s17+$0x20] =	vst v2;
	v25 =	vshll.u32 v25, $0x4;
	v22 =	vadd.s32 v28, v22  }
0x14e: {  	[tilespmem:s17+$0x30] =	vst v2;
	v25 =	vor.u32 v1, v25;
	v22 =	vadd.s32 v27, v22  }
0x14f: {  	[tilespmem:s17+$0x40] =	vst v2;
	v27 =	vor.u32 $0xF, v25;
	v22 =	vadd.s32 v26, v22  }
0x150: {  	[tilespmem:s17+$0x50] =	vst v2;
	v22 =	vadd.s32 v31, v22  }
0x151: {  	[tilespmem:s17+$0x60] =	vst v2;
	v28 =	vor.u32 $0xE, v25;
	v22 =	vadd.s32 v24, v22  }
0x152: {  	s16 =	simm.s32 $0x5000;
	[tilespmem:s17+$0x70] =	vst v2;
	v31 =	vor.u32 $0xD, v25;
	v22 =	vadd.s32 v23, v22  }
0x153: {  	v26 =	vor.u32 $0xC, v25;
	[tilespmem:s16+$0x0] =	vst v22  }
0x154: {  	v22 =	vld.idx.msk [tilespmem:v27+s8+$0x0], $0xffff;
	v27 =	vor.u32 $0xB, v25  }
0x155: {  	v30 =	vor.u32 $0xA, v25  }
0x156: {  	v29 =	vor.u32 $0x9, v25;
	v23 =	vld.idx.msk [tilespmem:v28+s8+$0x0], $0xffff  }
0x157: {  	s18 =	simm.s32 $0x20;
	v28 =	vor.u32 $0x8, v25;
	v24 =	vld.idx.msk [tilespmem:v31+s8+$0x0], $0xffff  }
.LBB2_13:
0x158: {  	p0 =	seq.s32 s18, $0xF0;
	v31 =	vor.u32 $0x7, v25;
	v26 =	vld.idx.msk [tilespmem:v26+s8+$0x0], $0xffff  }
0x159: {  	v32 =	vor.u32 $0x1, v25;
	v27 =	vld.idx.msk [tilespmem:v27+s8+$0x0], $0xffff  }
0x15a: {  	v30 =	vld.idx.msk [tilespmem:v30+s8+$0x0], $0xffff  }
0x15b: {  	v33 =	vor.u32 $0x2, v25;
	v29 =	vld.idx.msk [tilespmem:v29+s8+$0x0], $0xffff  }
0x15c: {  	v34 =	vor.u32 $0x3, v25;
	v28 =	vld.idx.msk [tilespmem:v28+s8+$0x0], $0xffff  }
0x15d: {  	v35 =	vor.u32 $0x4, v25;
	v31 =	vld.idx.msk [tilespmem:v31+s8+$0x0], $0xffff  }
0x15e: {  	v36 =	vor.u32 $0x5, v25;
	v32 =	vld.idx.msk [tilespmem:v32+s8+$0x0], $0xffff  }
0x15f: {  	v37 =	vld.idx.msk [tilespmem:v25+s8+$0x0], $0xffff;
	v25 =	vor.u32 $0x6, v25  }
0x160: {  	v33 =	vld.idx.msk [tilespmem:v33+s8+$0x0], $0xffff  }
0x161: {  	v34 =	vld.idx.msk [tilespmem:v34+s8+$0x0], $0xffff  }
0x162: {  	v35 =	vld.idx.msk [tilespmem:v35+s8+$0x0], $0xffff  }
0x163: {  	s17 =	sadd.s32 $0x100, s17;
	v36 =	vld.idx.msk [tilespmem:v36+s8+$0x0], $0xffff  }
0x164: {  	v25 =	vld.idx.msk [tilespmem:v25+s8+$0x0], $0xffff;
	[tilespmem:s17+$0xFFFFFF80] =	vst v2  }
0x165: {  	v32 =	vadd.s32 v37, v32;
	[tilespmem:s17+$0xFFFFFF90] =	vst v2  }
0x166: {  	v32 =	vadd.s32 v33, v32;
	[tilespmem:s17+$0xFFFFFFA0] =	vst v2  }
0x167: {  	v32 =	vadd.s32 v34, v32;
	[tilespmem:s17+$0xFFFFFFB0] =	vst v2  }
0x168: {  	v32 =	vadd.s32 v35, v32;
	[tilespmem:s17+$0xFFFFFFC0] =	vst v2  }
0x169: {  	v32 =	vadd.s32 v36, v32;
	[tilespmem:s17+$0xFFFFFFD0] =	vst v2  }
0x16a: {  	v25 =	vadd.s32 v25, v32;
	[tilespmem:s17+$0xFFFFFFE0] =	vst v2  }
0x16b: {  	v25 =	vadd.s32 v31, v25;
	[tilespmem:s17+$0xFFFFFFF0] =	vst v2  }
0x16c: {  	v25 =	vadd.s32 v28, v25;
	[tilespmem:s17+$0x0] =	vst v2  }
0x16d: {  	v28 =	vmov s18;
	v25 =	vadd.s32 v29, v25;
	[tilespmem:s17+$0x10] =	vst v2  }
0x16e: {  	v28 =	vshll.u32 v28, $0x4;
	v29 =	vadd.s32 v30, v25;
	[tilespmem:s17+$0x20] =	vst v2  }
0x16f: {  	v25 =	vor.u32 v1, v28;
	v27 =	vadd.s32 v27, v29;
	[tilespmem:s17+$0x30] =	vst v2  }
0x170: {  	v28 =	vor.u32 $0xF, v25;
	v26 =	vadd.s32 v26, v27;
	[tilespmem:s17+$0x40] =	vst v2  }
0x171: {  	v31 =	vor.u32 $0xE, v25;
	v24 =	vadd.s32 v24, v26;
	[tilespmem:s17+$0x50] =	vst v2  }
0x172: {  	v32 =	vor.u32 $0xD, v25;
	v23 =	vadd.s32 v23, v24;
	[tilespmem:s17+$0x60] =	vst v2  }
.Ltmp5:
0x173: {  	s16 =	sadd.s32 $0x10, s16;
	v26 =	vor.u32 $0xC, v25;
	v22 =	vadd.s32 v22, v23;
	[tilespmem:s17+$0x70] =	vst v2;
	(pc) =	sbr.rel @!p0 .LBB2_13-.Ltmp5, $4  }
0x174: {  	v27 =	vor.u32 $0xB, v25;
	[tilespmem:s16+$0x0] =	vst v22  }
0x175: {  	v30 =	vor.u32 $0xA, v25;
	v22 =	vld.idx.msk [tilespmem:v28+s8+$0x0], $0xffff  }
0x176: {  	v29 =	vor.u32 $0x9, v25;
	v23 =	vld.idx.msk [tilespmem:v31+s8+$0x0], $0xffff  }
0x177: {  	s18 =	sadd.s32 $0x10, s18;
	v28 =	vor.u32 $0x8, v25;
	v24 =	vld.idx.msk [tilespmem:v32+s8+$0x0], $0xffff  }
0x178: {  	_ =	sdelay $0x3  }
0x179: {  	v26 =	vld.idx.msk [tilespmem:v26+s8+$0x0], $0xffff  }
0x17a: {  	v31 =	vor.u32 $0x7, v25;
	v27 =	vld.idx.msk [tilespmem:v27+s8+$0x0], $0xffff  }
0x17b: {  	v32 =	vor.u32 $0x1, v25;
	v30 =	vld.idx.msk [tilespmem:v30+s8+$0x0], $0xffff  }
0x17c: {  	v33 =	vor.u32 $0x2, v25;
	v29 =	vld.idx.msk [tilespmem:v29+s8+$0x0], $0xffff  }
0x17d: {  	v34 =	vor.u32 $0x3, v25;
	v28 =	vld.idx.msk [tilespmem:v28+s8+$0x0], $0xffff  }
0x17e: {  	v35 =	vor.u32 $0x4, v25;
	v37 =	vld.idx.msk [tilespmem:v25+s8+$0x0], $0xffff  }
0x17f: {  	v36 =	vor.u32 $0x5, v25;
	v31 =	vld.idx.msk [tilespmem:v31+s8+$0x0], $0xffff  }
0x180: {  	v25 =	vor.u32 $0x6, v25;
	v32 =	vld.idx.msk [tilespmem:v32+s8+$0x0], $0xffff  }
0x181: {  	v33 =	vld.idx.msk [tilespmem:v33+s8+$0x0], $0xffff  }
0x182: {  	v34 =	vld.idx.msk [tilespmem:v34+s8+$0x0], $0xffff  }
0x183: {  	v35 =	vld.idx.msk [tilespmem:v35+s8+$0x0], $0xffff  }
0x184: {  	s17 =	sadd.s32 $0x100, s17;
	v36 =	vld.idx.msk [tilespmem:v36+s8+$0x0], $0xffff  }
0x185: {  	v25 =	vld.idx.msk [tilespmem:v25+s8+$0x0], $0xffff;
	[tilespmem:s17+$0xFFFFFF80] =	vst v2  }
0x186: {  	[tilespmem:s17+$0xFFFFFF90] =	vst v2;
	v32 =	vadd.s32 v37, v32  }
0x187: {  	[tilespmem:s17+$0xFFFFFFA0] =	vst v2;
	v32 =	vadd.s32 v33, v32  }
0x188: {  	[tilespmem:s17+$0xFFFFFFB0] =	vst v2;
	v32 =	vadd.s32 v34, v32  }
0x189: {  	[tilespmem:s17+$0xFFFFFFC0] =	vst v2;
	v32 =	vadd.s32 v35, v32  }
0x18a: {  	[tilespmem:s17+$0xFFFFFFD0] =	vst v2;
	v32 =	vadd.s32 v36, v32  }
0x18b: {  	[tilespmem:s17+$0xFFFFFFE0] =	vst v2;
	v25 =	vadd.s32 v25, v32  }
0x18c: {  	[tilespmem:s17+$0xFFFFFFF0] =	vst v2;
	v25 =	vadd.s32 v31, v25  }
0x18d: {  	[tilespmem:s17+$0x0] =	vst v2;
	v25 =	vadd.s32 v28, v25  }
0x18e: {  	[tilespmem:s17+$0x10] =	vst v2;
	v25 =	vadd.s32 v29, v25  }
0x18f: {  	[tilespmem:s17+$0x20] =	vst v2;
	v25 =	vadd.s32 v30, v25  }
0x190: {  	[tilespmem:s17+$0x30] =	vst v2;
	v25 =	vadd.s32 v27, v25  }
0x191: {  	[tilespmem:s17+$0x40] =	vst v2;
	v25 =	vadd.s32 v26, v25  }
0x192: {  	[tilespmem:s17+$0x50] =	vst v2;
	v24 =	vadd.s32 v24, v25  }
0x193: {  	[tilespmem:s17+$0x60] =	vst v2;
	v23 =	vadd.s32 v23, v24  }
0x194: {  	s16 =	sadd.s32 $0x10, s16;
	[tilespmem:s17+$0x70] =	vst v2;
	v22 =	vadd.s32 v22, v23  }
0x195: {  	s19 =	simm.s32 $0xF0;
	[tilespmem:s16+$0x0] =	vst v22  }
0x196: {  	v23 =	vld [tilespmem:s19+$0x5000];
	_ =	sdelay $0x4  }
0x197: {  	s20 =	simm.s32 $0xE0;
	(xrf0) =	vadd.scan.msk.s32 $0xffff, v23  }
0x198: {  	v24 =	vld [tilespmem:s20+$0x5000];
	_ =	sdelay $0x4  }
0x199: {  	(xrf0) =	vadd.scan.msk.s32 $0xffff, v24;
	v25, _, _ =	vpop (xrf0)  }
0x19a: {  	(v2sf) =	vpush v25, $0xF  }
0x19b: {  	s21 =	simm.s32 $0xD0  }
0x19c: {  	v26 =	vld [tilespmem:s21+$0x5000];
	v23 =	vperm.xlane v23, v4;
	_ =	sdelay $0x1  }
0x19d: {  	(xrf0) =	vadd.scan.msk.s32 $0xffff, v23  }
0x19e: {  	v25, _, _ =	vpop (xrf0)  }
0x19f: {  	(v2sf) =	vpush v25, $0xF  }
0x1a0: {  	s22 =	simm.s32 $0xC0;
	(xrf0) =	vadd.scan.msk.s32 $0xffff, v26  }
0x1a1: {  	v27 =	vld [tilespmem:s22+$0x5000];
	v24 =	vperm.xlane v24, v4;
	_ =	sdelay $0x1  }
0x1a2: {  	s16 =	ssub.s32 $0x19A, s15;
	s15 =	simm.s32 $0x0;
	(xrf0) =	vadd.scan.msk.s32 $0xffff, v24;
	v25, _, _ =	vpop (xrf0)  }
0x1a3: {  	v22 =	vmov s16;
	v25 =	vadd.s32 s15, v25  }
0x1a4: {  	vm0 =	vge.s32 v25, v22  }
0x1a5: {  	(xrf0) =	vadd.scan.msk.s32 $0xffff, v27;
	v28, _, _ =	vpop (xrf0);
	v25 =	vsel vm0, $0x1, v2;
	v23 =	vsel vm0, $0x0, v23  }
0x1a6: {  	v26 =	vperm.xlane v26, v4;
	(v2sf) =	vpush v28, $0xF;
	(xrf0) =	vadd.scan.msk.s32 $0xffff, v25  }
0x1a7: {  	s23 =	simm.s32 $0xB0;
	(xrf0) =	vadd.scan.msk.s32 $0xffff, v23;
	s24 =	spop (v2sf)  }
0x1a8: {  	v25 =	vld [tilespmem:s23+$0x5000];
	(xrf0) =	vadd.scan.msk.s32 $0xffff, v26;
	v23, _, _ =	vpop (xrf0);
	s17 =	sadd.s32 $0x0, s24  }
0x1a9: {  	v23 =	vadd.s32 s17, v23  }
0x1aa: {  	vm0 =	vge.s32 v23, v22  }
0x1ab: {  	v28, _, _ =	vpop (xrf0);
	v23 =	vsel vm0, $0x1, v2  }
0x1ac: {  	(v2sf) =	vpush v28, $0xF;
	v29, _, _ =	vpop (xrf0)  }
0x1ad: {  	s18 =	simm.s32 $0xA0;
	(xrf0) =	vadd.scan.msk.s32 $0xffff, v25;
	(v2sf) =	vpush v29, $0xF;
	v29, _, _ =	vpop (xrf0);
	s25 =	spop (v2sf)  }
0x1ae: {  	v27 =	vperm.xlane v27, v4;
	v28 =	vld [tilespmem:s18+$0x5000];
	s17 =	sadd.s32 s17, s25;
	v24 =	vsel vm0, $0x0, v24;
	(xrf0) =	vadd.scan.msk.s32 $0xffff, v23;
	v23, _, _ =	vpop (xrf0)  }
0x1af: {  	(xrf0) =	vadd.scan.msk.s32 $0xffff, v24;
	v24 =	vadd.s32 s17, v23  }
0x1b0: {  	(xrf0) =	vadd.scan.msk.s32 $0xffff, v27;
	vm0 =	vge.s32 v24, v22  }
0x1b1: {  	s26 =	simm.s32 $0x90;
	v24 =	vsel vm0, $0x1, v2  }
0x1b2: {  	v23 =	vld [tilespmem:s26+$0x5000]  }
0x1b3: {  	(xrf0) =	vadd.scan.msk.s32 $0xffff, v28;
	v61, _, _ =	vpop (xrf0);
	v26 =	vsel vm0, $0x0, v26  }
0x1b4: {  	v25 =	vperm.xlane v25, v4;
	(xrf0) =	vadd.scan.msk.s32 $0xffff, v24;
	v24, _, _ =	vpop (xrf0)  }
0x1b5: {  	s28 =	spop (v2sf);
	(xrf0) =	vadd.scan.msk.s32 $0xffff, v26;
	v62, _, _ =	vpop (xrf0)  }
0x1b6: {  	(v2sf) =	vpush v29, $0xF;
	s17 =	sadd.s32 s17, s28;
	(xrf0) =	vadd.scan.msk.s32 $0xffff, v25;
	v26, _, _ =	vpop (xrf0)  }
0x1b7: {  	(v2sf) =	vpush v61, $0xF;
	(xrf0) =	vadd.scan.msk.s32 $0xffff, v23;
	v29 =	vadd.s32 s17, v26  }
0x1b8: {  	(v2sf) =	vpush v24, $0xF;
	vm0 =	vge.s32 v29, v22  }
0x1b9: {  	(v2sf) =	vpush v62, $0xF;
	v24, _, _ =	vpop (xrf0);
	v27 =	vsel vm0, $0x0, v27  }
0x1ba: {  	v63, _, _ =	vpop (xrf0);
	(v2sf) =	vpush v24, $0xF;
	v29 =	vsel vm0, $0x1, v2  }
0x1bb: {  	v24 =	vperm.xlane v28, v4;
	(v2sf) =	vpush v63, $0xF;
	(xrf0) =	vadd.scan.msk.s32 $0xffff, v29;
	v28, _, _ =	vpop (xrf0)  }
0x1bc: {  	(xrf0) =	vadd.scan.msk.s32 $0xffff, v27;
	v27, _, _ =	vpop (xrf0)  }
0x1bd: {  	s30 =	spop (v2sf);
	(v2sf) =	vpush v28, $0xF;
	v28, _, _ =	vpop (xrf0)  }
0x1be: {  	(v2sf) =	vpush v28, $0xF;
	_ =	sdelay $0x1  }
0x1bf: {  	s29 =	simm.s32 $0x80  }
0x1c0: {  	v26 =	vld [tilespmem:s29+$0x5000];
	_ =	sdelay $0x2  }
0x1c1: {  	s20 =	sadd.s32 s17, s30  }
0x1c2: {  	s31 =	simm.s32 $0x70;
	(xrf0) =	vadd.scan.msk.s32 $0xffff, v24;
	v29 =	vadd.s32 s20, v27  }
0x1c3: {  	s19 =	simm.s32 $0x180;
	s18 =	spop (v2sf);
	s17 =	simm.s32 $0x0;
	(xrf0) =	vadd.scan.msk.s32 $0xffff, v26;
	v27 =	vld [tilespmem:s31+$0x5000];
	vm0 =	vge.s32 v29, v22  }
.LBB2_15:
0x1c4: {  	s15 =	sadd.s32 s15, s18;
	s18 =	spop (v2sf)  }
0x1c5: {  	v30 =	vsel vm0, $0x1, v2;
	v29 =	vsel vm0, $0x0, v25;
	v25 =	vmov v24;
	s21 =	smov.u32 s19;
	s22 =	sadd.s32 $0xFFFFFFC0, s19;
	p0 =	sne.s32 s19, $0x0  }
.Ltmp6:
0x1c6: {  	v24 =	vperm.xlane v23, v4;
	v23 =	vmov v26;
	(xrf0) =	vadd.scan.msk.s32 $0xffff, v30;
	v28, _, _ =	vpop (xrf0);
	s17 =	sadd.s32 s17, s18;
	(pc) =	sbr.rel @p0 .LBB2_15-.Ltmp6, $4  }
0x1c7: {  	(xrf0) =	vadd.scan.msk.s32 $0xffff, v29;
	s18 =	spop (v2sf);
	(v2sf) =	vpush v28, $0xF;
	v26, _, _ =	vpop (xrf0)  }
0x1c8: {  	(xrf0) =	vadd.scan.msk.s32 $0xffff, v24;
	v28, _, _ =	vpop (xrf0);
	s20 =	sadd.s32 s20, s18;
	(v2sf) =	vpush v26, $0xF  }
0x1c9: {  	s18 =	sshra.s32 s21, $0x2;
	(xrf0) =	vadd.scan.msk.s32 $0xffff, v27;
	v29, _, _ =	vpop (xrf0);
	v28 =	vadd.s32 s20, v28;
	v26 =	vmov v27  }
0x1ca: {  	s19 =	smov.u32 s22;
	v27 =	vld [tilespmem:s18+$0x5000];
	(v2sf) =	vpush v29, $0xF;
	vm0 =	vge.s32 v28, v22;
	s18 =	spop (v2sf)  }
0x1cb: {  	v28 =	vsel vm0, $0x1, v2  }
0x1cc: {  	v25 =	vsel vm0, $0x0, v25;
	v23 =	vperm.xlane v23, v4;
	(xrf0) =	vadd.scan.msk.s32 $0xffff, v28;
	v50, _, _ =	vpop (xrf0)  }
0x1cd: {  	(xrf0) =	vadd.scan.msk.s32 $0xffff, v25;
	v51, _, _ =	vpop (xrf0)  }
0x1ce: {  	(v2sf) =	vpush v50, $0xF;
	(xrf0) =	vadd.scan.msk.s32 $0xffff, v23;
	v52, _, _ =	vpop (xrf0)  }
0x1cf: {  	s19 =	spop (v2sf);
	(v2sf) =	vpush v51, $0xF;
	v53, _, _ =	vpop (xrf0)  }
0x1d0: {  	s21 =	spop (v2sf);
	(v2sf) =	vpush v53, $0xF  }
0x1d1: {  	s22 =	sadd.s32 s20, s21;
	s31 =	spop (v2sf)  }
0x1d2: {  	s20 =	spop (v2sf);
	v54 =	vadd.s32 s22, v52;
	v55, _, _ =	vpop (xrf0)  }
0x1d3: {  	s23 =	spop (v2sf);
	vm12 =	vge.s32 v54, v22;
	v56, _, _ =	vpop (xrf0)  }
0x1d4: {  	s22 =	sadd.s32 s22, s23;
	v29 =	vsel vm12, $0x1, v2;
	(xrf0) =	vadd.scan.msk.s32 $0xffff, v27;
	v30, _, _ =	vpop (xrf0)  }
0x1d5: {  	v26 =	vperm.xlane v26, v4;
	v24 =	vsel vm12, $0x0, v24;
	(xrf0) =	vadd.scan.msk.s32 $0xffff, v29;
	v57 =	vadd.s32 s22, v30  }
0x1d6: {  	(xrf0) =	vadd.scan.msk.s32 $0xffff, v24;
	vm13 =	vge.s32 v57, v22  }
0x1d7: {  	(xrf0) =	vadd.scan.msk.s32 $0xffff, v26;
	v58 =	vsel vm13, $0x1, v2;
	v23 =	vsel vm13, $0x0, v23  }
0x1d8: {  	v59 =	vperm.xlane v27, v4;
	(xrf0) =	vadd.scan.msk.s32 $0xffff, v58  }
0x1d9: {  	(xrf0) =	vadd.scan.msk.s32 $0xffff, v23  }
0x1da: {  	s23 =	spop (v2sf);
	v23, _, _ =	vpop (xrf0);
	(xrf0) =	vadd.scan.msk.s32 $0xffff, v59  }
0x1db: {  	s24 =	spop (v2sf);
	v60, _, _ =	vpop (xrf0)  }
0x1dc: {  	s25 =	spop (v2sf);
	v61, _, _ =	vpop (xrf0)  }
0x1dd: {  	s26 =	spop (v2sf);
	v62, _, _ =	vpop (xrf0)  }
0x1de: {  	s22 =	sadd.s32 s22, s25;
	s25 =	spop (v2sf);
	v31, _, _ =	vpop (xrf0)  }
0x1df: {  	v30 =	vadd.s32 s22, v62;
	s28 =	spop (v2sf);
	v32, _, _ =	vpop (xrf0)  }
0x1e0: {  	vm14 =	vge.s32 v30, v22;
	v63, _, _ =	vpop (xrf0);
	s22 =	sadd.s32 s22, s28  }
0x1e1: {  	v33 =	vsel vm14, $0x1, v2;
	v30 =	vadd.s32 s22, v63  }
0x1e2: {  	(v2sf) =	vpush v55, $0xF;
	v26 =	vsel vm14, $0x0, v26;
	(xrf0) =	vadd.scan.msk.s32 $0xffff, v33;
	vm15 =	vge.s32 v30, v22  }
0x1e3: {  	(v2sf) =	vpush v56, $0xF;
	(xrf0) =	vadd.scan.msk.s32 $0xffff, v26;
	v22 =	vsel vm15, $0x1, v2  }
0x1e4: {  	(v2sf) =	vpush v23, $0xF;
	v23 =	vsel vm15, $0x0, v59;
	(xrf0) =	vadd.scan.msk.s32 $0xffff, v22  }
0x1e5: {  	(v2sf) =	vpush v60, $0xF;
	v22 =	vxor.u32 $0x80000000, v21;
	(xrf0) =	vadd.scan.msk.s32 $0xffff, v23  }
0x1e6: {  	(v2sf) =	vpush v61, $0xF;
	(xrf0) =	vmax.scan.msk.u32 $0xffff, v22  }
0x1e7: {  	(v2sf) =	vpush v31, $0xF  }
0x1e8: {  	(v2sf) =	vpush v32, $0xF;
	v22, _, _ =	vpop (xrf0)  }
0x1e9: {  	(v2sf) =	vpush v22, $0xF;
	v22, _, _ =	vpop (xrf0)  }
0x1ea: {  	(v2sf) =	vpush v22, $0xF;
	v22, _, _ =	vpop (xrf0)  }
0x1eb: {  	(v2sf) =	vpush v22, $0xF;
	v22, _, _ =	vpop (xrf0)  }
0x1ec: {  	(v2sf) =	vpush v22, $0xF;
	v22, _, _ =	vpop (xrf0)  }
0x1ed: {  	(v2sf) =	vpush v22, $0xF;
	_ =	sdelay $0x3  }
0x1ee: {  	s22 =	spop (v2sf)  }
0x1ef: {  	s28 =	spop (v2sf)  }
0x1f0: {  	s29 =	spop (v2sf)  }
0x1f1: {  	s29 =	spop (v2sf)  }
0x1f2: {  	s15 =	sadd.s32 s15, s18;
	s30 =	spop (v2sf)  }
0x1f3: {  	s15 =	sadd.s32 s15, s31;
	s31 =	spop (v2sf)  }
0x1f4: {  	s17 =	sadd.s32 s17, s19;
	s15 =	sadd.s32 s15, s23;
	s21 =	spop (v2sf)  }
0x1f5: {  	s17 =	sadd.s32 s17, s20;
	s15 =	sadd.s32 s15, s26;
	s23 =	spop (v2sf)  }
0x1f6: {  	s17 =	sadd.s32 s17, s24;
	s15 =	sadd.s32 s15, s22;
	s24 =	spop (v2sf)  }
0x1f7: {  	s17 =	sadd.s32 s17, s25;
	s15 =	sadd.s32 s15, s29;
	s25 =	spop (v2sf)  }
0x1f8: {  	s15 =	sadd.s32 s15, s31;
	s26 =	spop (v2sf)  }
0x1f9: {  	s17 =	sadd.s32 s17, s28;
	s15 =	sadd.s32 s15, s23;
	s28 =	spop (v2sf)  }
0x1fa: {  	s29 =	sadd.s32 s15, s25;
	s15 =	sxor.u32 $0x80000000, s28  }
0x1fb: {  	p0 =	slt.s32 s15, $0x1  }
.Ltmp7:
0x1fc: {  	_ = 	snop;
	(pc) =	sbr.rel @p0 .LBB2_20-.Ltmp7, $4  }
0x1fd: {  	s17 =	sadd.s32 s17, s30  }
0x1fe: {  	s17 =	sadd.s32 s17, s21  }
0x1ff: {  	s31 =	sshll.u32 s14, $0x8;
	s17 =	sadd.s32 s17, s24;
	s30 =	sadd.s32 $0xFFFFFFFF, s29  }
0x200: {  	s14 =	sadd.s32 s17, s26;
	s17 =	sor.u32 s31, s30  }
0x201: {  	s18 =	simm.s32 $0x2000  }
0x202: {  	v23 =	vld [tilespmem:s18+$0x0];
	_ =	sdelay $0x2  }
0x203: {  	p1 =	sne.s32 s15, $0x1  }
.Ltmp8:
0x204: {  	s19 =	simm.s32 $0x0;
	(pc) =	sbr.rel @!p1 .LBB2_19-.Ltmp8, $4  }
0x205: {  	v22 =	vmov s17;
	v25 =	vmov s19;
	v24 =	vshrl.u32 v23, $0x10  }
0x206: {  	vm1 =	vlt.s32 v25, v21;
	v23 =	vshrl.u32 v23, $0x8;
	vm0 =	veq.s32 v24, v22  }
0x207: {  	v23 =	vand.u32 $0xF0, v23;
	vm0 =	vmand vm1, vm0  }
0x208: {  	s19 =	simm.s32 $0x1;
	v23 =	vor.u32 v0, v23  }
.LBB2_18:
0x209: {  	_ =	sdelay $0x3  }
0x20a: {  	[tilespmem:v23+s8+$0x0] =	vst.idx.add.s32.msk vm0, v3;
	s18 =	sadd.s32 $0x10, s18;
	s20 =	smov.u32 s19;
	s19 =	sadd.s32 $0x1, s19  }
0x20b: {  	v23 =	vld [tilespmem:s18+$0x0];
	p1 =	sne.s32 s15, s19;
	_ =	sdelay $0x3  }
.Ltmp9:
0x20c: {  	(pc) =	sbr.rel @p1 .LBB2_18-.Ltmp9, $4  }
0x20d: {  	v25 =	vmov s20;
	v24 =	vshrl.u32 v23, $0x10;
	v23 =	vshrl.u32 v23, $0x8  }
0x20e: {  	vm1 =	vlt.s32 v25, v21;
	vm0 =	veq.s32 v24, v22;
	v23 =	vand.u32 $0xF0, v23  }
0x20f: {  	vm0 =	vmand vm1, vm0  }
0x210: {  	v23 =	vor.u32 v0, v23  }
.LBB2_19:
0x211: {  	_ =	sdelay $0x4  }
0x212: {  	[tilespmem:v23+s8+$0x0] =	vst.idx.add.s32.msk vm0, v3  }
.LBB2_20:
0x213: {  	_ =	sdelay $0x3  }
0x214: {  	v22 =	vld.idx.msk [tilespmem:v1+s8+$0x0], $0xffff  }
0x215: {  	v23 =	vld.idx.msk [tilespmem:v5+s8+$0x0], $0xffff  }
0x216: {  	v24 =	vld.idx.msk [tilespmem:v6+s8+$0x0], $0xffff  }
0x217: {  	v25 =	vld.idx.msk [tilespmem:v7+s8+$0x0], $0xffff  }
0x218: {  	v26 =	vld.idx.msk [tilespmem:v8+s8+$0x0], $0xffff  }
0x219: {  	v27 =	vld.idx.msk [tilespmem:v9+s8+$0x0], $0xffff  }
0x21a: {  	v22 =	vadd.s32 v22, v23;
	v23 =	vld.idx.msk [tilespmem:v10+s8+$0x0], $0xffff  }
0x21b: {  	v56 =	vld.idx.msk [tilespmem:v11+s8+$0x0], $0xffff;
	v22 =	vadd.s32 v24, v22  }
0x21c: {  	v57 =	vld.idx.msk [tilespmem:v12+s8+$0x0], $0xffff;
	v22 =	vadd.s32 v25, v22  }
0x21d: {  	v58 =	vld.idx.msk [tilespmem:v13+s8+$0x0], $0xffff;
	v22 =	vadd.s32 v26, v22  }
0x21e: {  	v59 =	vld.idx.msk [tilespmem:v14+s8+$0x0], $0xffff;
	v22 =	vadd.s32 v27, v22  }
0x21f: {  	v22 =	vadd.s32 v23, v22;
	v23 =	vld.idx.msk [tilespmem:v15+s8+$0x0], $0xffff  }
0x220: {  	v60 =	vld.idx.msk [tilespmem:v16+s8+$0x0], $0xffff;
	v22 =	vadd.s32 v56, v22  }
0x221: {  	v61 =	vld.idx.msk [tilespmem:v17+s8+$0x0], $0xffff;
	v22 =	vadd.s32 v57, v22  }
0x222: {  	v62 =	vld.idx.msk [tilespmem:v18+s8+$0x0], $0xffff;
	v22 =	vadd.s32 v58, v22  }
0x223: {  	v63 =	vld.idx.msk [tilespmem:v19+s8+$0x0], $0xffff;
	v22 =	vadd.s32 v59, v22  }
0x224: {  	v22 =	vadd.s32 v23, v22  }
0x225: {  	v22 =	vadd.s32 v60, v22  }
0x226: {  	v22 =	vadd.s32 v61, v22  }
0x227: {  	v22 =	vadd.s32 v62, v22  }
0x228: {  	v22 =	vadd.s32 v63, v22  }
0x229: {  	v22 =	vperm.xlane v22, v4;
	_ =	sdelay $0x1  }
0x22a: {  	(xrf0) =	vadd.scan.msk.s32 $0xffff, v22;
	_ =	sdelay $0x5  }
0x22b: {  	s14 =	ssub.s32 s16, s14;
	v23, _, _ =	vpop (xrf0)  }
0x22c: {  	vm0 =	vge.s32 v23, s14  }
0x22d: {  	v23 =	vsel vm0, $0x1, v2  }
0x22e: {  	(xrf0) =	vadd.scan.msk.s32 $0xffff, v23  }
0x22f: {  	v22 =	vsel vm0, $0x0, v22  }
0x230: {  	(xrf0) =	vadd.scan.msk.s32 $0xffff, v22;
	_ =	sdelay $0x3  }
0x231: {  	v22, _, _ =	vpop (xrf0)  }
0x232: {  	(v2sf) =	vpush v22, $0xF  }
0x233: {  	v22, _, _ =	vpop (xrf0)  }
0x234: {  	[tilespmem:$0x4000] =	vst v2;
	(v2sf) =	vpush v22, $0xF  }
0x235: {  	[tilespmem:$0x4010] =	vst v2  }
0x236: {  	[tilespmem:$0x4020] =	vst v2  }
0x237: {  	[tilespmem:$0x4030] =	vst v2  }
0x238: {  	[tilespmem:$0x4040] =	vst v2  }
0x239: {  	[tilespmem:$0x4050] =	vst v2  }
0x23a: {  	[tilespmem:$0x4060] =	vst v2  }
0x23b: {  	[tilespmem:$0x4070] =	vst v2  }
0x23c: {  	[tilespmem:$0x4080] =	vst v2  }
0x23d: {  	[tilespmem:$0x4090] =	vst v2  }
0x23e: {  	[tilespmem:$0x40A0] =	vst v2  }
.Ltmp10:
0x23f: {  	[tilespmem:$0x40B0] =	vst v2;
	(pc) =	sbr.rel @p0 .LBB2_24-.Ltmp10, $4  }
0x240: {  	[tilespmem:$0x40C0] =	vst v2  }
0x241: {  	[tilespmem:$0x40D0] =	vst v2;
	s31 =	spop (v2sf)  }
0x242: {  	s18 =	sshll.u32 s17, $0x4;
	[tilespmem:$0x40E0] =	vst v2;
	s16 =	sadd.s32 $0xFFFFFFFF, s31  }
0x243: {  	[tilespmem:$0x40F0] =	vst v2;
	s17 =	spop (v2sf);
	s16 =	sor.u32 s18, s16  }
0x244: {  	s18 =	simm.s32 $0x2000  }
0x245: {  	v23 =	vld [tilespmem:s18+$0x0];
	_ =	sdelay $0x2  }
0x246: {  	p1 =	sne.s32 s15, $0x1  }
.Ltmp11:
0x247: {  	s19 =	simm.s32 $0x0;
	(pc) =	sbr.rel @!p1 .LBB2_23-.Ltmp11, $4  }
0x248: {  	v22 =	vmov s16;
	v25 =	vmov s19;
	v24 =	vshrl.u32 v23, $0xC  }
0x249: {  	vm1 =	vlt.s32 v25, v21;
	v23 =	vshrl.u32 v23, $0x4;
	vm0 =	veq.s32 v24, v22  }
0x24a: {  	v23 =	vand.u32 $0xF0, v23;
	vm0 =	vmand vm1, vm0  }
0x24b: {  	s19 =	simm.s32 $0x1;
	v23 =	vor.u32 v0, v23  }
.LBB2_22:
0x24c: {  	_ =	sdelay $0x3  }
0x24d: {  	[tilespmem:v23+s8+$0x0] =	vst.idx.add.s32.msk vm0, v3;
	s18 =	sadd.s32 $0x10, s18;
	s20 =	smov.u32 s19;
	s19 =	sadd.s32 $0x1, s19  }
0x24e: {  	v23 =	vld [tilespmem:s18+$0x0];
	p1 =	sne.s32 s15, s19;
	_ =	sdelay $0x3  }
.Ltmp12:
0x24f: {  	(pc) =	sbr.rel @p1 .LBB2_22-.Ltmp12, $4  }
0x250: {  	v25 =	vmov s20;
	v24 =	vshrl.u32 v23, $0xC;
	v23 =	vshrl.u32 v23, $0x4  }
0x251: {  	vm1 =	vlt.s32 v25, v21;
	vm0 =	veq.s32 v24, v22;
	v23 =	vand.u32 $0xF0, v23  }
0x252: {  	vm0 =	vmand vm1, vm0  }
0x253: {  	v23 =	vor.u32 v0, v23  }
.LBB2_23:
0x254: {  	_ =	sdelay $0x4  }
0x255: {  	[tilespmem:v23+s8+$0x0] =	vst.idx.add.s32.msk vm0, v3  }
.LBB2_24:
0x256: {  	_ =	sdelay $0x3  }
0x257: {  	v22 =	vld.idx.msk [tilespmem:v1+s8+$0x0], $0xffff  }
0x258: {  	v23 =	vld.idx.msk [tilespmem:v5+s8+$0x0], $0xffff  }
0x259: {  	v24 =	vld.idx.msk [tilespmem:v6+s8+$0x0], $0xffff  }
0x25a: {  	v25 =	vld.idx.msk [tilespmem:v7+s8+$0x0], $0xffff  }
0x25b: {  	v26 =	vld.idx.msk [tilespmem:v8+s8+$0x0], $0xffff  }
0x25c: {  	v27 =	vld.idx.msk [tilespmem:v9+s8+$0x0], $0xffff  }
0x25d: {  	v22 =	vadd.s32 v22, v23;
	v23 =	vld.idx.msk [tilespmem:v10+s8+$0x0], $0xffff  }
0x25e: {  	v56 =	vld.idx.msk [tilespmem:v11+s8+$0x0], $0xffff;
	v22 =	vadd.s32 v24, v22  }
0x25f: {  	v57 =	vld.idx.msk [tilespmem:v12+s8+$0x0], $0xffff;
	v22 =	vadd.s32 v25, v22  }
0x260: {  	v58 =	vld.idx.msk [tilespmem:v13+s8+$0x0], $0xffff;
	v22 =	vadd.s32 v26, v22  }
0x261: {  	v59 =	vld.idx.msk [tilespmem:v14+s8+$0x0], $0xffff;
	v22 =	vadd.s32 v27, v22  }
0x262: {  	v22 =	vadd.s32 v23, v22;
	v23 =	vld.idx.msk [tilespmem:v15+s8+$0x0], $0xffff  }
0x263: {  	v60 =	vld.idx.msk [tilespmem:v16+s8+$0x0], $0xffff;
	v22 =	vadd.s32 v56, v22  }
0x264: {  	v61 =	vld.idx.msk [tilespmem:v17+s8+$0x0], $0xffff;
	v22 =	vadd.s32 v57, v22  }
0x265: {  	v62 =	vld.idx.msk [tilespmem:v18+s8+$0x0], $0xffff;
	v22 =	vadd.s32 v58, v22  }
0x266: {  	v63 =	vld.idx.msk [tilespmem:v19+s8+$0x0], $0xffff;
	v22 =	vadd.s32 v59, v22  }
0x267: {  	v22 =	vadd.s32 v23, v22  }
0x268: {  	v22 =	vadd.s32 v60, v22  }
0x269: {  	v22 =	vadd.s32 v61, v22  }
0x26a: {  	v22 =	vadd.s32 v62, v22  }
0x26b: {  	v22 =	vadd.s32 v63, v22  }
0x26c: {  	v22 =	vperm.xlane v22, v4;
	_ =	sdelay $0x1  }
0x26d: {  	(xrf0) =	vadd.scan.msk.s32 $0xffff, v22;
	_ =	sdelay $0x5  }
0x26e: {  	s14 =	ssub.s32 s14, s17;
	v23, _, _ =	vpop (xrf0)  }
0x26f: {  	vm0 =	vge.s32 v23, s14  }
0x270: {  	v23 =	vsel vm0, $0x1, v2  }
0x271: {  	(xrf0) =	vadd.scan.msk.s32 $0xffff, v23  }
0x272: {  	v22 =	vsel vm0, $0x0, v22  }
0x273: {  	(xrf0) =	vadd.scan.msk.s32 $0xffff, v22;
	_ =	sdelay $0x3  }
0x274: {  	v22, _, _ =	vpop (xrf0)  }
0x275: {  	(v2sf) =	vpush v22, $0xF  }
0x276: {  	v22, _, _ =	vpop (xrf0)  }
0x277: {  	[tilespmem:$0x4000] =	vst v2;
	(v2sf) =	vpush v22, $0xF  }
0x278: {  	[tilespmem:$0x4010] =	vst v2  }
0x279: {  	[tilespmem:$0x4020] =	vst v2  }
0x27a: {  	[tilespmem:$0x4030] =	vst v2  }
0x27b: {  	[tilespmem:$0x4040] =	vst v2  }
0x27c: {  	[tilespmem:$0x4050] =	vst v2  }
0x27d: {  	[tilespmem:$0x4060] =	vst v2  }
0x27e: {  	[tilespmem:$0x4070] =	vst v2  }
0x27f: {  	[tilespmem:$0x4080] =	vst v2  }
0x280: {  	[tilespmem:$0x4090] =	vst v2  }
0x281: {  	[tilespmem:$0x40A0] =	vst v2  }
.Ltmp13:
0x282: {  	[tilespmem:$0x40B0] =	vst v2;
	(pc) =	sbr.rel @p0 .LBB2_28-.Ltmp13, $4  }
0x283: {  	[tilespmem:$0x40C0] =	vst v2  }
0x284: {  	[tilespmem:$0x40D0] =	vst v2;
	s31 =	spop (v2sf)  }
0x285: {  	s16 =	sshll.u32 s16, $0x4;
	[tilespmem:$0x40E0] =	vst v2;
	s18 =	sadd.s32 $0xFFFFFFFF, s31  }
0x286: {  	[tilespmem:$0x40F0] =	vst v2;
	s17 =	spop (v2sf);
	s16 =	sor.u32 s16, s18  }
0x287: {  	s18 =	simm.s32 $0x2000  }
0x288: {  	v23 =	vld [tilespmem:s18+$0x0];
	_ =	sdelay $0x2  }
0x289: {  	p1 =	sne.s32 s15, $0x1  }
.Ltmp14:
0x28a: {  	s19 =	simm.s32 $0x0;
	(pc) =	sbr.rel @!p1 .LBB2_27-.Ltmp14, $4  }
0x28b: {  	v22 =	vmov s16;
	v25 =	vmov s19;
	v24 =	vshrl.u32 v23, $0x8  }
0x28c: {  	vm1 =	vlt.s32 v25, v21;
	vm0 =	veq.s32 v24, v22  }
0x28d: {  	v23 =	vand.u32 $0xF0, v23;
	vm0 =	vmand vm1, vm0  }
0x28e: {  	s19 =	simm.s32 $0x1;
	v23 =	vor.u32 v0, v23  }
.LBB2_26:
0x28f: {  	_ =	sdelay $0x3  }
0x290: {  	[tilespmem:v23+s8+$0x0] =	vst.idx.add.s32.msk vm0, v3;
	s18 =	sadd.s32 $0x10, s18;
	s20 =	smov.u32 s19;
	s19 =	sadd.s32 $0x1, s19  }
0x291: {  	v23 =	vld [tilespmem:s18+$0x0];
	p1 =	sne.s32 s15, s19;
	_ =	sdelay $0x3  }
.Ltmp15:
0x292: {  	(pc) =	sbr.rel @p1 .LBB2_26-.Ltmp15, $4  }
0x293: {  	v25 =	vmov s20;
	v24 =	vshrl.u32 v23, $0x8;
	v23 =	vand.u32 $0xF0, v23  }
0x294: {  	vm1 =	vlt.s32 v25, v21;
	vm0 =	veq.s32 v24, v22  }
0x295: {  	vm0 =	vmand vm1, vm0  }
0x296: {  	v23 =	vor.u32 v0, v23  }
.LBB2_27:
0x297: {  	_ =	sdelay $0x4  }
0x298: {  	[tilespmem:v23+s8+$0x0] =	vst.idx.add.s32.msk vm0, v3  }
.LBB2_28:
0x299: {  	_ =	sdelay $0x3  }
0x29a: {  	v22 =	vld.idx.msk [tilespmem:v1+s8+$0x0], $0xffff  }
0x29b: {  	v23 =	vld.idx.msk [tilespmem:v5+s8+$0x0], $0xffff  }
0x29c: {  	v24 =	vld.idx.msk [tilespmem:v6+s8+$0x0], $0xffff  }
0x29d: {  	v25 =	vld.idx.msk [tilespmem:v7+s8+$0x0], $0xffff  }
0x29e: {  	v26 =	vld.idx.msk [tilespmem:v8+s8+$0x0], $0xffff  }
0x29f: {  	v27 =	vld.idx.msk [tilespmem:v9+s8+$0x0], $0xffff  }
0x2a0: {  	v22 =	vadd.s32 v22, v23;
	v23 =	vld.idx.msk [tilespmem:v10+s8+$0x0], $0xffff  }
0x2a1: {  	v56 =	vld.idx.msk [tilespmem:v11+s8+$0x0], $0xffff;
	v22 =	vadd.s32 v24, v22  }
0x2a2: {  	v57 =	vld.idx.msk [tilespmem:v12+s8+$0x0], $0xffff;
	v22 =	vadd.s32 v25, v22  }
0x2a3: {  	v58 =	vld.idx.msk [tilespmem:v13+s8+$0x0], $0xffff;
	v22 =	vadd.s32 v26, v22  }
0x2a4: {  	v59 =	vld.idx.msk [tilespmem:v14+s8+$0x0], $0xffff;
	v22 =	vadd.s32 v27, v22  }
0x2a5: {  	v22 =	vadd.s32 v23, v22;
	v23 =	vld.idx.msk [tilespmem:v15+s8+$0x0], $0xffff  }
0x2a6: {  	v60 =	vld.idx.msk [tilespmem:v16+s8+$0x0], $0xffff;
	v22 =	vadd.s32 v56, v22  }
0x2a7: {  	v61 =	vld.idx.msk [tilespmem:v17+s8+$0x0], $0xffff;
	v22 =	vadd.s32 v57, v22  }
0x2a8: {  	v62 =	vld.idx.msk [tilespmem:v18+s8+$0x0], $0xffff;
	v22 =	vadd.s32 v58, v22  }
0x2a9: {  	v63 =	vld.idx.msk [tilespmem:v19+s8+$0x0], $0xffff;
	v22 =	vadd.s32 v59, v22  }
0x2aa: {  	v22 =	vadd.s32 v23, v22  }
0x2ab: {  	v22 =	vadd.s32 v60, v22  }
0x2ac: {  	v22 =	vadd.s32 v61, v22  }
0x2ad: {  	v22 =	vadd.s32 v62, v22  }
0x2ae: {  	v22 =	vadd.s32 v63, v22  }
0x2af: {  	v22 =	vperm.xlane v22, v4;
	_ =	sdelay $0x1  }
0x2b0: {  	(xrf0) =	vadd.scan.msk.s32 $0xffff, v22;
	_ =	sdelay $0x5  }
0x2b1: {  	s14 =	ssub.s32 s14, s17;
	v23, _, _ =	vpop (xrf0)  }
0x2b2: {  	vm0 =	vge.s32 v23, s14  }
0x2b3: {  	v23 =	vsel vm0, $0x1, v2  }
0x2b4: {  	(xrf0) =	vadd.scan.msk.s32 $0xffff, v23  }
0x2b5: {  	v22 =	vsel vm0, $0x0, v22  }
0x2b6: {  	(xrf0) =	vadd.scan.msk.s32 $0xffff, v22;
	_ =	sdelay $0x3  }
0x2b7: {  	v22, _, _ =	vpop (xrf0)  }
0x2b8: {  	(v2sf) =	vpush v22, $0xF  }
0x2b9: {  	v22, _, _ =	vpop (xrf0)  }
0x2ba: {  	[tilespmem:$0x4000] =	vst v2;
	(v2sf) =	vpush v22, $0xF  }
0x2bb: {  	[tilespmem:$0x4010] =	vst v2  }
0x2bc: {  	[tilespmem:$0x4020] =	vst v2  }
0x2bd: {  	[tilespmem:$0x4030] =	vst v2  }
0x2be: {  	[tilespmem:$0x4040] =	vst v2  }
0x2bf: {  	[tilespmem:$0x4050] =	vst v2  }
0x2c0: {  	[tilespmem:$0x4060] =	vst v2  }
0x2c1: {  	[tilespmem:$0x4070] =	vst v2  }
0x2c2: {  	[tilespmem:$0x4080] =	vst v2  }
0x2c3: {  	[tilespmem:$0x4090] =	vst v2  }
0x2c4: {  	[tilespmem:$0x40A0] =	vst v2  }
.Ltmp16:
0x2c5: {  	[tilespmem:$0x40B0] =	vst v2;
	(pc) =	sbr.rel @p0 .LBB2_32-.Ltmp16, $4  }
0x2c6: {  	[tilespmem:$0x40C0] =	vst v2  }
0x2c7: {  	[tilespmem:$0x40D0] =	vst v2;
	s31 =	spop (v2sf)  }
0x2c8: {  	s16 =	sshll.u32 s16, $0x4;
	[tilespmem:$0x40E0] =	vst v2;
	s18 =	sadd.s32 $0xFFFFFFFF, s31  }
0x2c9: {  	[tilespmem:$0x40F0] =	vst v2;
	s17 =	spop (v2sf);
	s16 =	sor.u32 s16, s18  }
0x2ca: {  	s18 =	simm.s32 $0x2000  }
0x2cb: {  	v23 =	vld [tilespmem:s18+$0x0];
	_ =	sdelay $0x2  }
0x2cc: {  	p0 =	sne.s32 s15, $0x1  }
.Ltmp17:
0x2cd: {  	s19 =	simm.s32 $0x0;
	(pc) =	sbr.rel @!p0 .LBB2_31-.Ltmp17, $4  }
0x2ce: {  	v22 =	vmov s16;
	v25 =	vmov s19;
	v24 =	vshrl.u32 v23, $0x4  }
0x2cf: {  	vm1 =	vlt.s32 v25, v21;
	v23 =	vshll.u32 v23, $0x4;
	vm0 =	veq.s32 v24, v22  }
0x2d0: {  	v23 =	vor.u32 v0, v23;
	vm0 =	vmand vm1, vm0  }
0x2d1: {  	s19 =	simm.s32 $0x1;
	v23 =	vand.u32 $0xFF, v23  }
.LBB2_30:
0x2d2: {  	_ =	sdelay $0x3  }
0x2d3: {  	[tilespmem:v23+s8+$0x0] =	vst.idx.add.s32.msk vm0, v3;
	s18 =	sadd.s32 $0x10, s18;
	s20 =	smov.u32 s19;
	s19 =	sadd.s32 $0x1, s19  }
0x2d4: {  	v23 =	vld [tilespmem:s18+$0x0];
	p0 =	sne.s32 s15, s19;
	_ =	sdelay $0x3  }
.Ltmp18:
0x2d5: {  	(pc) =	sbr.rel @p0 .LBB2_30-.Ltmp18, $4  }
0x2d6: {  	v25 =	vmov s20;
	v24 =	vshrl.u32 v23, $0x4;
	v23 =	vshll.u32 v23, $0x4  }
0x2d7: {  	vm1 =	vlt.s32 v25, v21;
	vm0 =	veq.s32 v24, v22;
	v23 =	vor.u32 v0, v23  }
0x2d8: {  	vm0 =	vmand vm1, vm0  }
0x2d9: {  	v23 =	vand.u32 $0xFF, v23  }
.LBB2_31:
0x2da: {  	_ =	sdelay $0x4  }
0x2db: {  	[tilespmem:v23+s8+$0x0] =	vst.idx.add.s32.msk vm0, v3  }
.LBB2_32:
0x2dc: {  	_ =	sdelay $0x3  }
0x2dd: {  	v21 =	vld.idx.msk [tilespmem:v1+s8+$0x0], $0xffff  }
0x2de: {  	v22 =	vld.idx.msk [tilespmem:v5+s8+$0x0], $0xffff  }
0x2df: {  	v23 =	vld.idx.msk [tilespmem:v6+s8+$0x0], $0xffff  }
0x2e0: {  	v24 =	vld.idx.msk [tilespmem:v7+s8+$0x0], $0xffff  }
0x2e1: {  	v25 =	vld.idx.msk [tilespmem:v8+s8+$0x0], $0xffff  }
0x2e2: {  	v26 =	vld.idx.msk [tilespmem:v9+s8+$0x0], $0xffff  }
0x2e3: {  	v21 =	vadd.s32 v21, v22;
	v22 =	vld.idx.msk [tilespmem:v10+s8+$0x0], $0xffff  }
0x2e4: {  	v21 =	vadd.s32 v23, v21;
	v23 =	vld.idx.msk [tilespmem:v11+s8+$0x0], $0xffff  }
0x2e5: {  	v21 =	vadd.s32 v24, v21;
	v24 =	vld.idx.msk [tilespmem:v12+s8+$0x0], $0xffff  }
0x2e6: {  	v21 =	vadd.s32 v25, v21;
	v25 =	vld.idx.msk [tilespmem:v13+s8+$0x0], $0xffff  }
0x2e7: {  	v21 =	vadd.s32 v26, v21;
	v26 =	vld.idx.msk [tilespmem:v14+s8+$0x0], $0xffff  }
0x2e8: {  	v21 =	vadd.s32 v22, v21;
	v22 =	vld.idx.msk [tilespmem:v15+s8+$0x0], $0xffff  }
0x2e9: {  	v21 =	vadd.s32 v23, v21;
	v23 =	vld.idx.msk [tilespmem:v16+s8+$0x0], $0xffff  }
0x2ea: {  	v21 =	vadd.s32 v24, v21;
	v24 =	vld.idx.msk [tilespmem:v17+s8+$0x0], $0xffff  }
0x2eb: {  	v21 =	vadd.s32 v25, v21;
	v25 =	vld.idx.msk [tilespmem:v18+s8+$0x0], $0xffff  }
0x2ec: {  	v21 =	vadd.s32 v26, v21;
	v26 =	vld.idx.msk [tilespmem:v19+s8+$0x0], $0xffff  }
0x2ed: {  	v21 =	vadd.s32 v22, v21  }
0x2ee: {  	v21 =	vadd.s32 v23, v21  }
0x2ef: {  	v21 =	vadd.s32 v24, v21  }
0x2f0: {  	v21 =	vadd.s32 v25, v21  }
0x2f1: {  	v21 =	vadd.s32 v26, v21  }
0x2f2: {  	v21 =	vperm.xlane v21, v4;
	_ =	sdelay $0x1  }
0x2f3: {  	(xrf0) =	vadd.scan.msk.s32 $0xffff, v21;
	_ =	sdelay $0x5  }
0x2f4: {  	s14 =	ssub.s32 s14, s17;
	v21, _, _ =	vpop (xrf0)  }
0x2f5: {  	vm0 =	vge.s32 v21, s14  }
0x2f6: {  	v21 =	vsel vm0, $0x1, v2  }
0x2f7: {  	(xrf0) =	vadd.scan.msk.s32 $0xffff, v21;
	_ =	sdelay $0x5  }
0x2f8: {  	v21, _, _ =	vpop (xrf0)  }
0x2f9: {  	(v2sf) =	vpush v21, $0xF  }
0x2fa: {  	[tilespmem:$0x4000] =	vst v2  }
0x2fb: {  	[tilespmem:$0x4010] =	vst v2  }
0x2fc: {  	[tilespmem:$0x4020] =	vst v2  }
0x2fd: {  	[tilespmem:$0x4030] =	vst v2  }
0x2fe: {  	[tilespmem:$0x4040] =	vst v2  }
0x2ff: {  	[tilespmem:$0x4050] =	vst v2  }
0x300: {  	[tilespmem:$0x4060] =	vst v2  }
0x301: {  	[tilespmem:$0x4070] =	vst v2  }
0x302: {  	[tilespmem:$0x4080] =	vst v2  }
0x303: {  	[tilespmem:$0x4090] =	vst v2  }
0x304: {  	[tilespmem:$0x40A0] =	vst v2  }
0x305: {  	[tilespmem:$0x40B0] =	vst v2  }
0x306: {  	[tilespmem:$0x40C0] =	vst v2  }
0x307: {  	[tilespmem:$0x40D0] =	vst v2  }
0x308: {  	[tilespmem:$0x40E0] =	vst v2;
	s30 =	spop (v2sf)  }
0x309: {  	s15 =	sshll.u32 s16, $0x4;
	[tilespmem:$0x40F0] =	vst v2;
	s14 =	simm.s32 $0x0;
	s31 =	sadd.s32 $0xFFFFFFFF, s30  }
0x30a: {  	v22 =	vld [tilespmem:s14+$0x0];
	s15 =	sor.u32 s15, s31  }
0x30b: {  	v24 =	vld [tilespmem:s14+$0x10];
	s15 =	sxor.u32 $0x80000000, s15  }
0x30c: {  	v23 =	vld [tilespmem:s14+$0x20];
	v21 =	vmov s15;
	s15 =	simm.s32 $0x100  }
.LBB2_33:
0x30d: {  	p0 =	sne.s32 s15, $0x7F00;
	v25 =	vld [tilespmem:s14+$0x30];
	_ =	sdelay $0x1  }
0x30e: {  	v22 =	vxor.u32 $0x80000000, v22  }
0x30f: {  	vm0 =	vlt.s32 v22, v21;
	v22 =	vxor.u32 $0x80000000, v24  }
.Ltmp19:
0x310: {  	v24 =	vsel vm0, $0x0, v20;
	vm0 =	vlt.s32 v22, v21;
	v22 =	vxor.u32 $0x80000000, v23;
	(pc) =	sbr.rel @p0 .LBB2_33-.Ltmp19, $4  }
0x311: {  	s16 =	sshra.s32 s15, $0x2;
	[tilespmem:s14+$0x0] =	vst v24;
	v23 =	vsel vm0, $0x0, v20;
	vm0 =	vlt.s32 v22, v21;
	v24 =	vxor.u32 $0x80000000, v25  }
0x312: {  	v22 =	vld [tilespmem:s16+$0x0];
	[tilespmem:s14+$0x10] =	vst v23;
	v23 =	vsel vm0, $0x0, v20;
	vm0 =	vlt.s32 v24, v21  }
0x313: {  	v24 =	vld [tilespmem:s16+$0x10];
	[tilespmem:s14+$0x20] =	vst v23;
	v25 =	vsel vm0, $0x0, v20  }
0x314: {  	s15 =	sadd.s32 $0x100, s15;
	v23 =	vld [tilespmem:s16+$0x20];
	[tilespmem:s14+$0x30] =	vst v25;
	s14 =	smov.u32 s16  }
0x315: {  	v25 =	vld [tilespmem:s14+$0x30];
	_ =	sdelay $0x1  }
0x316: {  	v22 =	vxor.u32 $0x80000000, v22  }
0x317: {  	vm0 =	vlt.s32 v22, v21;
	v22 =	vxor.u32 $0x80000000, v24  }
0x318: {  	v63 =	vsel vm0, $0x0, v20;
	vm13 =	vlt.s32 v22, v21;
	v22 =	vxor.u32 $0x80000000, v23  }
0x319: {  	[tilespmem:s14+$0x0] =	vst v63;
	v23 =	vsel vm13, $0x0, v20;
	vm14 =	vlt.s32 v22, v21;
	v22 =	vxor.u32 $0x80000000, v25  }
0x31a: {  	s12 =	sadd.s32 $0x1, s12;
	[tilespmem:s14+$0x10] =	vst v23;
	v23 =	vsel vm14, $0x0, v20;
	vm15 =	vlt.s32 v22, v21  }
0x31b: {  	p0 =	sne.s32 s12, $0x4;
	[tilespmem:s14+$0x20] =	vst v23;
	v21 =	vsel vm15, $0x0, v20  }
.Ltmp20:
0x31c: {  	s13 =	sadd.s32 s4, s13;
	[tilespmem:s14+$0x30] =	vst v21;
	(pc) =	sbr.rel @p0 .LBB2_4-.Ltmp20, $4  }
0x31d: {  	[hbm4b:s13+s2] =	stream.linear.scatter [tilespmem:s2], [sflag:$0x1], $0x2000, $0x38;
	[tilespmem:$0x5100] =	vst v63  }
0x31e: {  	_ =	swait.ge [sflag:s7], $0x2000  }
0x31f: {  	[sflag:s7] =	ssyncset.done $0x0  }
0x320: {  	[sflag:s7] =	ssyncadd.s32 $0xFFFFE000  }
0x321: {  	s10 =	sadd.s32 $0x1, s10  }
0x322: {  	p0 =	sne.s32 s10, s6  }
.Ltmp21:
0x323: {  	_ = 	snop;
	(pc) =	sbr.rel @p0 .LBB2_1-.Ltmp21, $1  }
0x324: {  	_ =	sdelay $0x3  }
0x325: {  	_ =	sfence.sel $0x180000  }
0x326: {  	[bflag:$0x0] =	sbarrier.arrive $0xFFFF  }
0x327: {  	p0 =	sne.s32 s3, $0x0;
	_ =	strace $0x90000047  }
0x328: {  	s0 =	sadd.s32 @!p0 $0x100000, s0;
	[bflag:$0x2] =	sbarrier.arrive $0xFFFF  }
0x329: {  	[sflag:s0] =	ssyncadd.tile.s32 @!p0 $0x1;
	_ =	shalt  }
.Lfunc_end2:
_tile_overlayer_lowered:
.L_overlay_start_2:
0x32a: {  	(tag) =	ssettag $0x2  }
0x32b: {  	s0 =	rddreg [dreg:$0x0];
	s2 =	stileid.u32  }
0x32c: {  	s1 =	rddreg [dreg:$0x1];
	p0 =	sne.s32 s2, $0x0  }
0x32d: {  	s3 =	rddreg [dreg:$0x2];
	[bflag:$0x3] =	sbarrier.arrive $0xFFFF;
	s2 =	simm.s32 @!p0 $0x1C01  }
0x32e: {  	[timem:s3], [sflag:s2] =	dma.local @!p0 [hbm:s0], s1  }
0x32f: {  	s0 =	simm.s32 @!p0 $0x1  }
0x330: {  	_ =	swait.ge @!p0 [sflag:s0], s1  }
0x331: {  	s1 =	ssub.s32 @!p0 $0x0, s1;
	[sflag:s0] =	ssyncset.done @!p0 $0x0  }
0x332: {  	[sflag:s0] =	ssyncadd.s32 @!p0 s1  }
0x333: {  	[bflag:$0x3] =	sbarrier.arrive $0xFFFF  }
0x334: {  	_ =	shalt  }

</sc_bundles>
